<compile_context>
chip_gen: v7x
topology: tpu7x:2x2x1
jax: 0.10.2.dev20260603
libtpu: 0.0.44.dev20260713+nightly
codegen_flags: <defaults>
</compile_context>

<pallas_src>
import functools

import jax
import jax.numpy as jnp
from jax import lax
from jax.experimental import pallas as pl
from jax.experimental.pallas import tpu as pltpu
from jax.experimental.pallas import tpu_sc as plsc

D_MODEL = 768
NUM_TILES = 8
D_FF = 3072
TILE_FF = D_FF // NUM_TILES
TILE_OUT = D_MODEL // NUM_TILES

BLK = 512
NW = 32
CHUNK = 64


def _sig_kernel(up_ref, sig_ref):
    w = up_ref[...]
    s = w.reshape(NUM_TILES, TILE_FF, D_MODEL).sum(axis=1)
    sig_ref[...] = jnp.sign(s)


def _route_kernel(x_ref, sig_ref, gate_ref, cnt_ref):
    x = x_ref[...]
    scores = lax.dot_general(
        x, sig_ref[...], (((1,), (1,)), ((), ())),
        preferred_element_type=jnp.float32)
    m = jnp.max(scores, axis=-1, keepdims=True)
    eq = (scores == m)
    idx = lax.broadcasted_iota(jnp.int32, scores.shape, 1)
    winner = jnp.min(jnp.where(eq, idx, NUM_TILES), axis=-1, keepdims=True)
    gate = (idx == winner).astype(jnp.float32)
    gate_ref[...] = gate
    cnt_ref[...] = jnp.sum(gate, axis=0).reshape(1, 1, NUM_TILES).astype(jnp.int32)


def _dest_kernel(gate_ref, cnt_ref, ltri_ref, dest_ref, offs_ref):
    i = pl.program_id(0)
    counts = cnt_ref[...].reshape(-1, NUM_TILES).astype(jnp.float32)
    nb = counts.shape[0]
    blk_i = lax.broadcasted_iota(jnp.int32, (nb, NUM_TILES), 0)
    bb = jnp.sum(counts * (blk_i < i).astype(jnp.float32), axis=0,
                 keepdims=True)
    totals = jnp.sum(counts, axis=0, keepdims=True)
    lane8 = lax.broadcasted_iota(jnp.int32, (1, NUM_TILES), 1)
    i16 = lax.broadcasted_iota(jnp.int32, (1, 16), 1)
    offs16 = jnp.zeros((1, 16), jnp.float32)
    for u in range(NUM_TILES):
        tu = jnp.sum(jnp.where(lane8 == u, totals, 0.0), axis=1,
                     keepdims=True)
        offs16 = offs16 + jnp.where(i16 > u, tu, 0.0)
    offs_ref[...] = offs16.astype(jnp.int32)
    toff = offs16[:, :NUM_TILES]

    gate = gate_ref[...]
    prior = lax.dot_general(ltri_ref[...], gate, (((1,), (0,)), ((), ())),
                            preferred_element_type=jnp.float32)
    rank = jnp.sum(prior * gate, axis=1)
    base = jnp.sum(gate * (toff + bb), axis=1)
    dest_ref[...] = (base + rank).astype(jnp.int32).reshape(1, 1, BLK)


def _ffn_kernel(offs_ref, xs_ref, up_ref, diag_ref, upb_ref, downb_ref,
                oss_ref, acc_ref):
    b = pl.program_id(0)
    row0 = b * BLK
    tmin = 0
    tlast = 0
    for t in range(1, NUM_TILES):
        tmin += (offs_ref[t] <= row0).astype(jnp.int32)
        tlast += (offs_ref[t] <= row0 + BLK - 1).astype(jnp.int32)
    xs = xs_ref[...]
    acc_ref[...] = jnp.zeros((BLK, TILE_OUT), jnp.float32)
    r = row0 + lax.broadcasted_iota(jnp.int32, (BLK, 1), 0)

    def body(t, carry):
        t_ff = pl.multiple_of(t * TILE_FF, 128)
        w = up_ref[pl.ds(t_ff, TILE_FF), :]
        ub = upb_ref[pl.ds(t, 1), :]
        ht = lax.dot_general(xs, w, (((1,), (1,)), ((), ())),
                             preferred_element_type=jnp.float32)
        ht = jnp.maximum(ht + ub, 0.0)
        dg = diag_ref[pl.ds(t, 1)][0]
        ot = lax.dot_general(ht, dg, (((1,), (1,)), ((), ())),
                             preferred_element_type=jnp.float32)
        ot = ot + downb_ref[pl.ds(t, 1), :]
        mask = ((r >= offs_ref[t]) & (r < offs_ref[t + 1])).astype(jnp.float32)
        acc_ref[...] += ot * mask
        return carry

    lax.fori_loop(tmin, tlast + 1, body, 0)

    t_row = jnp.zeros((BLK, 1), jnp.int32)
    for t in range(1, NUM_TILES):
        t_row = t_row + (r >= offs_ref[t]).astype(jnp.int32)
    col_band = lax.broadcasted_iota(jnp.int32, (BLK, D_MODEL), 1) // TILE_OUT
    tiled = jnp.concatenate([acc_ref[...]] * NUM_TILES, axis=1)
    oss_ref[...] = tiled * (col_band == t_row).astype(jnp.float32)


def _make_permute(n):
    per_w = n // NW
    n_chunks = per_w // CHUNK
    mesh = plsc.VectorSubcoreMesh(core_axis_name="c", subcore_axis_name="s")

    @functools.partial(
        pl.kernel, mesh=mesh,
        out_type=jax.ShapeDtypeStruct((n, D_MODEL), jnp.float32),
        scratch_types=[
            pltpu.VMEM((2, CHUNK), jnp.int32),
            pltpu.VMEM((2, CHUNK, D_MODEL), jnp.float32),
            pltpu.SemaphoreType.DMA,
            pltpu.SemaphoreType.DMA,
        ],
    )
    def permute(x_hbm, dest_hbm, xs_hbm, idx_v, rows_v, sem0, sem1):
        wid = lax.axis_index("s") * 2 + lax.axis_index("c")
        base = wid * per_w
        sems = (sem0, sem1)

        def load(c, b):
            pltpu.sync_copy(dest_hbm.at[pl.ds(base + c * CHUNK, CHUNK)],
                            idx_v.at[b])
            pltpu.sync_copy(x_hbm.at[pl.ds(base + c * CHUNK, CHUNK)],
                            rows_v.at[b])

        for b in range(2):
            load(b, b)
            pltpu.async_copy(rows_v.at[b], xs_hbm.at[idx_v.at[b]], sems[b])

        def pair(g, carry):
            for b in range(2):
                c = 2 * g + b
                pltpu.make_async_copy(rows_v.at[b], xs_hbm.at[idx_v.at[b]],
                                      sems[b]).wait()
                load(c, b)
                pltpu.async_copy(rows_v.at[b], xs_hbm.at[idx_v.at[b]],
                                 sems[b])
            return carry

        lax.fori_loop(1, n_chunks // 2, pair, 0)
        for b in range(2):
            pltpu.make_async_copy(rows_v.at[b], xs_hbm.at[idx_v.at[b]],
                                  sems[b]).wait()

    return permute


def _make_unpermute(n):
    per_w = n // NW
    n_chunks = per_w // CHUNK
    mesh = plsc.VectorSubcoreMesh(core_axis_name="c", subcore_axis_name="s")

    @functools.partial(
        pl.kernel, mesh=mesh,
        out_type=jax.ShapeDtypeStruct((n, D_MODEL), jnp.float32),
        scratch_types=[
            pltpu.VMEM((2, CHUNK), jnp.int32),
            pltpu.VMEM((2, CHUNK, D_MODEL), jnp.float32),
            pltpu.SemaphoreType.DMA,
            pltpu.SemaphoreType.DMA,
            pltpu.SemaphoreType.DMA,
            pltpu.SemaphoreType.DMA,
        ],
    )
    def unpermute(oss_hbm, dest_hbm, out_hbm, idx_v, rows_v,
                  gs0, gs1, ws0, ws1):
        wid = lax.axis_index("s") * 2 + lax.axis_index("c")
        base = wid * per_w
        gsems = (gs0, gs1)
        wsems = (ws0, ws1)

        def gather(c, b):
            pltpu.sync_copy(dest_hbm.at[pl.ds(base + c * CHUNK, CHUNK)],
                            idx_v.at[b])
            pltpu.async_copy(oss_hbm.at[idx_v.at[b]], rows_v.at[b], gsems[b])

        for b in range(2):
            gather(b, b)

        def pair(g, carry):
            for b in range(2):
                c = 2 * g + b
                pltpu.make_async_copy(oss_hbm.at[idx_v.at[b]], rows_v.at[b],
                                      gsems[b]).wait()
                off = base + (c - 2) * CHUNK
                pltpu.async_copy(rows_v.at[b], out_hbm.at[pl.ds(off, CHUNK)],
                                 wsems[b])
                pltpu.make_async_copy(rows_v.at[b],
                                      out_hbm.at[pl.ds(off, CHUNK)],
                                      wsems[b]).wait()
                gather(c, b)
            return carry

        lax.fori_loop(1, n_chunks // 2, pair, 0)
        for b in range(2):
            pltpu.make_async_copy(oss_hbm.at[idx_v.at[b]], rows_v.at[b],
                                  gsems[b]).wait()
            off = base + (n_chunks - 2 + b) * CHUNK
            pltpu.sync_copy(rows_v.at[b], out_hbm.at[pl.ds(off, CHUNK)])

    return unpermute


def kernel(x, up_W, up_b, down_W, down_b):
    orig_shape = x.shape
    n = orig_shape[0] * orig_shape[1]
    nb = n // BLK
    xf = x.reshape(n, D_MODEL)

    sig = pl.pallas_call(
        _sig_kernel,
        out_shape=jax.ShapeDtypeStruct((NUM_TILES, D_MODEL), jnp.float32),
    )(up_W)

    gate, counts = pl.pallas_call(
        _route_kernel,
        grid=(nb,),
        in_specs=[
            pl.BlockSpec((BLK, D_MODEL), lambda i: (i, 0)),
            pl.BlockSpec((NUM_TILES, D_MODEL), lambda i: (0, 0)),
        ],
        out_specs=[
            pl.BlockSpec((BLK, NUM_TILES), lambda i: (i, 0)),
            pl.BlockSpec((1, 1, NUM_TILES), lambda i: (i, 0, 0)),
        ],
        out_shape=[
            jax.ShapeDtypeStruct((n, NUM_TILES), jnp.float32),
            jax.ShapeDtypeStruct((nb, 1, NUM_TILES), jnp.int32),
        ],
        compiler_params=pltpu.CompilerParams(
            dimension_semantics=("arbitrary",)),
    )(xf, sig)

    ltri = jnp.tril(jnp.ones((BLK, BLK), jnp.float32), -1)
    dest3, offs16 = pl.pallas_call(
        _dest_kernel,
        grid=(nb,),
        in_specs=[
            pl.BlockSpec((BLK, NUM_TILES), lambda i: (i, 0)),
            pl.BlockSpec((nb, 1, NUM_TILES), lambda i: (0, 0, 0)),
            pl.BlockSpec((BLK, BLK), lambda i: (0, 0)),
        ],
        out_specs=[
            pl.BlockSpec((1, 1, BLK), lambda i: (i, 0, 0)),
            pl.BlockSpec((1, 16), lambda i: (0, 0)),
        ],
        out_shape=[
            jax.ShapeDtypeStruct((nb, 1, BLK), jnp.int32),
            jax.ShapeDtypeStruct((1, 16), jnp.int32),
        ],
        compiler_params=pltpu.CompilerParams(
            dimension_semantics=("arbitrary",)),
    )(gate, counts, ltri)

    dest = dest3.reshape(n)

    xs = _make_permute(n)(xf, dest)

    diag = jnp.stack([
        lax.slice(down_W, (t * TILE_OUT, t * TILE_FF),
                  ((t + 1) * TILE_OUT, (t + 1) * TILE_FF))
        for t in range(NUM_TILES)
    ])

    oss = pl.pallas_call(
        _ffn_kernel,
        grid_spec=pltpu.PrefetchScalarGridSpec(
            num_scalar_prefetch=1,
            grid=(nb,),
            in_specs=[
                pl.BlockSpec((BLK, D_MODEL), lambda i, offs: (i, 0)),
                pl.BlockSpec((D_FF, D_MODEL), lambda i, offs: (0, 0)),
                pl.BlockSpec((NUM_TILES, TILE_OUT, TILE_FF),
                             lambda i, offs: (0, 0, 0)),
                pl.BlockSpec((NUM_TILES, TILE_FF), lambda i, offs: (0, 0)),
                pl.BlockSpec((NUM_TILES, TILE_OUT), lambda i, offs: (0, 0)),
            ],
            out_specs=pl.BlockSpec((BLK, D_MODEL), lambda i, offs: (i, 0)),
            scratch_shapes=[pltpu.VMEM((BLK, TILE_OUT), jnp.float32)],
        ),
        out_shape=jax.ShapeDtypeStruct((n, D_MODEL), jnp.float32),
        compiler_params=pltpu.CompilerParams(
            dimension_semantics=("arbitrary",)),
    )(offs16.reshape(16), xs, up_W, diag,
      up_b.reshape(NUM_TILES, TILE_FF), down_b.reshape(NUM_TILES, TILE_OUT))

    out = _make_unpermute(n)(oss, dest)

    return (out.reshape(orig_shape[0], orig_shape[1], D_MODEL),
            gate.reshape(orig_shape[0], orig_shape[1], NUM_TILES))

# --- scband reference (transcript-rebuilt; emitter-appended) ---
"""Pipeline reference for scband-emergent-gated-ffn-20547123544590 (READ-ONLY COPY).

The authoritative reference and input builder live on the scoring server;
editing this copy changes nothing except your own understanding.
"""

import jax, jax.numpy as jnp
import numpy as np

D_MODEL = 768
EXPANSION = 4
NUM_TILES = 8
D_FF = D_MODEL * EXPANSION
B = 4
S = 8192


def setup_inputs(seed: int = 0) -> dict:
    key = jax.random.key(seed)
    ks = jax.random.split(key, 4)
    x = jax.random.normal(ks[0], (B, S, D_MODEL), dtype=jnp.float32)
    up_W = jax.random.normal(ks[1], (D_FF, D_MODEL), dtype=jnp.float32) * (1.0 / np.sqrt(D_MODEL))
    up_b = jnp.zeros((D_FF,), dtype=jnp.float32)
    down_W = jax.random.normal(ks[2], (D_MODEL, D_FF), dtype=jnp.float32) * (1.0 / np.sqrt(D_FF))
    down_b = jnp.zeros((D_MODEL,), dtype=jnp.float32)
    return {"x": x, "up_W": up_W, "up_b": up_b, "down_W": down_W, "down_b": down_b}


def reference(x, up_W, up_b, down_W, down_b):
    orig_shape = x.shape
    xf = x.reshape(-1, D_MODEL)
    tile_ff = D_FF // NUM_TILES
    tile_out = D_MODEL // NUM_TILES
    # Emergent routing: tile signatures = sign(sum of up_proj rows per tile)
    sig = jnp.sign(up_W.reshape(NUM_TILES, tile_ff, D_MODEL).sum(axis=1))  # [T, d_model]
    scores = xf @ sig.T  # [N, T]
    winner = jnp.argmax(scores, axis=-1)  # [N]
    gate = jax.nn.one_hot(winner, NUM_TILES, dtype=xf.dtype)  # [N, T]
    # TriXLinear up: tiled linear along output dim, tile outputs masked by gate
    h = xf @ up_W.T + up_b  # [N, d_ff]
    mask_up = jnp.repeat(gate, tile_ff, axis=1)  # [N, d_ff]
    h = jax.nn.relu(h * mask_up)
    # dropout is identity in eval mode
    # TriXLinear down: tiled linear along output dim, tile outputs masked by gate
    o = h @ down_W.T + down_b  # [N, d_model]
    mask_down = jnp.repeat(gate, tile_out, axis=1)  # [N, d_model]
    o = o * mask_down
    out = o.reshape(orig_shape[0], orig_shape[1], D_MODEL)
    gate3 = gate.reshape(orig_shape[0], orig_shape[1], NUM_TILES)
    return (out, gate3)

if __name__ == "__main__":
    import jax
    _d = setup_inputs()
    print(jax.jit(kernel)(*tuple(_d.values())))

</pallas_src>

<mosaic_0001>
#map = affine_map<(d0, d1) -> (0, 0)>
#map1 = affine_map<(d0, d1) -> (0)>
module attributes {stable_mosaic.version = 14 : i64} {
  func.func @unpermute(%arg0: i32, %arg1: i32, %arg2: memref<32768x768xf32, #tpu.memory_space<hbm>>, %arg3: memref<32768xi32, #tpu.memory_space<hbm>>, %arg4: memref<32768x768xf32, #tpu.memory_space<hbm>>, %arg5: memref<2x64xi32, #tpu.memory_space<vmem>>, %arg6: memref<2x64x768xf32, #tpu.memory_space<vmem>>, %arg7: memref<!tpu.dma_semaphore, #tpu.memory_space<semaphore_mem>>, %arg8: memref<!tpu.dma_semaphore, #tpu.memory_space<semaphore_mem>>, %arg9: memref<!tpu.dma_semaphore, #tpu.memory_space<semaphore_mem>>, %arg10: memref<!tpu.dma_semaphore, #tpu.memory_space<semaphore_mem>>) attributes {dimension_semantics = [#tpu.dimension_semantics<core_parallel>, #tpu.dimension_semantics<subcore_parallel>], iteration_bounds = array<i64: 2, 16>, scalar_prefetch = 0 : i64, scratch_operands = 6 : i64, tpu.core_type = #tpu.core_type<sc_vector_subcore>, window_params = [{transform_indices = #map}, {transform_indices = #map1}, {transform_indices = #map}]} {
    %mul3A = arith.constant 2 : i32
    %mul3A_0 = arith.muli %arg1, %mul3A : i32
    %add3A = arith.addi %mul3A_0, %arg0 : i32
    %mul3A_1 = arith.constant 1024 : i32
    %mul3A_2 = arith.muli %add3A, %mul3A_1 : i32
    %add3A_3 = arith.constant 0 : i32
    %add3A_4 = arith.addi %mul3A_2, %add3A_3 : i32
    %run_scoped3A = arith.constant 0 : i32
    "tpu.region"() ({
      %run_scoped3A_65 = tpu.sem_alloc : memref<!tpu.dma_semaphore, #tpu.memory_space<semaphore_mem>>
      %dma_start3A_66 = arith.constant 0 : i32
      %dma_start3A_67 = tpu.memref_slice %arg5[%run_scoped3A, %dma_start3A_66] : memref<2x64xi32, #tpu.memory_space<vmem>> -> memref<1x64xi32, #tpu.memory_space<vmem>>
      %dma_start3A_68 = tpu.memref_squeeze %dma_start3A_67 : memref<1x64xi32, #tpu.memory_space<vmem>> -> memref<64xi32, #tpu.memory_space<vmem>>
      %dma_start3A_69 = tpu.memref_slice %arg3[%add3A_4] : memref<32768xi32, #tpu.memory_space<hbm>> -> memref<64xi32, #tpu.memory_space<hbm>>
      %dma_start3A_70 = arith.constant 0 : i32
      %dma_start3A_71 = tpu.memref_slice %arg5[%run_scoped3A, %dma_start3A_70] : memref<2x64xi32, #tpu.memory_space<vmem>> -> memref<1x64xi32, #tpu.memory_space<vmem>>
      %dma_start3A_72 = tpu.memref_squeeze %dma_start3A_71 : memref<1x64xi32, #tpu.memory_space<vmem>> -> memref<64xi32, #tpu.memory_space<vmem>>
      %dma_start3A_73 = tpu.memref_slice %arg3[%add3A_4] : memref<32768xi32, #tpu.memory_space<hbm>> -> memref<64xi32, #tpu.memory_space<hbm>>
      tpu.enqueue_dma source(%dma_start3A_73 : memref<64xi32, #tpu.memory_space<hbm>>) target(%dma_start3A_72 : memref<64xi32, #tpu.memory_space<vmem>>) target_semaphore(%run_scoped3A_65 : memref<!tpu.dma_semaphore, #tpu.memory_space<semaphore_mem>>)
      %dma_wait3A_74 = arith.constant 0 : i32
      %dma_wait3A_75 = tpu.memref_slice %arg5[%run_scoped3A, %dma_wait3A_74] : memref<2x64xi32, #tpu.memory_space<vmem>> -> memref<1x64xi32, #tpu.memory_space<vmem>>
      %dma_wait3A_76 = tpu.memref_squeeze %dma_wait3A_75 : memref<1x64xi32, #tpu.memory_space<vmem>> -> memref<64xi32, #tpu.memory_space<vmem>>
      %dma_wait3A_77 = tpu.memref_slice %arg3[%add3A_4] : memref<32768xi32, #tpu.memory_space<hbm>> -> memref<64xi32, #tpu.memory_space<hbm>>
      %dma_wait3A_78 = arith.constant 0 : i32
      %dma_wait3A_79 = tpu.memref_slice %arg5[%run_scoped3A, %dma_wait3A_78] : memref<2x64xi32, #tpu.memory_space<vmem>> -> memref<1x64xi32, #tpu.memory_space<vmem>>
      %dma_wait3A_80 = tpu.memref_squeeze %dma_wait3A_79 : memref<1x64xi32, #tpu.memory_space<vmem>> -> memref<64xi32, #tpu.memory_space<vmem>>
      %dma_wait3A_81 = tpu.memref_slice %arg3[%add3A_4] : memref<32768xi32, #tpu.memory_space<hbm>> -> memref<64xi32, #tpu.memory_space<hbm>>
      tpu.wait_dma2 semaphore(%run_scoped3A_65 : memref<!tpu.dma_semaphore, #tpu.memory_space<semaphore_mem>>) src(%dma_wait3A_81 : memref<64xi32, #tpu.memory_space<hbm>>) dst(%dma_wait3A_80 : memref<64xi32, #tpu.memory_space<vmem>>)
      tpu.yield
    }) : () -> ()
    %dma_start3A = arith.constant 0 : i32
    %dma_start3A_5 = arith.constant 0 : i32
    %dma_start3A_6 = arith.constant 0 : i32
    %dma_start3A_7 = arith.constant 0 : i32
    %dma_start3A_8 = tpu.memref_slice %arg6[%dma_start3A_5, %dma_start3A_6, %dma_start3A_7] : memref<2x64x768xf32, #tpu.memory_space<vmem>> -> memref<1x64x768xf32, #tpu.memory_space<vmem>>
    %dma_start3A_9 = tpu.memref_squeeze %dma_start3A_8 : memref<1x64x768xf32, #tpu.memory_space<vmem>> -> memref<64x768xf32, #tpu.memory_space<vmem>>
    %dma_start3A_10 = arith.constant 0 : i32
    %dma_start3A_11 = tpu.memref_slice %arg5[%dma_start3A, %dma_start3A_10] : memref<2x64xi32, #tpu.memory_space<vmem>> -> memref<1x64xi32, #tpu.memory_space<vmem>>
    %dma_start3A_12 = tpu.memref_squeeze %dma_start3A_11 : memref<1x64xi32, #tpu.memory_space<vmem>> -> memref<64xi32, #tpu.memory_space<vmem>>
    %dma_start3A_13 = arith.constant 0 : i32
    %dma_start3A_14 = arith.constant 0 : i32
    %dma_start3A_15 = tpu.memref_slice %arg2[%dma_start3A_13, %dma_start3A_14] : memref<32768x768xf32, #tpu.memory_space<hbm>> -> memref<32768x768xf32, #tpu.memory_space<hbm>>
    tpu.enqueue_indirect_dma source(%dma_start3A_15 : memref<32768x768xf32, #tpu.memory_space<hbm>>) target(%dma_start3A_9 : memref<64x768xf32, #tpu.memory_space<vmem>>) offsets(%dma_start3A_12 : memref<64xi32, #tpu.memory_space<vmem>>) semaphore(%arg7 : memref<!tpu.dma_semaphore, #tpu.memory_space<semaphore_mem>>)
    %add3A_16 = arith.constant 64 : i32
    %add3A_17 = arith.addi %mul3A_2, %add3A_16 : i32
    %run_scoped3A_18 = arith.constant 1 : i32
    "tpu.region"() ({
      %run_scoped3A_65 = tpu.sem_alloc : memref<!tpu.dma_semaphore, #tpu.memory_space<semaphore_mem>>
      %dma_start3A_66 = arith.constant 0 : i32
      %dma_start3A_67 = tpu.memref_slice %arg5[%run_scoped3A_18, %dma_start3A_66] : memref<2x64xi32, #tpu.memory_space<vmem>> -> memref<1x64xi32, #tpu.memory_space<vmem>>
      %dma_start3A_68 = tpu.memref_squeeze %dma_start3A_67 : memref<1x64xi32, #tpu.memory_space<vmem>> -> memref<64xi32, #tpu.memory_space<vmem>>
      %dma_start3A_69 = tpu.memref_slice %arg3[%add3A_17] : memref<32768xi32, #tpu.memory_space<hbm>> -> memref<64xi32, #tpu.memory_space<hbm>>
      %dma_start3A_70 = arith.constant 0 : i32
      %dma_start3A_71 = tpu.memref_slice %arg5[%run_scoped3A_18, %dma_start3A_70] : memref<2x64xi32, #tpu.memory_space<vmem>> -> memref<1x64xi32, #tpu.memory_space<vmem>>
      %dma_start3A_72 = tpu.memref_squeeze %dma_start3A_71 : memref<1x64xi32, #tpu.memory_space<vmem>> -> memref<64xi32, #tpu.memory_space<vmem>>
      %dma_start3A_73 = tpu.memref_slice %arg3[%add3A_17] : memref<32768xi32, #tpu.memory_space<hbm>> -> memref<64xi32, #tpu.memory_space<hbm>>
      tpu.enqueue_dma source(%dma_start3A_73 : memref<64xi32, #tpu.memory_space<hbm>>) target(%dma_start3A_72 : memref<64xi32, #tpu.memory_space<vmem>>) target_semaphore(%run_scoped3A_65 : memref<!tpu.dma_semaphore, #tpu.memory_space<semaphore_mem>>)
      %dma_wait3A_74 = arith.constant 0 : i32
      %dma_wait3A_75 = tpu.memref_slice %arg5[%run_scoped3A_18, %dma_wait3A_74] : memref<2x64xi32, #tpu.memory_space<vmem>> -> memref<1x64xi32, #tpu.memory_space<vmem>>
      %dma_wait3A_76 = tpu.memref_squeeze %dma_wait3A_75 : memref<1x64xi32, #tpu.memory_space<vmem>> -> memref<64xi32, #tpu.memory_space<vmem>>
      %dma_wait3A_77 = tpu.memref_slice %arg3[%add3A_17] : memref<32768xi32, #tpu.memory_space<hbm>> -> memref<64xi32, #tpu.memory_space<hbm>>
      %dma_wait3A_78 = arith.constant 0 : i32
      %dma_wait3A_79 = tpu.memref_slice %arg5[%run_scoped3A_18, %dma_wait3A_78] : memref<2x64xi32, #tpu.memory_space<vmem>> -> memref<1x64xi32, #tpu.memory_space<vmem>>
      %dma_wait3A_80 = tpu.memref_squeeze %dma_wait3A_79 : memref<1x64xi32, #tpu.memory_space<vmem>> -> memref<64xi32, #tpu.memory_space<vmem>>
      %dma_wait3A_81 = tpu.memref_slice %arg3[%add3A_17] : memref<32768xi32, #tpu.memory_space<hbm>> -> memref<64xi32, #tpu.memory_space<hbm>>
      tpu.wait_dma2 semaphore(%run_scoped3A_65 : memref<!tpu.dma_semaphore, #tpu.memory_space<semaphore_mem>>) src(%dma_wait3A_81 : memref<64xi32, #tpu.memory_space<hbm>>) dst(%dma_wait3A_80 : memref<64xi32, #tpu.memory_space<vmem>>)
      tpu.yield
    }) : () -> ()
    %dma_start3A_19 = arith.constant 1 : i32
    %dma_start3A_20 = arith.constant 1 : i32
    %dma_start3A_21 = arith.constant 0 : i32
    %dma_start3A_22 = arith.constant 0 : i32
    %dma_start3A_23 = tpu.memref_slice %arg6[%dma_start3A_20, %dma_start3A_21, %dma_start3A_22] : memref<2x64x768xf32, #tpu.memory_space<vmem>> -> memref<1x64x768xf32, #tpu.memory_space<vmem>>
    %dma_start3A_24 = tpu.memref_squeeze %dma_start3A_23 : memref<1x64x768xf32, #tpu.memory_space<vmem>> -> memref<64x768xf32, #tpu.memory_space<vmem>>
    %dma_start3A_25 = arith.constant 0 : i32
    %dma_start3A_26 = tpu.memref_slice %arg5[%dma_start3A_19, %dma_start3A_25] : memref<2x64xi32, #tpu.memory_space<vmem>> -> memref<1x64xi32, #tpu.memory_space<vmem>>
    %dma_start3A_27 = tpu.memref_squeeze %dma_start3A_26 : memref<1x64xi32, #tpu.memory_space<vmem>> -> memref<64xi32, #tpu.memory_space<vmem>>
    %dma_start3A_28 = arith.constant 0 : i32
    %dma_start3A_29 = arith.constant 0 : i32
    %dma_start3A_30 = tpu.memref_slice %arg2[%dma_start3A_28, %dma_start3A_29] : memref<32768x768xf32, #tpu.memory_space<hbm>> -> memref<32768x768xf32, #tpu.memory_space<hbm>>
    tpu.enqueue_indirect_dma source(%dma_start3A_30 : memref<32768x768xf32, #tpu.memory_space<hbm>>) target(%dma_start3A_24 : memref<64x768xf32, #tpu.memory_space<vmem>>) offsets(%dma_start3A_27 : memref<64xi32, #tpu.memory_space<vmem>>) semaphore(%arg8 : memref<!tpu.dma_semaphore, #tpu.memory_space<semaphore_mem>>)
    %scan3A = arith.constant 0 : i32
    %scan3A_31 = arith.constant 1 : i32
    %scan3A_32 = arith.constant 7 : i32
    %scan3A_33 = arith.addi %scan3A_31, %scan3A_32 : i32
    %scan3A_34 = arith.constant 1 : i32
    scf.for %scan3A_65 = %scan3A_31 to %scan3A_33 step %scan3A_34  : i32 {
      %mul3A_66 = arith.constant 2 : i32
      %mul3A_67 = arith.muli %mul3A_66, %scan3A_65 : i32
      %add3A_68 = arith.constant 0 : i32
      %add3A_69 = arith.addi %mul3A_67, %add3A_68 : i32
      %dma_wait3A_70 = arith.constant 0 : i32
      %dma_wait3A_71 = arith.constant 0 : i32
      %dma_wait3A_72 = arith.constant 0 : i32
      %dma_wait3A_73 = arith.constant 0 : i32
      %dma_wait3A_74 = tpu.memref_slice %arg6[%dma_wait3A_71, %dma_wait3A_72, %dma_wait3A_73] : memref<2x64x768xf32, #tpu.memory_space<vmem>> -> memref<1x64x768xf32, #tpu.memory_space<vmem>>
      %dma_wait3A_75 = tpu.memref_squeeze %dma_wait3A_74 : memref<1x64x768xf32, #tpu.memory_space<vmem>> -> memref<64x768xf32, #tpu.memory_space<vmem>>
      %dma_wait3A_76 = arith.constant 0 : i32
      %dma_wait3A_77 = tpu.memref_slice %arg5[%dma_wait3A_70, %dma_wait3A_76] : memref<2x64xi32, #tpu.memory_space<vmem>> -> memref<1x64xi32, #tpu.memory_space<vmem>>
      %dma_wait3A_78 = tpu.memref_squeeze %dma_wait3A_77 : memref<1x64xi32, #tpu.memory_space<vmem>> -> memref<64xi32, #tpu.memory_space<vmem>>
      %dma_wait3A_79 = arith.constant 0 : i32
      %dma_wait3A_80 = arith.constant 0 : i32
      %dma_wait3A_81 = tpu.memref_slice %arg2[%dma_wait3A_79, %dma_wait3A_80] : memref<32768x768xf32, #tpu.memory_space<hbm>> -> memref<32768x768xf32, #tpu.memory_space<hbm>>
      tpu.wait_indirect_dma semaphore(%arg7 : memref<!tpu.dma_semaphore, #tpu.memory_space<semaphore_mem>>) src(%dma_wait3A_81 : memref<32768x768xf32, #tpu.memory_space<hbm>>) dst(%dma_wait3A_75 : memref<64x768xf32, #tpu.memory_space<vmem>>)
      %sub3A = arith.constant 2 : i32
      %sub3A_82 = arith.subi %add3A_69, %sub3A : i32
      %mul3A_83 = arith.constant 64 : i32
      %mul3A_84 = arith.muli %sub3A_82, %mul3A_83 : i32
      %add3A_85 = arith.addi %mul3A_2, %mul3A_84 : i32
      %dma_start3A_86 = arith.constant 0 : i32
      %dma_start3A_87 = arith.constant 0 : i32
      %dma_start3A_88 = arith.constant 0 : i32
      %dma_start3A_89 = tpu.memref_slice %arg6[%dma_start3A_86, %dma_start3A_87, %dma_start3A_88] : memref<2x64x768xf32, #tpu.memory_space<vmem>> -> memref<1x64x768xf32, #tpu.memory_space<vmem>>
      %dma_start3A_90 = tpu.memref_squeeze %dma_start3A_89 : memref<1x64x768xf32, #tpu.memory_space<vmem>> -> memref<64x768xf32, #tpu.memory_space<vmem>>
      %dma_start3A_91 = arith.constant 0 : i32
      %dma_start3A_92 = tpu.memref_slice %arg4[%add3A_85, %dma_start3A_91] : memref<32768x768xf32, #tpu.memory_space<hbm>> -> memref<64x768xf32, #tpu.memory_space<hbm>>
      %dma_start3A_93 = arith.constant 0 : i32
      %dma_start3A_94 = tpu.memref_slice %arg4[%add3A_85, %dma_start3A_93] : memref<32768x768xf32, #tpu.memory_space<hbm>> -> memref<64x768xf32, #tpu.memory_space<hbm>>
      %dma_start3A_95 = arith.constant 0 : i32
      %dma_start3A_96 = arith.constant 0 : i32
      %dma_start3A_97 = tpu.memref_slice %arg6[%dma_start3A_86, %dma_start3A_95, %dma_start3A_96] : memref<2x64x768xf32, #tpu.memory_space<vmem>> -> memref<1x64x768xf32, #tpu.memory_space<vmem>>
      %dma_start3A_98 = tpu.memref_squeeze %dma_start3A_97 : memref<1x64x768xf32, #tpu.memory_space<vmem>> -> memref<64x768xf32, #tpu.memory_space<vmem>>
      tpu.enqueue_dma source(%dma_start3A_98 : memref<64x768xf32, #tpu.memory_space<vmem>>) target(%dma_start3A_94 : memref<64x768xf32, #tpu.memory_space<hbm>>) target_semaphore(%arg9 : memref<!tpu.dma_semaphore, #tpu.memory_space<semaphore_mem>>)
      %dma_wait3A_99 = arith.constant 0 : i32
      %dma_wait3A_100 = arith.constant 0 : i32
      %dma_wait3A_101 = arith.constant 0 : i32
      %dma_wait3A_102 = tpu.memref_slice %arg6[%dma_wait3A_99, %dma_wait3A_100, %dma_wait3A_101] : memref<2x64x768xf32, #tpu.memory_space<vmem>> -> memref<1x64x768xf32, #tpu.memory_space<vmem>>
      %dma_wait3A_103 = tpu.memref_squeeze %dma_wait3A_102 : memref<1x64x768xf32, #tpu.memory_space<vmem>> -> memref<64x768xf32, #tpu.memory_space<vmem>>
      %dma_wait3A_104 = arith.constant 0 : i32
      %dma_wait3A_105 = tpu.memref_slice %arg4[%add3A_85, %dma_wait3A_104] : memref<32768x768xf32, #tpu.memory_space<hbm>> -> memref<64x768xf32, #tpu.memory_space<hbm>>
      %dma_wait3A_106 = arith.constant 0 : i32
      %dma_wait3A_107 = tpu.memref_slice %arg4[%add3A_85, %dma_wait3A_106] : memref<32768x768xf32, #tpu.memory_space<hbm>> -> memref<64x768xf32, #tpu.memory_space<hbm>>
      %dma_wait3A_108 = arith.constant 0 : i32
      %dma_wait3A_109 = arith.constant 0 : i32
      %dma_wait3A_110 = tpu.memref_slice %arg6[%dma_wait3A_99, %dma_wait3A_108, %dma_wait3A_109] : memref<2x64x768xf32, #tpu.memory_space<vmem>> -> memref<1x64x768xf32, #tpu.memory_space<vmem>>
      %dma_wait3A_111 = tpu.memref_squeeze %dma_wait3A_110 : memref<1x64x768xf32, #tpu.memory_space<vmem>> -> memref<64x768xf32, #tpu.memory_space<vmem>>
      tpu.wait_dma2 semaphore(%arg9 : memref<!tpu.dma_semaphore, #tpu.memory_space<semaphore_mem>>) src(%dma_wait3A_111 : memref<64x768xf32, #tpu.memory_space<vmem>>) dst(%dma_wait3A_107 : memref<64x768xf32, #tpu.memory_space<hbm>>)
      %mul3A_112 = arith.constant 64 : i32
      %mul3A_113 = arith.muli %add3A_69, %mul3A_112 : i32
      %add3A_114 = arith.addi %mul3A_2, %mul3A_113 : i32
      %run_scoped3A_115 = arith.constant 0 : i32
      "tpu.region"() ({
        %run_scoped3A_191 = tpu.sem_alloc : memref<!tpu.dma_semaphore, #tpu.memory_space<semaphore_mem>>
        %dma_start3A_192 = arith.constant 0 : i32
        %dma_start3A_193 = tpu.memref_slice %arg5[%run_scoped3A_115, %dma_start3A_192] : memref<2x64xi32, #tpu.memory_space<vmem>> -> memref<1x64xi32, #tpu.memory_space<vmem>>
        %dma_start3A_194 = tpu.memref_squeeze %dma_start3A_193 : memref<1x64xi32, #tpu.memory_space<vmem>> -> memref<64xi32, #tpu.memory_space<vmem>>
        %dma_start3A_195 = tpu.memref_slice %arg3[%add3A_114] : memref<32768xi32, #tpu.memory_space<hbm>> -> memref<64xi32, #tpu.memory_space<hbm>>
        %dma_start3A_196 = arith.constant 0 : i32
        %dma_start3A_197 = tpu.memref_slice %arg5[%run_scoped3A_115, %dma_start3A_196] : memref<2x64xi32, #tpu.memory_space<vmem>> -> memref<1x64xi32, #tpu.memory_space<vmem>>
        %dma_start3A_198 = tpu.memref_squeeze %dma_start3A_197 : memref<1x64xi32, #tpu.memory_space<vmem>> -> memref<64xi32, #tpu.memory_space<vmem>>
        %dma_start3A_199 = tpu.memref_slice %arg3[%add3A_114] : memref<32768xi32, #tpu.memory_space<hbm>> -> memref<64xi32, #tpu.memory_space<hbm>>
        tpu.enqueue_dma source(%dma_start3A_199 : memref<64xi32, #tpu.memory_space<hbm>>) target(%dma_start3A_198 : memref<64xi32, #tpu.memory_space<vmem>>) target_semaphore(%run_scoped3A_191 : memref<!tpu.dma_semaphore, #tpu.memory_space<semaphore_mem>>)
        %dma_wait3A_200 = arith.constant 0 : i32
        %dma_wait3A_201 = tpu.memref_slice %arg5[%run_scoped3A_115, %dma_wait3A_200] : memref<2x64xi32, #tpu.memory_space<vmem>> -> memref<1x64xi32, #tpu.memory_space<vmem>>
        %dma_wait3A_202 = tpu.memref_squeeze %dma_wait3A_201 : memref<1x64xi32, #tpu.memory_space<vmem>> -> memref<64xi32, #tpu.memory_space<vmem>>
        %dma_wait3A_203 = tpu.memref_slice %arg3[%add3A_114] : memref<32768xi32, #tpu.memory_space<hbm>> -> memref<64xi32, #tpu.memory_space<hbm>>
        %dma_wait3A_204 = arith.constant 0 : i32
        %dma_wait3A_205 = tpu.memref_slice %arg5[%run_scoped3A_115, %dma_wait3A_204] : memref<2x64xi32, #tpu.memory_space<vmem>> -> memref<1x64xi32, #tpu.memory_space<vmem>>
        %dma_wait3A_206 = tpu.memref_squeeze %dma_wait3A_205 : memref<1x64xi32, #tpu.memory_space<vmem>> -> memref<64xi32, #tpu.memory_space<vmem>>
        %dma_wait3A_207 = tpu.memref_slice %arg3[%add3A_114] : memref<32768xi32, #tpu.memory_space<hbm>> -> memref<64xi32, #tpu.memory_space<hbm>>
        tpu.wait_dma2 semaphore(%run_scoped3A_191 : memref<!tpu.dma_semaphore, #tpu.memory_space<semaphore_mem>>) src(%dma_wait3A_207 : memref<64xi32, #tpu.memory_space<hbm>>) dst(%dma_wait3A_206 : memref<64xi32, #tpu.memory_space<vmem>>)
        tpu.yield
      }) : () -> ()
      %dma_start3A_116 = arith.constant 0 : i32
      %dma_start3A_117 = arith.constant 0 : i32
      %dma_start3A_118 = arith.constant 0 : i32
      %dma_start3A_119 = arith.constant 0 : i32
      %dma_start3A_120 = tpu.memref_slice %arg6[%dma_start3A_117, %dma_start3A_118, %dma_start3A_119] : memref<2x64x768xf32, #tpu.memory_space<vmem>> -> memref<1x64x768xf32, #tpu.memory_space<vmem>>
      %dma_start3A_121 = tpu.memref_squeeze %dma_start3A_120 : memref<1x64x768xf32, #tpu.memory_space<vmem>> -> memref<64x768xf32, #tpu.memory_space<vmem>>
      %dma_start3A_122 = arith.constant 0 : i32
      %dma_start3A_123 = tpu.memref_slice %arg5[%dma_start3A_116, %dma_start3A_122] : memref<2x64xi32, #tpu.memory_space<vmem>> -> memref<1x64xi32, #tpu.memory_space<vmem>>
      %dma_start3A_124 = tpu.memref_squeeze %dma_start3A_123 : memref<1x64xi32, #tpu.memory_space<vmem>> -> memref<64xi32, #tpu.memory_space<vmem>>
      %dma_start3A_125 = arith.constant 0 : i32
      %dma_start3A_126 = arith.constant 0 : i32
      %dma_start3A_127 = tpu.memref_slice %arg2[%dma_start3A_125, %dma_start3A_126] : memref<32768x768xf32, #tpu.memory_space<hbm>> -> memref<32768x768xf32, #tpu.memory_space<hbm>>
      tpu.enqueue_indirect_dma source(%dma_start3A_127 : memref<32768x768xf32, #tpu.memory_space<hbm>>) target(%dma_start3A_121 : memref<64x768xf32, #tpu.memory_space<vmem>>) offsets(%dma_start3A_124 : memref<64xi32, #tpu.memory_space<vmem>>) semaphore(%arg7 : memref<!tpu.dma_semaphore, #tpu.memory_space<semaphore_mem>>)
      %mul3A_128 = arith.constant 2 : i32
      %mul3A_129 = arith.muli %mul3A_128, %scan3A_65 : i32
      %add3A_130 = arith.constant 1 : i32
      %add3A_131 = arith.addi %mul3A_129, %add3A_130 : i32
      %dma_wait3A_132 = arith.constant 1 : i32
      %dma_wait3A_133 = arith.constant 1 : i32
      %dma_wait3A_134 = arith.constant 0 : i32
      %dma_wait3A_135 = arith.constant 0 : i32
      %dma_wait3A_136 = tpu.memref_slice %arg6[%dma_wait3A_133, %dma_wait3A_134, %dma_wait3A_135] : memref<2x64x768xf32, #tpu.memory_space<vmem>> -> memref<1x64x768xf32, #tpu.memory_space<vmem>>
      %dma_wait3A_137 = tpu.memref_squeeze %dma_wait3A_136 : memref<1x64x768xf32, #tpu.memory_space<vmem>> -> memref<64x768xf32, #tpu.memory_space<vmem>>
      %dma_wait3A_138 = arith.constant 0 : i32
      %dma_wait3A_139 = tpu.memref_slice %arg5[%dma_wait3A_132, %dma_wait3A_138] : memref<2x64xi32, #tpu.memory_space<vmem>> -> memref<1x64xi32, #tpu.memory_space<vmem>>
      %dma_wait3A_140 = tpu.memref_squeeze %dma_wait3A_139 : memref<1x64xi32, #tpu.memory_space<vmem>> -> memref<64xi32, #tpu.memory_space<vmem>>
      %dma_wait3A_141 = arith.constant 0 : i32
      %dma_wait3A_142 = arith.constant 0 : i32
      %dma_wait3A_143 = tpu.memref_slice %arg2[%dma_wait3A_141, %dma_wait3A_142] : memref<32768x768xf32, #tpu.memory_space<hbm>> -> memref<32768x768xf32, #tpu.memory_space<hbm>>
      tpu.wait_indirect_dma semaphore(%arg8 : memref<!tpu.dma_semaphore, #tpu.memory_space<semaphore_mem>>) src(%dma_wait3A_143 : memref<32768x768xf32, #tpu.memory_space<hbm>>) dst(%dma_wait3A_137 : memref<64x768xf32, #tpu.memory_space<vmem>>)
      %sub3A_144 = arith.constant 2 : i32
      %sub3A_145 = arith.subi %add3A_131, %sub3A_144 : i32
      %mul3A_146 = arith.constant 64 : i32
      %mul3A_147 = arith.muli %sub3A_145, %mul3A_146 : i32
      %add3A_148 = arith.addi %mul3A_2, %mul3A_147 : i32
      %dma_start3A_149 = arith.constant 1 : i32
      %dma_start3A_150 = arith.constant 0 : i32
      %dma_start3A_151 = arith.constant 0 : i32
      %dma_start3A_152 = tpu.memref_slice %arg6[%dma_start3A_149, %dma_start3A_150, %dma_start3A_151] : memref<2x64x768xf32, #tpu.memory_space<vmem>> -> memref<1x64x768xf32, #tpu.memory_space<vmem>>
      %dma_start3A_153 = tpu.memref_squeeze %dma_start3A_152 : memref<1x64x768xf32, #tpu.memory_space<vmem>> -> memref<64x768xf32, #tpu.memory_space<vmem>>
      %dma_start3A_154 = arith.constant 0 : i32
      %dma_start3A_155 = tpu.memref_slice %arg4[%add3A_148, %dma_start3A_154] : memref<32768x768xf32, #tpu.memory_space<hbm>> -> memref<64x768xf32, #tpu.memory_space<hbm>>
      %dma_start3A_156 = arith.constant 0 : i32
      %dma_start3A_157 = tpu.memref_slice %arg4[%add3A_148, %dma_start3A_156] : memref<32768x768xf32, #tpu.memory_space<hbm>> -> memref<64x768xf32, #tpu.memory_space<hbm>>
      %dma_start3A_158 = arith.constant 0 : i32
      %dma_start3A_159 = arith.constant 0 : i32
      %dma_start3A_160 = tpu.memref_slice %arg6[%dma_start3A_149, %dma_start3A_158, %dma_start3A_159] : memref<2x64x768xf32, #tpu.memory_space<vmem>> -> memref<1x64x768xf32, #tpu.memory_space<vmem>>
      %dma_start3A_161 = tpu.memref_squeeze %dma_start3A_160 : memref<1x64x768xf32, #tpu.memory_space<vmem>> -> memref<64x768xf32, #tpu.memory_space<vmem>>
      tpu.enqueue_dma source(%dma_start3A_161 : memref<64x768xf32, #tpu.memory_space<vmem>>) target(%dma_start3A_157 : memref<64x768xf32, #tpu.memory_space<hbm>>) target_semaphore(%arg10 : memref<!tpu.dma_semaphore, #tpu.memory_space<semaphore_mem>>)
      %dma_wait3A_162 = arith.constant 1 : i32
      %dma_wait3A_163 = arith.constant 0 : i32
      %dma_wait3A_164 = arith.constant 0 : i32
      %dma_wait3A_165 = tpu.memref_slice %arg6[%dma_wait3A_162, %dma_wait3A_163, %dma_wait3A_164] : memref<2x64x768xf32, #tpu.memory_space<vmem>> -> memref<1x64x768xf32, #tpu.memory_space<vmem>>
      %dma_wait3A_166 = tpu.memref_squeeze %dma_wait3A_165 : memref<1x64x768xf32, #tpu.memory_space<vmem>> -> memref<64x768xf32, #tpu.memory_space<vmem>>
      %dma_wait3A_167 = arith.constant 0 : i32
      %dma_wait3A_168 = tpu.memref_slice %arg4[%add3A_148, %dma_wait3A_167] : memref<32768x768xf32, #tpu.memory_space<hbm>> -> memref<64x768xf32, #tpu.memory_space<hbm>>
      %dma_wait3A_169 = arith.constant 0 : i32
      %dma_wait3A_170 = tpu.memref_slice %arg4[%add3A_148, %dma_wait3A_169] : memref<32768x768xf32, #tpu.memory_space<hbm>> -> memref<64x768xf32, #tpu.memory_space<hbm>>
      %dma_wait3A_171 = arith.constant 0 : i32
      %dma_wait3A_172 = arith.constant 0 : i32
      %dma_wait3A_173 = tpu.memref_slice %arg6[%dma_wait3A_162, %dma_wait3A_171, %dma_wait3A_172] : memref<2x64x768xf32, #tpu.memory_space<vmem>> -> memref<1x64x768xf32, #tpu.memory_space<vmem>>
      %dma_wait3A_174 = tpu.memref_squeeze %dma_wait3A_173 : memref<1x64x768xf32, #tpu.memory_space<vmem>> -> memref<64x768xf32, #tpu.memory_space<vmem>>
      tpu.wait_dma2 semaphore(%arg10 : memref<!tpu.dma_semaphore, #tpu.memory_space<semaphore_mem>>) src(%dma_wait3A_174 : memref<64x768xf32, #tpu.memory_space<vmem>>) dst(%dma_wait3A_170 : memref<64x768xf32, #tpu.memory_space<hbm>>)
      %mul3A_175 = arith.constant 64 : i32
      %mul3A_176 = arith.muli %add3A_131, %mul3A_175 : i32
      %add3A_177 = arith.addi %mul3A_2, %mul3A_176 : i32
      %run_scoped3A_178 = arith.constant 1 : i32
      "tpu.region"() ({
        %run_scoped3A_191 = tpu.sem_alloc : memref<!tpu.dma_semaphore, #tpu.memory_space<semaphore_mem>>
        %dma_start3A_192 = arith.constant 0 : i32
        %dma_start3A_193 = tpu.memref_slice %arg5[%run_scoped3A_178, %dma_start3A_192] : memref<2x64xi32, #tpu.memory_space<vmem>> -> memref<1x64xi32, #tpu.memory_space<vmem>>
        %dma_start3A_194 = tpu.memref_squeeze %dma_start3A_193 : memref<1x64xi32, #tpu.memory_space<vmem>> -> memref<64xi32, #tpu.memory_space<vmem>>
        %dma_start3A_195 = tpu.memref_slice %arg3[%add3A_177] : memref<32768xi32, #tpu.memory_space<hbm>> -> memref<64xi32, #tpu.memory_space<hbm>>
        %dma_start3A_196 = arith.constant 0 : i32
        %dma_start3A_197 = tpu.memref_slice %arg5[%run_scoped3A_178, %dma_start3A_196] : memref<2x64xi32, #tpu.memory_space<vmem>> -> memref<1x64xi32, #tpu.memory_space<vmem>>
        %dma_start3A_198 = tpu.memref_squeeze %dma_start3A_197 : memref<1x64xi32, #tpu.memory_space<vmem>> -> memref<64xi32, #tpu.memory_space<vmem>>
        %dma_start3A_199 = tpu.memref_slice %arg3[%add3A_177] : memref<32768xi32, #tpu.memory_space<hbm>> -> memref<64xi32, #tpu.memory_space<hbm>>
        tpu.enqueue_dma source(%dma_start3A_199 : memref<64xi32, #tpu.memory_space<hbm>>) target(%dma_start3A_198 : memref<64xi32, #tpu.memory_space<vmem>>) target_semaphore(%run_scoped3A_191 : memref<!tpu.dma_semaphore, #tpu.memory_space<semaphore_mem>>)
        %dma_wait3A_200 = arith.constant 0 : i32
        %dma_wait3A_201 = tpu.memref_slice %arg5[%run_scoped3A_178, %dma_wait3A_200] : memref<2x64xi32, #tpu.memory_space<vmem>> -> memref<1x64xi32, #tpu.memory_space<vmem>>
        %dma_wait3A_202 = tpu.memref_squeeze %dma_wait3A_201 : memref<1x64xi32, #tpu.memory_space<vmem>> -> memref<64xi32, #tpu.memory_space<vmem>>
        %dma_wait3A_203 = tpu.memref_slice %arg3[%add3A_177] : memref<32768xi32, #tpu.memory_space<hbm>> -> memref<64xi32, #tpu.memory_space<hbm>>
        %dma_wait3A_204 = arith.constant 0 : i32
        %dma_wait3A_205 = tpu.memref_slice %arg5[%run_scoped3A_178, %dma_wait3A_204] : memref<2x64xi32, #tpu.memory_space<vmem>> -> memref<1x64xi32, #tpu.memory_space<vmem>>
        %dma_wait3A_206 = tpu.memref_squeeze %dma_wait3A_205 : memref<1x64xi32, #tpu.memory_space<vmem>> -> memref<64xi32, #tpu.memory_space<vmem>>
        %dma_wait3A_207 = tpu.memref_slice %arg3[%add3A_177] : memref<32768xi32, #tpu.memory_space<hbm>> -> memref<64xi32, #tpu.memory_space<hbm>>
        tpu.wait_dma2 semaphore(%run_scoped3A_191 : memref<!tpu.dma_semaphore, #tpu.memory_space<semaphore_mem>>) src(%dma_wait3A_207 : memref<64xi32, #tpu.memory_space<hbm>>) dst(%dma_wait3A_206 : memref<64xi32, #tpu.memory_space<vmem>>)
        tpu.yield
      }) : () -> ()
      %dma_start3A_179 = arith.constant 1 : i32
      %dma_start3A_180 = arith.constant 1 : i32
      %dma_start3A_181 = arith.constant 0 : i32
      %dma_start3A_182 = arith.constant 0 : i32
      %dma_start3A_183 = tpu.memref_slice %arg6[%dma_start3A_180, %dma_start3A_181, %dma_start3A_182] : memref<2x64x768xf32, #tpu.memory_space<vmem>> -> memref<1x64x768xf32, #tpu.memory_space<vmem>>
      %dma_start3A_184 = tpu.memref_squeeze %dma_start3A_183 : memref<1x64x768xf32, #tpu.memory_space<vmem>> -> memref<64x768xf32, #tpu.memory_space<vmem>>
      %dma_start3A_185 = arith.constant 0 : i32
      %dma_start3A_186 = tpu.memref_slice %arg5[%dma_start3A_179, %dma_start3A_185] : memref<2x64xi32, #tpu.memory_space<vmem>> -> memref<1x64xi32, #tpu.memory_space<vmem>>
      %dma_start3A_187 = tpu.memref_squeeze %dma_start3A_186 : memref<1x64xi32, #tpu.memory_space<vmem>> -> memref<64xi32, #tpu.memory_space<vmem>>
      %dma_start3A_188 = arith.constant 0 : i32
      %dma_start3A_189 = arith.constant 0 : i32
      %dma_start3A_190 = tpu.memref_slice %arg2[%dma_start3A_188, %dma_start3A_189] : memref<32768x768xf32, #tpu.memory_space<hbm>> -> memref<32768x768xf32, #tpu.memory_space<hbm>>
      tpu.enqueue_indirect_dma source(%dma_start3A_190 : memref<32768x768xf32, #tpu.memory_space<hbm>>) target(%dma_start3A_184 : memref<64x768xf32, #tpu.memory_space<vmem>>) offsets(%dma_start3A_187 : memref<64xi32, #tpu.memory_space<vmem>>) semaphore(%arg8 : memref<!tpu.dma_semaphore, #tpu.memory_space<semaphore_mem>>)
    }
    %scan3A_35 = arith.constant 7 : i32
    %dma_wait3A = arith.constant 0 : i32
    %dma_wait3A_36 = arith.constant 0 : i32
    %dma_wait3A_37 = arith.constant 0 : i32
    %dma_wait3A_38 = arith.constant 0 : i32
    %dma_wait3A_39 = tpu.memref_slice %arg6[%dma_wait3A_36, %dma_wait3A_37, %dma_wait3A_38] : memref<2x64x768xf32, #tpu.memory_space<vmem>> -> memref<1x64x768xf32, #tpu.memory_space<vmem>>
    %dma_wait3A_40 = tpu.memref_squeeze %dma_wait3A_39 : memref<1x64x768xf32, #tpu.memory_space<vmem>> -> memref<64x768xf32, #tpu.memory_space<vmem>>
    %dma_wait3A_41 = arith.constant 0 : i32
    %dma_wait3A_42 = tpu.memref_slice %arg5[%dma_wait3A, %dma_wait3A_41] : memref<2x64xi32, #tpu.memory_space<vmem>> -> memref<1x64xi32, #tpu.memory_space<vmem>>
    %dma_wait3A_43 = tpu.memref_squeeze %dma_wait3A_42 : memref<1x64xi32, #tpu.memory_space<vmem>> -> memref<64xi32, #tpu.memory_space<vmem>>
    %dma_wait3A_44 = arith.constant 0 : i32
    %dma_wait3A_45 = arith.constant 0 : i32
    %dma_wait3A_46 = tpu.memref_slice %arg2[%dma_wait3A_44, %dma_wait3A_45] : memref<32768x768xf32, #tpu.memory_space<hbm>> -> memref<32768x768xf32, #tpu.memory_space<hbm>>
    tpu.wait_indirect_dma semaphore(%arg7 : memref<!tpu.dma_semaphore, #tpu.memory_space<semaphore_mem>>) src(%dma_wait3A_46 : memref<32768x768xf32, #tpu.memory_space<hbm>>) dst(%dma_wait3A_40 : memref<64x768xf32, #tpu.memory_space<vmem>>)
    %add3A_47 = arith.constant 896 : i32
    %add3A_48 = arith.addi %mul3A_2, %add3A_47 : i32
    %run_scoped3A_49 = arith.constant 0 : i32
    "tpu.region"() ({
      %run_scoped3A_65 = tpu.sem_alloc : memref<!tpu.dma_semaphore, #tpu.memory_space<semaphore_mem>>
      %dma_start3A_66 = arith.constant 0 : i32
      %dma_start3A_67 = arith.constant 0 : i32
      %dma_start3A_68 = tpu.memref_slice %arg6[%run_scoped3A_49, %dma_start3A_66, %dma_start3A_67] : memref<2x64x768xf32, #tpu.memory_space<vmem>> -> memref<1x64x768xf32, #tpu.memory_space<vmem>>
      %dma_start3A_69 = tpu.memref_squeeze %dma_start3A_68 : memref<1x64x768xf32, #tpu.memory_space<vmem>> -> memref<64x768xf32, #tpu.memory_space<vmem>>
      %dma_start3A_70 = arith.constant 0 : i32
      %dma_start3A_71 = tpu.memref_slice %arg4[%add3A_48, %dma_start3A_70] : memref<32768x768xf32, #tpu.memory_space<hbm>> -> memref<64x768xf32, #tpu.memory_space<hbm>>
      %dma_start3A_72 = arith.constant 0 : i32
      %dma_start3A_73 = tpu.memref_slice %arg4[%add3A_48, %dma_start3A_72] : memref<32768x768xf32, #tpu.memory_space<hbm>> -> memref<64x768xf32, #tpu.memory_space<hbm>>
      %dma_start3A_74 = arith.constant 0 : i32
      %dma_start3A_75 = arith.constant 0 : i32
      %dma_start3A_76 = tpu.memref_slice %arg6[%run_scoped3A_49, %dma_start3A_74, %dma_start3A_75] : memref<2x64x768xf32, #tpu.memory_space<vmem>> -> memref<1x64x768xf32, #tpu.memory_space<vmem>>
      %dma_start3A_77 = tpu.memref_squeeze %dma_start3A_76 : memref<1x64x768xf32, #tpu.memory_space<vmem>> -> memref<64x768xf32, #tpu.memory_space<vmem>>
      tpu.enqueue_dma source(%dma_start3A_77 : memref<64x768xf32, #tpu.memory_space<vmem>>) target(%dma_start3A_73 : memref<64x768xf32, #tpu.memory_space<hbm>>) target_semaphore(%run_scoped3A_65 : memref<!tpu.dma_semaphore, #tpu.memory_space<semaphore_mem>>)
      %dma_wait3A_78 = arith.constant 0 : i32
      %dma_wait3A_79 = arith.constant 0 : i32
      %dma_wait3A_80 = tpu.memref_slice %arg6[%run_scoped3A_49, %dma_wait3A_78, %dma_wait3A_79] : memref<2x64x768xf32, #tpu.memory_space<vmem>> -> memref<1x64x768xf32, #tpu.memory_space<vmem>>
      %dma_wait3A_81 = tpu.memref_squeeze %dma_wait3A_80 : memref<1x64x768xf32, #tpu.memory_space<vmem>> -> memref<64x768xf32, #tpu.memory_space<vmem>>
      %dma_wait3A_82 = arith.constant 0 : i32
      %dma_wait3A_83 = tpu.memref_slice %arg4[%add3A_48, %dma_wait3A_82] : memref<32768x768xf32, #tpu.memory_space<hbm>> -> memref<64x768xf32, #tpu.memory_space<hbm>>
      %dma_wait3A_84 = arith.constant 0 : i32
      %dma_wait3A_85 = tpu.memref_slice %arg4[%add3A_48, %dma_wait3A_84] : memref<32768x768xf32, #tpu.memory_space<hbm>> -> memref<64x768xf32, #tpu.memory_space<hbm>>
      %dma_wait3A_86 = arith.constant 0 : i32
      %dma_wait3A_87 = arith.constant 0 : i32
      %dma_wait3A_88 = tpu.memref_slice %arg6[%run_scoped3A_49, %dma_wait3A_86, %dma_wait3A_87] : memref<2x64x768xf32, #tpu.memory_space<vmem>> -> memref<1x64x768xf32, #tpu.memory_space<vmem>>
      %dma_wait3A_89 = tpu.memref_squeeze %dma_wait3A_88 : memref<1x64x768xf32, #tpu.memory_space<vmem>> -> memref<64x768xf32, #tpu.memory_space<vmem>>
      tpu.wait_dma2 semaphore(%run_scoped3A_65 : memref<!tpu.dma_semaphore, #tpu.memory_space<semaphore_mem>>) src(%dma_wait3A_89 : memref<64x768xf32, #tpu.memory_space<vmem>>) dst(%dma_wait3A_85 : memref<64x768xf32, #tpu.memory_space<hbm>>)
      tpu.yield
    }) : () -> ()
    %dma_wait3A_50 = arith.constant 1 : i32
    %dma_wait3A_51 = arith.constant 1 : i32
    %dma_wait3A_52 = arith.constant 0 : i32
    %dma_wait3A_53 = arith.constant 0 : i32
    %dma_wait3A_54 = tpu.memref_slice %arg6[%dma_wait3A_51, %dma_wait3A_52, %dma_wait3A_53] : memref<2x64x768xf32, #tpu.memory_space<vmem>> -> memref<1x64x768xf32, #tpu.memory_space<vmem>>
    %dma_wait3A_55 = tpu.memref_squeeze %dma_wait3A_54 : memref<1x64x768xf32, #tpu.memory_space<vmem>> -> memref<64x768xf32, #tpu.memory_space<vmem>>
    %dma_wait3A_56 = arith.constant 0 : i32
    %dma_wait3A_57 = tpu.memref_slice %arg5[%dma_wait3A_50, %dma_wait3A_56] : memref<2x64xi32, #tpu.memory_space<vmem>> -> memref<1x64xi32, #tpu.memory_space<vmem>>
    %dma_wait3A_58 = tpu.memref_squeeze %dma_wait3A_57 : memref<1x64xi32, #tpu.memory_space<vmem>> -> memref<64xi32, #tpu.memory_space<vmem>>
    %dma_wait3A_59 = arith.constant 0 : i32
    %dma_wait3A_60 = arith.constant 0 : i32
    %dma_wait3A_61 = tpu.memref_slice %arg2[%dma_wait3A_59, %dma_wait3A_60] : memref<32768x768xf32, #tpu.memory_space<hbm>> -> memref<32768x768xf32, #tpu.memory_space<hbm>>
    tpu.wait_indirect_dma semaphore(%arg8 : memref<!tpu.dma_semaphore, #tpu.memory_space<semaphore_mem>>) src(%dma_wait3A_61 : memref<32768x768xf32, #tpu.memory_space<hbm>>) dst(%dma_wait3A_55 : memref<64x768xf32, #tpu.memory_space<vmem>>)
    %add3A_62 = arith.constant 960 : i32
    %add3A_63 = arith.addi %mul3A_2, %add3A_62 : i32
    %run_scoped3A_64 = arith.constant 1 : i32
    "tpu.region"() ({
      %run_scoped3A_65 = tpu.sem_alloc : memref<!tpu.dma_semaphore, #tpu.memory_space<semaphore_mem>>
      %dma_start3A_66 = arith.constant 0 : i32
      %dma_start3A_67 = arith.constant 0 : i32
      %dma_start3A_68 = tpu.memref_slice %arg6[%run_scoped3A_64, %dma_start3A_66, %dma_start3A_67] : memref<2x64x768xf32, #tpu.memory_space<vmem>> -> memref<1x64x768xf32, #tpu.memory_space<vmem>>
      %dma_start3A_69 = tpu.memref_squeeze %dma_start3A_68 : memref<1x64x768xf32, #tpu.memory_space<vmem>> -> memref<64x768xf32, #tpu.memory_space<vmem>>
      %dma_start3A_70 = arith.constant 0 : i32
      %dma_start3A_71 = tpu.memref_slice %arg4[%add3A_63, %dma_start3A_70] : memref<32768x768xf32, #tpu.memory_space<hbm>> -> memref<64x768xf32, #tpu.memory_space<hbm>>
      %dma_start3A_72 = arith.constant 0 : i32
      %dma_start3A_73 = tpu.memref_slice %arg4[%add3A_63, %dma_start3A_72] : memref<32768x768xf32, #tpu.memory_space<hbm>> -> memref<64x768xf32, #tpu.memory_space<hbm>>
      %dma_start3A_74 = arith.constant 0 : i32
      %dma_start3A_75 = arith.constant 0 : i32
      %dma_start3A_76 = tpu.memref_slice %arg6[%run_scoped3A_64, %dma_start3A_74, %dma_start3A_75] : memref<2x64x768xf32, #tpu.memory_space<vmem>> -> memref<1x64x768xf32, #tpu.memory_space<vmem>>
      %dma_start3A_77 = tpu.memref_squeeze %dma_start3A_76 : memref<1x64x768xf32, #tpu.memory_space<vmem>> -> memref<64x768xf32, #tpu.memory_space<vmem>>
      tpu.enqueue_dma source(%dma_start3A_77 : memref<64x768xf32, #tpu.memory_space<vmem>>) target(%dma_start3A_73 : memref<64x768xf32, #tpu.memory_space<hbm>>) target_semaphore(%run_scoped3A_65 : memref<!tpu.dma_semaphore, #tpu.memory_space<semaphore_mem>>)
      %dma_wait3A_78 = arith.constant 0 : i32
      %dma_wait3A_79 = arith.constant 0 : i32
      %dma_wait3A_80 = tpu.memref_slice %arg6[%run_scoped3A_64, %dma_wait3A_78, %dma_wait3A_79] : memref<2x64x768xf32, #tpu.memory_space<vmem>> -> memref<1x64x768xf32, #tpu.memory_space<vmem>>
      %dma_wait3A_81 = tpu.memref_squeeze %dma_wait3A_80 : memref<1x64x768xf32, #tpu.memory_space<vmem>> -> memref<64x768xf32, #tpu.memory_space<vmem>>
      %dma_wait3A_82 = arith.constant 0 : i32
      %dma_wait3A_83 = tpu.memref_slice %arg4[%add3A_63, %dma_wait3A_82] : memref<32768x768xf32, #tpu.memory_space<hbm>> -> memref<64x768xf32, #tpu.memory_space<hbm>>
      %dma_wait3A_84 = arith.constant 0 : i32
      %dma_wait3A_85 = tpu.memref_slice %arg4[%add3A_63, %dma_wait3A_84] : memref<32768x768xf32, #tpu.memory_space<hbm>> -> memref<64x768xf32, #tpu.memory_space<hbm>>
      %dma_wait3A_86 = arith.constant 0 : i32
      %dma_wait3A_87 = arith.constant 0 : i32
      %dma_wait3A_88 = tpu.memref_slice %arg6[%run_scoped3A_64, %dma_wait3A_86, %dma_wait3A_87] : memref<2x64x768xf32, #tpu.memory_space<vmem>> -> memref<1x64x768xf32, #tpu.memory_space<vmem>>
      %dma_wait3A_89 = tpu.memref_squeeze %dma_wait3A_88 : memref<1x64x768xf32, #tpu.memory_space<vmem>> -> memref<64x768xf32, #tpu.memory_space<vmem>>
      tpu.wait_dma2 semaphore(%run_scoped3A_65 : memref<!tpu.dma_semaphore, #tpu.memory_space<semaphore_mem>>) src(%dma_wait3A_89 : memref<64x768xf32, #tpu.memory_space<vmem>>) dst(%dma_wait3A_85 : memref<64x768xf32, #tpu.memory_space<hbm>>)
      tpu.yield
    }) : () -> ()
    return
  }
}

#map = affine_map<(d0, d1) -> (0, 0)>
#map1 = affine_map<(d0, d1) -> (0)>
module attributes {stable_mosaic.version = 14 : i64} {
  func.func @permute(%arg0: i32, %arg1: i32, %arg2: memref<32768x768xf32, #tpu.memory_space<hbm>>, %arg3: memref<32768xi32, #tpu.memory_space<hbm>>, %arg4: memref<32768x768xf32, #tpu.memory_space<hbm>>, %arg5: memref<2x64xi32, #tpu.memory_space<vmem>>, %arg6: memref<2x64x768xf32, #tpu.memory_space<vmem>>, %arg7: memref<!tpu.dma_semaphore, #tpu.memory_space<semaphore_mem>>, %arg8: memref<!tpu.dma_semaphore, #tpu.memory_space<semaphore_mem>>) attributes {dimension_semantics = [#tpu.dimension_semantics<core_parallel>, #tpu.dimension_semantics<subcore_parallel>], iteration_bounds = array<i64: 2, 16>, scalar_prefetch = 0 : i64, scratch_operands = 4 : i64, tpu.core_type = #tpu.core_type<sc_vector_subcore>, window_params = [{transform_indices = #map}, {transform_indices = #map1}, {transform_indices = #map}]} {
    %mul3A = arith.constant 2 : i32
    %mul3A_0 = arith.muli %arg1, %mul3A : i32
    %add3A = arith.addi %mul3A_0, %arg0 : i32
    %mul3A_1 = arith.constant 1024 : i32
    %mul3A_2 = arith.muli %add3A, %mul3A_1 : i32
    %add3A_3 = arith.constant 0 : i32
    %add3A_4 = arith.addi %mul3A_2, %add3A_3 : i32
    %run_scoped3A = arith.constant 0 : i32
    "tpu.region"() ({
      %run_scoped3A_65 = tpu.sem_alloc : memref<!tpu.dma_semaphore, #tpu.memory_space<semaphore_mem>>
      %dma_start3A_66 = arith.constant 0 : i32
      %dma_start3A_67 = tpu.memref_slice %arg5[%run_scoped3A, %dma_start3A_66] : memref<2x64xi32, #tpu.memory_space<vmem>> -> memref<1x64xi32, #tpu.memory_space<vmem>>
      %dma_start3A_68 = tpu.memref_squeeze %dma_start3A_67 : memref<1x64xi32, #tpu.memory_space<vmem>> -> memref<64xi32, #tpu.memory_space<vmem>>
      %dma_start3A_69 = tpu.memref_slice %arg3[%add3A_4] : memref<32768xi32, #tpu.memory_space<hbm>> -> memref<64xi32, #tpu.memory_space<hbm>>
      %dma_start3A_70 = arith.constant 0 : i32
      %dma_start3A_71 = tpu.memref_slice %arg5[%run_scoped3A, %dma_start3A_70] : memref<2x64xi32, #tpu.memory_space<vmem>> -> memref<1x64xi32, #tpu.memory_space<vmem>>
      %dma_start3A_72 = tpu.memref_squeeze %dma_start3A_71 : memref<1x64xi32, #tpu.memory_space<vmem>> -> memref<64xi32, #tpu.memory_space<vmem>>
      %dma_start3A_73 = tpu.memref_slice %arg3[%add3A_4] : memref<32768xi32, #tpu.memory_space<hbm>> -> memref<64xi32, #tpu.memory_space<hbm>>
      tpu.enqueue_dma source(%dma_start3A_73 : memref<64xi32, #tpu.memory_space<hbm>>) target(%dma_start3A_72 : memref<64xi32, #tpu.memory_space<vmem>>) target_semaphore(%run_scoped3A_65 : memref<!tpu.dma_semaphore, #tpu.memory_space<semaphore_mem>>)
      %dma_wait3A_74 = arith.constant 0 : i32
      %dma_wait3A_75 = tpu.memref_slice %arg5[%run_scoped3A, %dma_wait3A_74] : memref<2x64xi32, #tpu.memory_space<vmem>> -> memref<1x64xi32, #tpu.memory_space<vmem>>
      %dma_wait3A_76 = tpu.memref_squeeze %dma_wait3A_75 : memref<1x64xi32, #tpu.memory_space<vmem>> -> memref<64xi32, #tpu.memory_space<vmem>>
      %dma_wait3A_77 = tpu.memref_slice %arg3[%add3A_4] : memref<32768xi32, #tpu.memory_space<hbm>> -> memref<64xi32, #tpu.memory_space<hbm>>
      %dma_wait3A_78 = arith.constant 0 : i32
      %dma_wait3A_79 = tpu.memref_slice %arg5[%run_scoped3A, %dma_wait3A_78] : memref<2x64xi32, #tpu.memory_space<vmem>> -> memref<1x64xi32, #tpu.memory_space<vmem>>
      %dma_wait3A_80 = tpu.memref_squeeze %dma_wait3A_79 : memref<1x64xi32, #tpu.memory_space<vmem>> -> memref<64xi32, #tpu.memory_space<vmem>>
      %dma_wait3A_81 = tpu.memref_slice %arg3[%add3A_4] : memref<32768xi32, #tpu.memory_space<hbm>> -> memref<64xi32, #tpu.memory_space<hbm>>
      tpu.wait_dma2 semaphore(%run_scoped3A_65 : memref<!tpu.dma_semaphore, #tpu.memory_space<semaphore_mem>>) src(%dma_wait3A_81 : memref<64xi32, #tpu.memory_space<hbm>>) dst(%dma_wait3A_80 : memref<64xi32, #tpu.memory_space<vmem>>)
      tpu.yield
    }) : () -> ()
    %add3A_5 = arith.constant 0 : i32
    %add3A_6 = arith.addi %mul3A_2, %add3A_5 : i32
    %run_scoped3A_7 = arith.constant 0 : i32
    "tpu.region"() ({
      %run_scoped3A_65 = tpu.sem_alloc : memref<!tpu.dma_semaphore, #tpu.memory_space<semaphore_mem>>
      %dma_start3A_66 = arith.constant 0 : i32
      %dma_start3A_67 = arith.constant 0 : i32
      %dma_start3A_68 = tpu.memref_slice %arg6[%run_scoped3A_7, %dma_start3A_66, %dma_start3A_67] : memref<2x64x768xf32, #tpu.memory_space<vmem>> -> memref<1x64x768xf32, #tpu.memory_space<vmem>>
      %dma_start3A_69 = tpu.memref_squeeze %dma_start3A_68 : memref<1x64x768xf32, #tpu.memory_space<vmem>> -> memref<64x768xf32, #tpu.memory_space<vmem>>
      %dma_start3A_70 = arith.constant 0 : i32
      %dma_start3A_71 = tpu.memref_slice %arg2[%add3A_6, %dma_start3A_70] : memref<32768x768xf32, #tpu.memory_space<hbm>> -> memref<64x768xf32, #tpu.memory_space<hbm>>
      %dma_start3A_72 = arith.constant 0 : i32
      %dma_start3A_73 = arith.constant 0 : i32
      %dma_start3A_74 = tpu.memref_slice %arg6[%run_scoped3A_7, %dma_start3A_72, %dma_start3A_73] : memref<2x64x768xf32, #tpu.memory_space<vmem>> -> memref<1x64x768xf32, #tpu.memory_space<vmem>>
      %dma_start3A_75 = tpu.memref_squeeze %dma_start3A_74 : memref<1x64x768xf32, #tpu.memory_space<vmem>> -> memref<64x768xf32, #tpu.memory_space<vmem>>
      %dma_start3A_76 = arith.constant 0 : i32
      %dma_start3A_77 = tpu.memref_slice %arg2[%add3A_6, %dma_start3A_76] : memref<32768x768xf32, #tpu.memory_space<hbm>> -> memref<64x768xf32, #tpu.memory_space<hbm>>
      tpu.enqueue_dma source(%dma_start3A_77 : memref<64x768xf32, #tpu.memory_space<hbm>>) target(%dma_start3A_75 : memref<64x768xf32, #tpu.memory_space<vmem>>) target_semaphore(%run_scoped3A_65 : memref<!tpu.dma_semaphore, #tpu.memory_space<semaphore_mem>>)
      %dma_wait3A_78 = arith.constant 0 : i32
      %dma_wait3A_79 = arith.constant 0 : i32
      %dma_wait3A_80 = tpu.memref_slice %arg6[%run_scoped3A_7, %dma_wait3A_78, %dma_wait3A_79] : memref<2x64x768xf32, #tpu.memory_space<vmem>> -> memref<1x64x768xf32, #tpu.memory_space<vmem>>
      %dma_wait3A_81 = tpu.memref_squeeze %dma_wait3A_80 : memref<1x64x768xf32, #tpu.memory_space<vmem>> -> memref<64x768xf32, #tpu.memory_space<vmem>>
      %dma_wait3A_82 = arith.constant 0 : i32
      %dma_wait3A_83 = tpu.memref_slice %arg2[%add3A_6, %dma_wait3A_82] : memref<32768x768xf32, #tpu.memory_space<hbm>> -> memref<64x768xf32, #tpu.memory_space<hbm>>
      %dma_wait3A_84 = arith.constant 0 : i32
      %dma_wait3A_85 = arith.constant 0 : i32
      %dma_wait3A_86 = tpu.memref_slice %arg6[%run_scoped3A_7, %dma_wait3A_84, %dma_wait3A_85] : memref<2x64x768xf32, #tpu.memory_space<vmem>> -> memref<1x64x768xf32, #tpu.memory_space<vmem>>
      %dma_wait3A_87 = tpu.memref_squeeze %dma_wait3A_86 : memref<1x64x768xf32, #tpu.memory_space<vmem>> -> memref<64x768xf32, #tpu.memory_space<vmem>>
      %dma_wait3A_88 = arith.constant 0 : i32
      %dma_wait3A_89 = tpu.memref_slice %arg2[%add3A_6, %dma_wait3A_88] : memref<32768x768xf32, #tpu.memory_space<hbm>> -> memref<64x768xf32, #tpu.memory_space<hbm>>
      tpu.wait_dma2 semaphore(%run_scoped3A_65 : memref<!tpu.dma_semaphore, #tpu.memory_space<semaphore_mem>>) src(%dma_wait3A_89 : memref<64x768xf32, #tpu.memory_space<hbm>>) dst(%dma_wait3A_87 : memref<64x768xf32, #tpu.memory_space<vmem>>)
      tpu.yield
    }) : () -> ()
    %dma_start3A = arith.constant 0 : i32
    %dma_start3A_8 = arith.constant 0 : i32
    %dma_start3A_9 = arith.constant 0 : i32
    %dma_start3A_10 = arith.constant 0 : i32
    %dma_start3A_11 = tpu.memref_slice %arg6[%dma_start3A, %dma_start3A_9, %dma_start3A_10] : memref<2x64x768xf32, #tpu.memory_space<vmem>> -> memref<1x64x768xf32, #tpu.memory_space<vmem>>
    %dma_start3A_12 = tpu.memref_squeeze %dma_start3A_11 : memref<1x64x768xf32, #tpu.memory_space<vmem>> -> memref<64x768xf32, #tpu.memory_space<vmem>>
    %dma_start3A_13 = arith.constant 0 : i32
    %dma_start3A_14 = tpu.memref_slice %arg5[%dma_start3A_8, %dma_start3A_13] : memref<2x64xi32, #tpu.memory_space<vmem>> -> memref<1x64xi32, #tpu.memory_space<vmem>>
    %dma_start3A_15 = tpu.memref_squeeze %dma_start3A_14 : memref<1x64xi32, #tpu.memory_space<vmem>> -> memref<64xi32, #tpu.memory_space<vmem>>
    %dma_start3A_16 = arith.constant 0 : i32
    %dma_start3A_17 = arith.constant 0 : i32
    %dma_start3A_18 = tpu.memref_slice %arg4[%dma_start3A_16, %dma_start3A_17] : memref<32768x768xf32, #tpu.memory_space<hbm>> -> memref<32768x768xf32, #tpu.memory_space<hbm>>
    tpu.enqueue_indirect_dma source(%dma_start3A_12 : memref<64x768xf32, #tpu.memory_space<vmem>>) target(%dma_start3A_18 : memref<32768x768xf32, #tpu.memory_space<hbm>>) offsets(%dma_start3A_15 : memref<64xi32, #tpu.memory_space<vmem>>) semaphore(%arg7 : memref<!tpu.dma_semaphore, #tpu.memory_space<semaphore_mem>>)
    %add3A_19 = arith.constant 64 : i32
    %add3A_20 = arith.addi %mul3A_2, %add3A_19 : i32
    %run_scoped3A_21 = arith.constant 1 : i32
    "tpu.region"() ({
      %run_scoped3A_65 = tpu.sem_alloc : memref<!tpu.dma_semaphore, #tpu.memory_space<semaphore_mem>>
      %dma_start3A_66 = arith.constant 0 : i32
      %dma_start3A_67 = tpu.memref_slice %arg5[%run_scoped3A_21, %dma_start3A_66] : memref<2x64xi32, #tpu.memory_space<vmem>> -> memref<1x64xi32, #tpu.memory_space<vmem>>
      %dma_start3A_68 = tpu.memref_squeeze %dma_start3A_67 : memref<1x64xi32, #tpu.memory_space<vmem>> -> memref<64xi32, #tpu.memory_space<vmem>>
      %dma_start3A_69 = tpu.memref_slice %arg3[%add3A_20] : memref<32768xi32, #tpu.memory_space<hbm>> -> memref<64xi32, #tpu.memory_space<hbm>>
      %dma_start3A_70 = arith.constant 0 : i32
      %dma_start3A_71 = tpu.memref_slice %arg5[%run_scoped3A_21, %dma_start3A_70] : memref<2x64xi32, #tpu.memory_space<vmem>> -> memref<1x64xi32, #tpu.memory_space<vmem>>
      %dma_start3A_72 = tpu.memref_squeeze %dma_start3A_71 : memref<1x64xi32, #tpu.memory_space<vmem>> -> memref<64xi32, #tpu.memory_space<vmem>>
      %dma_start3A_73 = tpu.memref_slice %arg3[%add3A_20] : memref<32768xi32, #tpu.memory_space<hbm>> -> memref<64xi32, #tpu.memory_space<hbm>>
      tpu.enqueue_dma source(%dma_start3A_73 : memref<64xi32, #tpu.memory_space<hbm>>) target(%dma_start3A_72 : memref<64xi32, #tpu.memory_space<vmem>>) target_semaphore(%run_scoped3A_65 : memref<!tpu.dma_semaphore, #tpu.memory_space<semaphore_mem>>)
      %dma_wait3A_74 = arith.constant 0 : i32
      %dma_wait3A_75 = tpu.memref_slice %arg5[%run_scoped3A_21, %dma_wait3A_74] : memref<2x64xi32, #tpu.memory_space<vmem>> -> memref<1x64xi32, #tpu.memory_space<vmem>>
      %dma_wait3A_76 = tpu.memref_squeeze %dma_wait3A_75 : memref<1x64xi32, #tpu.memory_space<vmem>> -> memref<64xi32, #tpu.memory_space<vmem>>
      %dma_wait3A_77 = tpu.memref_slice %arg3[%add3A_20] : memref<32768xi32, #tpu.memory_space<hbm>> -> memref<64xi32, #tpu.memory_space<hbm>>
      %dma_wait3A_78 = arith.constant 0 : i32
      %dma_wait3A_79 = tpu.memref_slice %arg5[%run_scoped3A_21, %dma_wait3A_78] : memref<2x64xi32, #tpu.memory_space<vmem>> -> memref<1x64xi32, #tpu.memory_space<vmem>>
      %dma_wait3A_80 = tpu.memref_squeeze %dma_wait3A_79 : memref<1x64xi32, #tpu.memory_space<vmem>> -> memref<64xi32, #tpu.memory_space<vmem>>
      %dma_wait3A_81 = tpu.memref_slice %arg3[%add3A_20] : memref<32768xi32, #tpu.memory_space<hbm>> -> memref<64xi32, #tpu.memory_space<hbm>>
      tpu.wait_dma2 semaphore(%run_scoped3A_65 : memref<!tpu.dma_semaphore, #tpu.memory_space<semaphore_mem>>) src(%dma_wait3A_81 : memref<64xi32, #tpu.memory_space<hbm>>) dst(%dma_wait3A_80 : memref<64xi32, #tpu.memory_space<vmem>>)
      tpu.yield
    }) : () -> ()
    %add3A_22 = arith.constant 64 : i32
    %add3A_23 = arith.addi %mul3A_2, %add3A_22 : i32
    %run_scoped3A_24 = arith.constant 1 : i32
    "tpu.region"() ({
      %run_scoped3A_65 = tpu.sem_alloc : memref<!tpu.dma_semaphore, #tpu.memory_space<semaphore_mem>>
      %dma_start3A_66 = arith.constant 0 : i32
      %dma_start3A_67 = arith.constant 0 : i32
      %dma_start3A_68 = tpu.memref_slice %arg6[%run_scoped3A_24, %dma_start3A_66, %dma_start3A_67] : memref<2x64x768xf32, #tpu.memory_space<vmem>> -> memref<1x64x768xf32, #tpu.memory_space<vmem>>
      %dma_start3A_69 = tpu.memref_squeeze %dma_start3A_68 : memref<1x64x768xf32, #tpu.memory_space<vmem>> -> memref<64x768xf32, #tpu.memory_space<vmem>>
      %dma_start3A_70 = arith.constant 0 : i32
      %dma_start3A_71 = tpu.memref_slice %arg2[%add3A_23, %dma_start3A_70] : memref<32768x768xf32, #tpu.memory_space<hbm>> -> memref<64x768xf32, #tpu.memory_space<hbm>>
      %dma_start3A_72 = arith.constant 0 : i32
      %dma_start3A_73 = arith.constant 0 : i32
      %dma_start3A_74 = tpu.memref_slice %arg6[%run_scoped3A_24, %dma_start3A_72, %dma_start3A_73] : memref<2x64x768xf32, #tpu.memory_space<vmem>> -> memref<1x64x768xf32, #tpu.memory_space<vmem>>
      %dma_start3A_75 = tpu.memref_squeeze %dma_start3A_74 : memref<1x64x768xf32, #tpu.memory_space<vmem>> -> memref<64x768xf32, #tpu.memory_space<vmem>>
      %dma_start3A_76 = arith.constant 0 : i32
      %dma_start3A_77 = tpu.memref_slice %arg2[%add3A_23, %dma_start3A_76] : memref<32768x768xf32, #tpu.memory_space<hbm>> -> memref<64x768xf32, #tpu.memory_space<hbm>>
      tpu.enqueue_dma source(%dma_start3A_77 : memref<64x768xf32, #tpu.memory_space<hbm>>) target(%dma_start3A_75 : memref<64x768xf32, #tpu.memory_space<vmem>>) target_semaphore(%run_scoped3A_65 : memref<!tpu.dma_semaphore, #tpu.memory_space<semaphore_mem>>)
      %dma_wait3A_78 = arith.constant 0 : i32
      %dma_wait3A_79 = arith.constant 0 : i32
      %dma_wait3A_80 = tpu.memref_slice %arg6[%run_scoped3A_24, %dma_wait3A_78, %dma_wait3A_79] : memref<2x64x768xf32, #tpu.memory_space<vmem>> -> memref<1x64x768xf32, #tpu.memory_space<vmem>>
      %dma_wait3A_81 = tpu.memref_squeeze %dma_wait3A_80 : memref<1x64x768xf32, #tpu.memory_space<vmem>> -> memref<64x768xf32, #tpu.memory_space<vmem>>
      %dma_wait3A_82 = arith.constant 0 : i32
      %dma_wait3A_83 = tpu.memref_slice %arg2[%add3A_23, %dma_wait3A_82] : memref<32768x768xf32, #tpu.memory_space<hbm>> -> memref<64x768xf32, #tpu.memory_space<hbm>>
      %dma_wait3A_84 = arith.constant 0 : i32
      %dma_wait3A_85 = arith.constant 0 : i32
      %dma_wait3A_86 = tpu.memref_slice %arg6[%run_scoped3A_24, %dma_wait3A_84, %dma_wait3A_85] : memref<2x64x768xf32, #tpu.memory_space<vmem>> -> memref<1x64x768xf32, #tpu.memory_space<vmem>>
      %dma_wait3A_87 = tpu.memref_squeeze %dma_wait3A_86 : memref<1x64x768xf32, #tpu.memory_space<vmem>> -> memref<64x768xf32, #tpu.memory_space<vmem>>
      %dma_wait3A_88 = arith.constant 0 : i32
      %dma_wait3A_89 = tpu.memref_slice %arg2[%add3A_23, %dma_wait3A_88] : memref<32768x768xf32, #tpu.memory_space<hbm>> -> memref<64x768xf32, #tpu.memory_space<hbm>>
      tpu.wait_dma2 semaphore(%run_scoped3A_65 : memref<!tpu.dma_semaphore, #tpu.memory_space<semaphore_mem>>) src(%dma_wait3A_89 : memref<64x768xf32, #tpu.memory_space<hbm>>) dst(%dma_wait3A_87 : memref<64x768xf32, #tpu.memory_space<vmem>>)
      tpu.yield
    }) : () -> ()
    %dma_start3A_25 = arith.constant 1 : i32
    %dma_start3A_26 = arith.constant 1 : i32
    %dma_start3A_27 = arith.constant 0 : i32
    %dma_start3A_28 = arith.constant 0 : i32
    %dma_start3A_29 = tpu.memref_slice %arg6[%dma_start3A_25, %dma_start3A_27, %dma_start3A_28] : memref<2x64x768xf32, #tpu.memory_space<vmem>> -> memref<1x64x768xf32, #tpu.memory_space<vmem>>
    %dma_start3A_30 = tpu.memref_squeeze %dma_start3A_29 : memref<1x64x768xf32, #tpu.memory_space<vmem>> -> memref<64x768xf32, #tpu.memory_space<vmem>>
    %dma_start3A_31 = arith.constant 0 : i32
    %dma_start3A_32 = tpu.memref_slice %arg5[%dma_start3A_26, %dma_start3A_31] : memref<2x64xi32, #tpu.memory_space<vmem>> -> memref<1x64xi32, #tpu.memory_space<vmem>>
    %dma_start3A_33 = tpu.memref_squeeze %dma_start3A_32 : memref<1x64xi32, #tpu.memory_space<vmem>> -> memref<64xi32, #tpu.memory_space<vmem>>
    %dma_start3A_34 = arith.constant 0 : i32
    %dma_start3A_35 = arith.constant 0 : i32
    %dma_start3A_36 = tpu.memref_slice %arg4[%dma_start3A_34, %dma_start3A_35] : memref<32768x768xf32, #tpu.memory_space<hbm>> -> memref<32768x768xf32, #tpu.memory_space<hbm>>
    tpu.enqueue_indirect_dma source(%dma_start3A_30 : memref<64x768xf32, #tpu.memory_space<vmem>>) target(%dma_start3A_36 : memref<32768x768xf32, #tpu.memory_space<hbm>>) offsets(%dma_start3A_33 : memref<64xi32, #tpu.memory_space<vmem>>) semaphore(%arg8 : memref<!tpu.dma_semaphore, #tpu.memory_space<semaphore_mem>>)
    %scan3A = arith.constant 0 : i32
    %scan3A_37 = arith.constant 1 : i32
    %scan3A_38 = arith.constant 7 : i32
    %scan3A_39 = arith.addi %scan3A_37, %scan3A_38 : i32
    %scan3A_40 = arith.constant 1 : i32
    scf.for %scan3A_65 = %scan3A_37 to %scan3A_39 step %scan3A_40  : i32 {
      %mul3A_66 = arith.constant 2 : i32
      %mul3A_67 = arith.muli %mul3A_66, %scan3A_65 : i32
      %add3A_68 = arith.constant 0 : i32
      %add3A_69 = arith.addi %mul3A_67, %add3A_68 : i32
      %dma_wait3A_70 = arith.constant 0 : i32
      %dma_wait3A_71 = arith.constant 0 : i32
      %dma_wait3A_72 = arith.constant 0 : i32
      %dma_wait3A_73 = arith.constant 0 : i32
      %dma_wait3A_74 = tpu.memref_slice %arg6[%dma_wait3A_70, %dma_wait3A_72, %dma_wait3A_73] : memref<2x64x768xf32, #tpu.memory_space<vmem>> -> memref<1x64x768xf32, #tpu.memory_space<vmem>>
      %dma_wait3A_75 = tpu.memref_squeeze %dma_wait3A_74 : memref<1x64x768xf32, #tpu.memory_space<vmem>> -> memref<64x768xf32, #tpu.memory_space<vmem>>
      %dma_wait3A_76 = arith.constant 0 : i32
      %dma_wait3A_77 = tpu.memref_slice %arg5[%dma_wait3A_71, %dma_wait3A_76] : memref<2x64xi32, #tpu.memory_space<vmem>> -> memref<1x64xi32, #tpu.memory_space<vmem>>
      %dma_wait3A_78 = tpu.memref_squeeze %dma_wait3A_77 : memref<1x64xi32, #tpu.memory_space<vmem>> -> memref<64xi32, #tpu.memory_space<vmem>>
      %dma_wait3A_79 = arith.constant 0 : i32
      %dma_wait3A_80 = arith.constant 0 : i32
      %dma_wait3A_81 = tpu.memref_slice %arg4[%dma_wait3A_79, %dma_wait3A_80] : memref<32768x768xf32, #tpu.memory_space<hbm>> -> memref<32768x768xf32, #tpu.memory_space<hbm>>
      tpu.wait_indirect_dma semaphore(%arg7 : memref<!tpu.dma_semaphore, #tpu.memory_space<semaphore_mem>>) src(%dma_wait3A_75 : memref<64x768xf32, #tpu.memory_space<vmem>>) dst(%dma_wait3A_81 : memref<32768x768xf32, #tpu.memory_space<hbm>>)
      %mul3A_82 = arith.constant 64 : i32
      %mul3A_83 = arith.muli %add3A_69, %mul3A_82 : i32
      %add3A_84 = arith.addi %mul3A_2, %mul3A_83 : i32
      %run_scoped3A_85 = arith.constant 0 : i32
      "tpu.region"() ({
        %run_scoped3A_138 = tpu.sem_alloc : memref<!tpu.dma_semaphore, #tpu.memory_space<semaphore_mem>>
        %dma_start3A_139 = arith.constant 0 : i32
        %dma_start3A_140 = tpu.memref_slice %arg5[%run_scoped3A_85, %dma_start3A_139] : memref<2x64xi32, #tpu.memory_space<vmem>> -> memref<1x64xi32, #tpu.memory_space<vmem>>
        %dma_start3A_141 = tpu.memref_squeeze %dma_start3A_140 : memref<1x64xi32, #tpu.memory_space<vmem>> -> memref<64xi32, #tpu.memory_space<vmem>>
        %dma_start3A_142 = tpu.memref_slice %arg3[%add3A_84] : memref<32768xi32, #tpu.memory_space<hbm>> -> memref<64xi32, #tpu.memory_space<hbm>>
        %dma_start3A_143 = arith.constant 0 : i32
        %dma_start3A_144 = tpu.memref_slice %arg5[%run_scoped3A_85, %dma_start3A_143] : memref<2x64xi32, #tpu.memory_space<vmem>> -> memref<1x64xi32, #tpu.memory_space<vmem>>
        %dma_start3A_145 = tpu.memref_squeeze %dma_start3A_144 : memref<1x64xi32, #tpu.memory_space<vmem>> -> memref<64xi32, #tpu.memory_space<vmem>>
        %dma_start3A_146 = tpu.memref_slice %arg3[%add3A_84] : memref<32768xi32, #tpu.memory_space<hbm>> -> memref<64xi32, #tpu.memory_space<hbm>>
        tpu.enqueue_dma source(%dma_start3A_146 : memref<64xi32, #tpu.memory_space<hbm>>) target(%dma_start3A_145 : memref<64xi32, #tpu.memory_space<vmem>>) target_semaphore(%run_scoped3A_138 : memref<!tpu.dma_semaphore, #tpu.memory_space<semaphore_mem>>)
        %dma_wait3A_147 = arith.constant 0 : i32
        %dma_wait3A_148 = tpu.memref_slice %arg5[%run_scoped3A_85, %dma_wait3A_147] : memref<2x64xi32, #tpu.memory_space<vmem>> -> memref<1x64xi32, #tpu.memory_space<vmem>>
        %dma_wait3A_149 = tpu.memref_squeeze %dma_wait3A_148 : memref<1x64xi32, #tpu.memory_space<vmem>> -> memref<64xi32, #tpu.memory_space<vmem>>
        %dma_wait3A_150 = tpu.memref_slice %arg3[%add3A_84] : memref<32768xi32, #tpu.memory_space<hbm>> -> memref<64xi32, #tpu.memory_space<hbm>>
        %dma_wait3A_151 = arith.constant 0 : i32
        %dma_wait3A_152 = tpu.memref_slice %arg5[%run_scoped3A_85, %dma_wait3A_151] : memref<2x64xi32, #tpu.memory_space<vmem>> -> memref<1x64xi32, #tpu.memory_space<vmem>>
        %dma_wait3A_153 = tpu.memref_squeeze %dma_wait3A_152 : memref<1x64xi32, #tpu.memory_space<vmem>> -> memref<64xi32, #tpu.memory_space<vmem>>
        %dma_wait3A_154 = tpu.memref_slice %arg3[%add3A_84] : memref<32768xi32, #tpu.memory_space<hbm>> -> memref<64xi32, #tpu.memory_space<hbm>>
        tpu.wait_dma2 semaphore(%run_scoped3A_138 : memref<!tpu.dma_semaphore, #tpu.memory_space<semaphore_mem>>) src(%dma_wait3A_154 : memref<64xi32, #tpu.memory_space<hbm>>) dst(%dma_wait3A_153 : memref<64xi32, #tpu.memory_space<vmem>>)
        tpu.yield
      }) : () -> ()
      %mul3A_86 = arith.constant 64 : i32
      %mul3A_87 = arith.muli %add3A_69, %mul3A_86 : i32
      %add3A_88 = arith.addi %mul3A_2, %mul3A_87 : i32
      %run_scoped3A_89 = arith.constant 0 : i32
      "tpu.region"() ({
        %run_scoped3A_138 = tpu.sem_alloc : memref<!tpu.dma_semaphore, #tpu.memory_space<semaphore_mem>>
        %dma_start3A_139 = arith.constant 0 : i32
        %dma_start3A_140 = arith.constant 0 : i32
        %dma_start3A_141 = tpu.memref_slice %arg6[%run_scoped3A_89, %dma_start3A_139, %dma_start3A_140] : memref<2x64x768xf32, #tpu.memory_space<vmem>> -> memref<1x64x768xf32, #tpu.memory_space<vmem>>
        %dma_start3A_142 = tpu.memref_squeeze %dma_start3A_141 : memref<1x64x768xf32, #tpu.memory_space<vmem>> -> memref<64x768xf32, #tpu.memory_space<vmem>>
        %dma_start3A_143 = arith.constant 0 : i32
        %dma_start3A_144 = tpu.memref_slice %arg2[%add3A_88, %dma_start3A_143] : memref<32768x768xf32, #tpu.memory_space<hbm>> -> memref<64x768xf32, #tpu.memory_space<hbm>>
        %dma_start3A_145 = arith.constant 0 : i32
        %dma_start3A_146 = arith.constant 0 : i32
        %dma_start3A_147 = tpu.memref_slice %arg6[%run_scoped3A_89, %dma_start3A_145, %dma_start3A_146] : memref<2x64x768xf32, #tpu.memory_space<vmem>> -> memref<1x64x768xf32, #tpu.memory_space<vmem>>
        %dma_start3A_148 = tpu.memref_squeeze %dma_start3A_147 : memref<1x64x768xf32, #tpu.memory_space<vmem>> -> memref<64x768xf32, #tpu.memory_space<vmem>>
        %dma_start3A_149 = arith.constant 0 : i32
        %dma_start3A_150 = tpu.memref_slice %arg2[%add3A_88, %dma_start3A_149] : memref<32768x768xf32, #tpu.memory_space<hbm>> -> memref<64x768xf32, #tpu.memory_space<hbm>>
        tpu.enqueue_dma source(%dma_start3A_150 : memref<64x768xf32, #tpu.memory_space<hbm>>) target(%dma_start3A_148 : memref<64x768xf32, #tpu.memory_space<vmem>>) target_semaphore(%run_scoped3A_138 : memref<!tpu.dma_semaphore, #tpu.memory_space<semaphore_mem>>)
        %dma_wait3A_151 = arith.constant 0 : i32
        %dma_wait3A_152 = arith.constant 0 : i32
        %dma_wait3A_153 = tpu.memref_slice %arg6[%run_scoped3A_89, %dma_wait3A_151, %dma_wait3A_152] : memref<2x64x768xf32, #tpu.memory_space<vmem>> -> memref<1x64x768xf32, #tpu.memory_space<vmem>>
        %dma_wait3A_154 = tpu.memref_squeeze %dma_wait3A_153 : memref<1x64x768xf32, #tpu.memory_space<vmem>> -> memref<64x768xf32, #tpu.memory_space<vmem>>
        %dma_wait3A_155 = arith.constant 0 : i32
        %dma_wait3A_156 = tpu.memref_slice %arg2[%add3A_88, %dma_wait3A_155] : memref<32768x768xf32, #tpu.memory_space<hbm>> -> memref<64x768xf32, #tpu.memory_space<hbm>>
        %dma_wait3A_157 = arith.constant 0 : i32
        %dma_wait3A_158 = arith.constant 0 : i32
        %dma_wait3A_159 = tpu.memref_slice %arg6[%run_scoped3A_89, %dma_wait3A_157, %dma_wait3A_158] : memref<2x64x768xf32, #tpu.memory_space<vmem>> -> memref<1x64x768xf32, #tpu.memory_space<vmem>>
        %dma_wait3A_160 = tpu.memref_squeeze %dma_wait3A_159 : memref<1x64x768xf32, #tpu.memory_space<vmem>> -> memref<64x768xf32, #tpu.memory_space<vmem>>
        %dma_wait3A_161 = arith.constant 0 : i32
        %dma_wait3A_162 = tpu.memref_slice %arg2[%add3A_88, %dma_wait3A_161] : memref<32768x768xf32, #tpu.memory_space<hbm>> -> memref<64x768xf32, #tpu.memory_space<hbm>>
        tpu.wait_dma2 semaphore(%run_scoped3A_138 : memref<!tpu.dma_semaphore, #tpu.memory_space<semaphore_mem>>) src(%dma_wait3A_162 : memref<64x768xf32, #tpu.memory_space<hbm>>) dst(%dma_wait3A_160 : memref<64x768xf32, #tpu.memory_space<vmem>>)
        tpu.yield
      }) : () -> ()
      %dma_start3A_90 = arith.constant 0 : i32
      %dma_start3A_91 = arith.constant 0 : i32
      %dma_start3A_92 = arith.constant 0 : i32
      %dma_start3A_93 = arith.constant 0 : i32
      %dma_start3A_94 = tpu.memref_slice %arg6[%dma_start3A_90, %dma_start3A_92, %dma_start3A_93] : memref<2x64x768xf32, #tpu.memory_space<vmem>> -> memref<1x64x768xf32, #tpu.memory_space<vmem>>
      %dma_start3A_95 = tpu.memref_squeeze %dma_start3A_94 : memref<1x64x768xf32, #tpu.memory_space<vmem>> -> memref<64x768xf32, #tpu.memory_space<vmem>>
      %dma_start3A_96 = arith.constant 0 : i32
      %dma_start3A_97 = tpu.memref_slice %arg5[%dma_start3A_91, %dma_start3A_96] : memref<2x64xi32, #tpu.memory_space<vmem>> -> memref<1x64xi32, #tpu.memory_space<vmem>>
      %dma_start3A_98 = tpu.memref_squeeze %dma_start3A_97 : memref<1x64xi32, #tpu.memory_space<vmem>> -> memref<64xi32, #tpu.memory_space<vmem>>
      %dma_start3A_99 = arith.constant 0 : i32
      %dma_start3A_100 = arith.constant 0 : i32
      %dma_start3A_101 = tpu.memref_slice %arg4[%dma_start3A_99, %dma_start3A_100] : memref<32768x768xf32, #tpu.memory_space<hbm>> -> memref<32768x768xf32, #tpu.memory_space<hbm>>
      tpu.enqueue_indirect_dma source(%dma_start3A_95 : memref<64x768xf32, #tpu.memory_space<vmem>>) target(%dma_start3A_101 : memref<32768x768xf32, #tpu.memory_space<hbm>>) offsets(%dma_start3A_98 : memref<64xi32, #tpu.memory_space<vmem>>) semaphore(%arg7 : memref<!tpu.dma_semaphore, #tpu.memory_space<semaphore_mem>>)
      %mul3A_102 = arith.constant 2 : i32
      %mul3A_103 = arith.muli %mul3A_102, %scan3A_65 : i32
      %add3A_104 = arith.constant 1 : i32
      %add3A_105 = arith.addi %mul3A_103, %add3A_104 : i32
      %dma_wait3A_106 = arith.constant 1 : i32
      %dma_wait3A_107 = arith.constant 1 : i32
      %dma_wait3A_108 = arith.constant 0 : i32
      %dma_wait3A_109 = arith.constant 0 : i32
      %dma_wait3A_110 = tpu.memref_slice %arg6[%dma_wait3A_106, %dma_wait3A_108, %dma_wait3A_109] : memref<2x64x768xf32, #tpu.memory_space<vmem>> -> memref<1x64x768xf32, #tpu.memory_space<vmem>>
      %dma_wait3A_111 = tpu.memref_squeeze %dma_wait3A_110 : memref<1x64x768xf32, #tpu.memory_space<vmem>> -> memref<64x768xf32, #tpu.memory_space<vmem>>
      %dma_wait3A_112 = arith.constant 0 : i32
      %dma_wait3A_113 = tpu.memref_slice %arg5[%dma_wait3A_107, %dma_wait3A_112] : memref<2x64xi32, #tpu.memory_space<vmem>> -> memref<1x64xi32, #tpu.memory_space<vmem>>
      %dma_wait3A_114 = tpu.memref_squeeze %dma_wait3A_113 : memref<1x64xi32, #tpu.memory_space<vmem>> -> memref<64xi32, #tpu.memory_space<vmem>>
      %dma_wait3A_115 = arith.constant 0 : i32
      %dma_wait3A_116 = arith.constant 0 : i32
      %dma_wait3A_117 = tpu.memref_slice %arg4[%dma_wait3A_115, %dma_wait3A_116] : memref<32768x768xf32, #tpu.memory_space<hbm>> -> memref<32768x768xf32, #tpu.memory_space<hbm>>
      tpu.wait_indirect_dma semaphore(%arg8 : memref<!tpu.dma_semaphore, #tpu.memory_space<semaphore_mem>>) src(%dma_wait3A_111 : memref<64x768xf32, #tpu.memory_space<vmem>>) dst(%dma_wait3A_117 : memref<32768x768xf32, #tpu.memory_space<hbm>>)
      %mul3A_118 = arith.constant 64 : i32
      %mul3A_119 = arith.muli %add3A_105, %mul3A_118 : i32
      %add3A_120 = arith.addi %mul3A_2, %mul3A_119 : i32
      %run_scoped3A_121 = arith.constant 1 : i32
      "tpu.region"() ({
        %run_scoped3A_138 = tpu.sem_alloc : memref<!tpu.dma_semaphore, #tpu.memory_space<semaphore_mem>>
        %dma_start3A_139 = arith.constant 0 : i32
        %dma_start3A_140 = tpu.memref_slice %arg5[%run_scoped3A_121, %dma_start3A_139] : memref<2x64xi32, #tpu.memory_space<vmem>> -> memref<1x64xi32, #tpu.memory_space<vmem>>
        %dma_start3A_141 = tpu.memref_squeeze %dma_start3A_140 : memref<1x64xi32, #tpu.memory_space<vmem>> -> memref<64xi32, #tpu.memory_space<vmem>>
        %dma_start3A_142 = tpu.memref_slice %arg3[%add3A_120] : memref<32768xi32, #tpu.memory_space<hbm>> -> memref<64xi32, #tpu.memory_space<hbm>>
        %dma_start3A_143 = arith.constant 0 : i32
        %dma_start3A_144 = tpu.memref_slice %arg5[%run_scoped3A_121, %dma_start3A_143] : memref<2x64xi32, #tpu.memory_space<vmem>> -> memref<1x64xi32, #tpu.memory_space<vmem>>
        %dma_start3A_145 = tpu.memref_squeeze %dma_start3A_144 : memref<1x64xi32, #tpu.memory_space<vmem>> -> memref<64xi32, #tpu.memory_space<vmem>>
        %dma_start3A_146 = tpu.memref_slice %arg3[%add3A_120] : memref<32768xi32, #tpu.memory_space<hbm>> -> memref<64xi32, #tpu.memory_space<hbm>>
        tpu.enqueue_dma source(%dma_start3A_146 : memref<64xi32, #tpu.memory_space<hbm>>) target(%dma_start3A_145 : memref<64xi32, #tpu.memory_space<vmem>>) target_semaphore(%run_scoped3A_138 : memref<!tpu.dma_semaphore, #tpu.memory_space<semaphore_mem>>)
        %dma_wait3A_147 = arith.constant 0 : i32
        %dma_wait3A_148 = tpu.memref_slice %arg5[%run_scoped3A_121, %dma_wait3A_147] : memref<2x64xi32, #tpu.memory_space<vmem>> -> memref<1x64xi32, #tpu.memory_space<vmem>>
        %dma_wait3A_149 = tpu.memref_squeeze %dma_wait3A_148 : memref<1x64xi32, #tpu.memory_space<vmem>> -> memref<64xi32, #tpu.memory_space<vmem>>
        %dma_wait3A_150 = tpu.memref_slice %arg3[%add3A_120] : memref<32768xi32, #tpu.memory_space<hbm>> -> memref<64xi32, #tpu.memory_space<hbm>>
        %dma_wait3A_151 = arith.constant 0 : i32
        %dma_wait3A_152 = tpu.memref_slice %arg5[%run_scoped3A_121, %dma_wait3A_151] : memref<2x64xi32, #tpu.memory_space<vmem>> -> memref<1x64xi32, #tpu.memory_space<vmem>>
        %dma_wait3A_153 = tpu.memref_squeeze %dma_wait3A_152 : memref<1x64xi32, #tpu.memory_space<vmem>> -> memref<64xi32, #tpu.memory_space<vmem>>
        %dma_wait3A_154 = tpu.memref_slice %arg3[%add3A_120] : memref<32768xi32, #tpu.memory_space<hbm>> -> memref<64xi32, #tpu.memory_space<hbm>>
        tpu.wait_dma2 semaphore(%run_scoped3A_138 : memref<!tpu.dma_semaphore, #tpu.memory_space<semaphore_mem>>) src(%dma_wait3A_154 : memref<64xi32, #tpu.memory_space<hbm>>) dst(%dma_wait3A_153 : memref<64xi32, #tpu.memory_space<vmem>>)
        tpu.yield
      }) : () -> ()
      %mul3A_122 = arith.constant 64 : i32
      %mul3A_123 = arith.muli %add3A_105, %mul3A_122 : i32
      %add3A_124 = arith.addi %mul3A_2, %mul3A_123 : i32
      %run_scoped3A_125 = arith.constant 1 : i32
      "tpu.region"() ({
        %run_scoped3A_138 = tpu.sem_alloc : memref<!tpu.dma_semaphore, #tpu.memory_space<semaphore_mem>>
        %dma_start3A_139 = arith.constant 0 : i32
        %dma_start3A_140 = arith.constant 0 : i32
        %dma_start3A_141 = tpu.memref_slice %arg6[%run_scoped3A_125, %dma_start3A_139, %dma_start3A_140] : memref<2x64x768xf32, #tpu.memory_space<vmem>> -> memref<1x64x768xf32, #tpu.memory_space<vmem>>
        %dma_start3A_142 = tpu.memref_squeeze %dma_start3A_141 : memref<1x64x768xf32, #tpu.memory_space<vmem>> -> memref<64x768xf32, #tpu.memory_space<vmem>>
        %dma_start3A_143 = arith.constant 0 : i32
        %dma_start3A_144 = tpu.memref_slice %arg2[%add3A_124, %dma_start3A_143] : memref<32768x768xf32, #tpu.memory_space<hbm>> -> memref<64x768xf32, #tpu.memory_space<hbm>>
        %dma_start3A_145 = arith.constant 0 : i32
        %dma_start3A_146 = arith.constant 0 : i32
        %dma_start3A_147 = tpu.memref_slice %arg6[%run_scoped3A_125, %dma_start3A_145, %dma_start3A_146] : memref<2x64x768xf32, #tpu.memory_space<vmem>> -> memref<1x64x768xf32, #tpu.memory_space<vmem>>
        %dma_start3A_148 = tpu.memref_squeeze %dma_start3A_147 : memref<1x64x768xf32, #tpu.memory_space<vmem>> -> memref<64x768xf32, #tpu.memory_space<vmem>>
        %dma_start3A_149 = arith.constant 0 : i32
        %dma_start3A_150 = tpu.memref_slice %arg2[%add3A_124, %dma_start3A_149] : memref<32768x768xf32, #tpu.memory_space<hbm>> -> memref<64x768xf32, #tpu.memory_space<hbm>>
        tpu.enqueue_dma source(%dma_start3A_150 : memref<64x768xf32, #tpu.memory_space<hbm>>) target(%dma_start3A_148 : memref<64x768xf32, #tpu.memory_space<vmem>>) target_semaphore(%run_scoped3A_138 : memref<!tpu.dma_semaphore, #tpu.memory_space<semaphore_mem>>)
        %dma_wait3A_151 = arith.constant 0 : i32
        %dma_wait3A_152 = arith.constant 0 : i32
        %dma_wait3A_153 = tpu.memref_slice %arg6[%run_scoped3A_125, %dma_wait3A_151, %dma_wait3A_152] : memref<2x64x768xf32, #tpu.memory_space<vmem>> -> memref<1x64x768xf32, #tpu.memory_space<vmem>>
        %dma_wait3A_154 = tpu.memref_squeeze %dma_wait3A_153 : memref<1x64x768xf32, #tpu.memory_space<vmem>> -> memref<64x768xf32, #tpu.memory_space<vmem>>
        %dma_wait3A_155 = arith.constant 0 : i32
        %dma_wait3A_156 = tpu.memref_slice %arg2[%add3A_124, %dma_wait3A_155] : memref<32768x768xf32, #tpu.memory_space<hbm>> -> memref<64x768xf32, #tpu.memory_space<hbm>>
        %dma_wait3A_157 = arith.constant 0 : i32
        %dma_wait3A_158 = arith.constant 0 : i32
        %dma_wait3A_159 = tpu.memref_slice %arg6[%run_scoped3A_125, %dma_wait3A_157, %dma_wait3A_158] : memref<2x64x768xf32, #tpu.memory_space<vmem>> -> memref<1x64x768xf32, #tpu.memory_space<vmem>>
        %dma_wait3A_160 = tpu.memref_squeeze %dma_wait3A_159 : memref<1x64x768xf32, #tpu.memory_space<vmem>> -> memref<64x768xf32, #tpu.memory_space<vmem>>
        %dma_wait3A_161 = arith.constant 0 : i32
        %dma_wait3A_162 = tpu.memref_slice %arg2[%add3A_124, %dma_wait3A_161] : memref<32768x768xf32, #tpu.memory_space<hbm>> -> memref<64x768xf32, #tpu.memory_space<hbm>>
        tpu.wait_dma2 semaphore(%run_scoped3A_138 : memref<!tpu.dma_semaphore, #tpu.memory_space<semaphore_mem>>) src(%dma_wait3A_162 : memref<64x768xf32, #tpu.memory_space<hbm>>) dst(%dma_wait3A_160 : memref<64x768xf32, #tpu.memory_space<vmem>>)
        tpu.yield
      }) : () -> ()
      %dma_start3A_126 = arith.constant 1 : i32
      %dma_start3A_127 = arith.constant 1 : i32
      %dma_start3A_128 = arith.constant 0 : i32
      %dma_start3A_129 = arith.constant 0 : i32
      %dma_start3A_130 = tpu.memref_slice %arg6[%dma_start3A_126, %dma_start3A_128, %dma_start3A_129] : memref<2x64x768xf32, #tpu.memory_space<vmem>> -> memref<1x64x768xf32, #tpu.memory_space<vmem>>
      %dma_start3A_131 = tpu.memref_squeeze %dma_start3A_130 : memref<1x64x768xf32, #tpu.memory_space<vmem>> -> memref<64x768xf32, #tpu.memory_space<vmem>>
      %dma_start3A_132 = arith.constant 0 : i32
      %dma_start3A_133 = tpu.memref_slice %arg5[%dma_start3A_127, %dma_start3A_132] : memref<2x64xi32, #tpu.memory_space<vmem>> -> memref<1x64xi32, #tpu.memory_space<vmem>>
      %dma_start3A_134 = tpu.memref_squeeze %dma_start3A_133 : memref<1x64xi32, #tpu.memory_space<vmem>> -> memref<64xi32, #tpu.memory_space<vmem>>
      %dma_start3A_135 = arith.constant 0 : i32
      %dma_start3A_136 = arith.constant 0 : i32
      %dma_start3A_137 = tpu.memref_slice %arg4[%dma_start3A_135, %dma_start3A_136] : memref<32768x768xf32, #tpu.memory_space<hbm>> -> memref<32768x768xf32, #tpu.memory_space<hbm>>
      tpu.enqueue_indirect_dma source(%dma_start3A_131 : memref<64x768xf32, #tpu.memory_space<vmem>>) target(%dma_start3A_137 : memref<32768x768xf32, #tpu.memory_space<hbm>>) offsets(%dma_start3A_134 : memref<64xi32, #tpu.memory_space<vmem>>) semaphore(%arg8 : memref<!tpu.dma_semaphore, #tpu.memory_space<semaphore_mem>>)
    }
    %scan3A_41 = arith.constant 7 : i32
    %dma_wait3A = arith.constant 0 : i32
    %dma_wait3A_42 = arith.constant 0 : i32
    %dma_wait3A_43 = arith.constant 0 : i32
    %dma_wait3A_44 = arith.constant 0 : i32
    %dma_wait3A_45 = tpu.memref_slice %arg6[%dma_wait3A, %dma_wait3A_43, %dma_wait3A_44] : memref<2x64x768xf32, #tpu.memory_space<vmem>> -> memref<1x64x768xf32, #tpu.memory_space<vmem>>
    %dma_wait3A_46 = tpu.memref_squeeze %dma_wait3A_45 : memref<1x64x768xf32, #tpu.memory_space<vmem>> -> memref<64x768xf32, #tpu.memory_space<vmem>>
    %dma_wait3A_47 = arith.constant 0 : i32
    %dma_wait3A_48 = tpu.memref_slice %arg5[%dma_wait3A_42, %dma_wait3A_47] : memref<2x64xi32, #tpu.memory_space<vmem>> -> memref<1x64xi32, #tpu.memory_space<vmem>>
    %dma_wait3A_49 = tpu.memref_squeeze %dma_wait3A_48 : memref<1x64xi32, #tpu.memory_space<vmem>> -> memref<64xi32, #tpu.memory_space<vmem>>
    %dma_wait3A_50 = arith.constant 0 : i32
    %dma_wait3A_51 = arith.constant 0 : i32
    %dma_wait3A_52 = tpu.memref_slice %arg4[%dma_wait3A_50, %dma_wait3A_51] : memref<32768x768xf32, #tpu.memory_space<hbm>> -> memref<32768x768xf32, #tpu.memory_space<hbm>>
    tpu.wait_indirect_dma semaphore(%arg7 : memref<!tpu.dma_semaphore, #tpu.memory_space<semaphore_mem>>) src(%dma_wait3A_46 : memref<64x768xf32, #tpu.memory_space<vmem>>) dst(%dma_wait3A_52 : memref<32768x768xf32, #tpu.memory_space<hbm>>)
    %dma_wait3A_53 = arith.constant 1 : i32
    %dma_wait3A_54 = arith.constant 1 : i32
    %dma_wait3A_55 = arith.constant 0 : i32
    %dma_wait3A_56 = arith.constant 0 : i32
    %dma_wait3A_57 = tpu.memref_slice %arg6[%dma_wait3A_53, %dma_wait3A_55, %dma_wait3A_56] : memref<2x64x768xf32, #tpu.memory_space<vmem>> -> memref<1x64x768xf32, #tpu.memory_space<vmem>>
    %dma_wait3A_58 = tpu.memref_squeeze %dma_wait3A_57 : memref<1x64x768xf32, #tpu.memory_space<vmem>> -> memref<64x768xf32, #tpu.memory_space<vmem>>
    %dma_wait3A_59 = arith.constant 0 : i32
    %dma_wait3A_60 = tpu.memref_slice %arg5[%dma_wait3A_54, %dma_wait3A_59] : memref<2x64xi32, #tpu.memory_space<vmem>> -> memref<1x64xi32, #tpu.memory_space<vmem>>
    %dma_wait3A_61 = tpu.memref_squeeze %dma_wait3A_60 : memref<1x64xi32, #tpu.memory_space<vmem>> -> memref<64xi32, #tpu.memory_space<vmem>>
    %dma_wait3A_62 = arith.constant 0 : i32
    %dma_wait3A_63 = arith.constant 0 : i32
    %dma_wait3A_64 = tpu.memref_slice %arg4[%dma_wait3A_62, %dma_wait3A_63] : memref<32768x768xf32, #tpu.memory_space<hbm>> -> memref<32768x768xf32, #tpu.memory_space<hbm>>
    tpu.wait_indirect_dma semaphore(%arg8 : memref<!tpu.dma_semaphore, #tpu.memory_space<semaphore_mem>>) src(%dma_wait3A_58 : memref<64x768xf32, #tpu.memory_space<vmem>>) dst(%dma_wait3A_64 : memref<32768x768xf32, #tpu.memory_space<hbm>>)
    return
  }
}

module attributes {stable_mosaic.version = 14 : i64} {
  func.func @_sig_kernel(%arg0: memref<3072x768xf32, #tpu.memory_space<vmem>>, %arg1: memref<8x768xf32, #tpu.memory_space<vmem>>) attributes {dimension_semantics = [], scalar_prefetch = 0 : i64, scratch_operands = 0 : i64, tpu.core_type = #tpu.core_type<tc>} {
    %get3A = arith.constant 0 : index
    %get3A_0 = arith.constant 0 : index
    %get3A_1 = vector.load %arg0[%get3A, %get3A_0] : memref<3072x768xf32, #tpu.memory_space<vmem>>, vector<3072x768xf32>
    %reshape3A = vector.shape_cast %get3A_1 : vector<3072x768xf32> to vector<8x384x768xf32>
    %reduce_sum3A = arith.constant dense<0.000000e+00> : vector<8x768xf32>
    %reduce_sum3A_2 = vector.multi_reduction <add>, %reshape3A, %reduce_sum3A [1] : vector<8x384x768xf32> to vector<8x768xf32>
    %sign3A = tpu.bitcast %reduce_sum3A_2 : vector<8x768xf32> -> vector<8x768xi32>
    %sign3A_3 = arith.constant -2147483648 : i32
    %sign3A_4 = vector.broadcast %sign3A_3 : i32 to vector<8x768xi32>
    %sign3A_5 = arith.andi %sign3A, %sign3A_4 : vector<8x768xi32>
    %sign3A_6 = arith.constant 1065353216 : i32
    %sign3A_7 = vector.broadcast %sign3A_6 : i32 to vector<8x768xi32>
    %sign3A_8 = arith.ori %sign3A_7, %sign3A_5 : vector<8x768xi32>
    %sign3A_9 = tpu.bitcast %sign3A_8 : vector<8x768xi32> -> vector<8x768xf32>
    %sign3A_10 = math.absf %reduce_sum3A_2 : vector<8x768xf32>
    %sign3A_11 = arith.constant 0.000000e+00 : f32
    %sign3A_12 = vector.broadcast %sign3A_11 : f32 to vector<8x768xf32>
    %sign3A_13 = arith.cmpf ogt, %sign3A_10, %sign3A_12 : vector<8x768xf32>
    %sign3A_14 = arith.select %sign3A_13, %sign3A_9, %reduce_sum3A_2 : vector<8x768xi1>, vector<8x768xf32>
    %swap3A = arith.constant 0 : index
    %swap3A_15 = arith.constant 0 : index
    %swap3A_16 = vector.load %arg1[%swap3A, %swap3A_15] : memref<8x768xf32, #tpu.memory_space<vmem>>, vector<8x768xf32>
    tpu.vector_store %arg1[%swap3A, %swap3A_15], %sign3A_14 {strides = array<i32>} : memref<8x768xf32, #tpu.memory_space<vmem>>, vector<8x768xf32>,
    return
  }
}

module attributes {stable_mosaic.version = 14 : i64} {
  func.func @_dest_kernel(%arg0: i32, %arg1: memref<512x8xf32, #tpu.memory_space<vmem>>, %arg2: memref<64x1x8xi32, #tpu.memory_space<vmem>>, %arg3: memref<512x512xf32, #tpu.memory_space<vmem>>, %arg4: memref<1x1x512xi32, #tpu.memory_space<vmem>>, %arg5: memref<1x16xi32, #tpu.memory_space<vmem>>) attributes {dimension_semantics = [#tpu.dimension_semantics<arbitrary>], iteration_bounds = array<i64: 64>, scalar_prefetch = 0 : i64, scratch_operands = 0 : i64, tpu.core_type = #tpu.core_type<tc>, window_params = [{transform_indices = @transform_0, window_bounds = array<i64: 512, 8>}, {pipeline_mode = #tpu.pipeline_mode<synchronous>, transform_indices = @transform_1, window_bounds = array<i64: 64, 1, 8>}, {pipeline_mode = #tpu.pipeline_mode<synchronous>, transform_indices = @transform_2, window_bounds = array<i64: 512, 512>}, {transform_indices = @transform_3, window_bounds = array<i64: 1, 1, 512>}, {pipeline_mode = #tpu.pipeline_mode<synchronous>, transform_indices = @transform_4, window_bounds = array<i64: 1, 16>}]} {
    %get3A = arith.constant 0 : index
    %get3A_0 = arith.constant 0 : index
    %get3A_1 = arith.constant 0 : index
    %get3A_2 = vector.load %arg2[%get3A, %get3A_0, %get3A_1] : memref<64x1x8xi32, #tpu.memory_space<vmem>>, vector<64x1x8xi32>
    %reshape3A = vector.shape_cast %get3A_2 : vector<64x1x8xi32> to vector<64x8xi32>
    %convert_element_type3A = arith.sitofp %reshape3A : vector<64x8xi32> to vector<64x8xf32>
    %iota3A = tpu.iota {dimensions = array<i32: 0>} : vector<64x8xi32>
    %lt3A = vector.broadcast %arg0 : i32 to vector<64x8xi32>
    %lt3A_3 = arith.cmpi slt, %iota3A, %lt3A : vector<64x8xi32>
    %convert_element_type3A_4 = arith.extui %lt3A_3 : vector<64x8xi1> to vector<64x8xi32>
    %convert_element_type3A_5 = arith.sitofp %convert_element_type3A_4 : vector<64x8xi32> to vector<64x8xf32>
    %mul3A = arith.mulf %convert_element_type3A, %convert_element_type3A_5 : vector<64x8xf32>
    %reduce_sum3A = arith.constant dense<0.000000e+00> : vector<8xf32>
    %reduce_sum3A_6 = vector.multi_reduction <add>, %mul3A, %reduce_sum3A [0] : vector<64x8xf32> to vector<8xf32>
    %broadcast_in_dim3A = vector.shape_cast %reduce_sum3A_6 : vector<8xf32> to vector<1x8xf32>
    %reduce_sum3A_7 = arith.constant dense<0.000000e+00> : vector<8xf32>
    %reduce_sum3A_8 = vector.multi_reduction <add>, %convert_element_type3A, %reduce_sum3A_7 [0] : vector<64x8xf32> to vector<8xf32>
    %broadcast_in_dim3A_9 = vector.shape_cast %reduce_sum3A_8 : vector<8xf32> to vector<1x8xf32>
    %iota3A_10 = tpu.iota {dimensions = array<i32: 1>} : vector<1x8xi32>
    %iota3A_11 = tpu.iota {dimensions = array<i32: 1>} : vector<1x16xi32>
    %broadcast_in_dim3A_12 = arith.constant 0.000000e+00 : f32
    %broadcast_in_dim3A_13 = vector.broadcast %broadcast_in_dim3A_12 : f32 to vector<1x16xf32>
    %eq3A = arith.constant 0 : i32
    %eq3A_14 = vector.broadcast %eq3A : i32 to vector<1x8xi32>
    %eq3A_15 = arith.cmpi eq, %iota3A_10, %eq3A_14 : vector<1x8xi32>
    %jit3A = arith.constant 0.000000e+00 : f32
    %broadcast_in_dim3A_16 = vector.broadcast %jit3A : f32 to vector<1x8xf32>
    %select_n3A = arith.select %eq3A_15, %broadcast_in_dim3A_9, %broadcast_in_dim3A_16 : vector<1x8xi1>, vector<1x8xf32>
    %reduce_sum3A_17 = arith.constant dense<0.000000e+00> : vector<1xf32>
    %reduce_sum3A_18 = vector.multi_reduction <add>, %select_n3A, %reduce_sum3A_17 [1] : vector<1x8xf32> to vector<1xf32>
    %broadcast_in_dim3A_19 = vector.shape_cast %reduce_sum3A_18 : vector<1xf32> to vector<1x1xf32>
    %gt3A = arith.constant 0 : i32
    %gt3A_20 = vector.broadcast %gt3A : i32 to vector<1x16xi32>
    %gt3A_21 = arith.cmpi sgt, %iota3A_11, %gt3A_20 : vector<1x16xi32>
    %jit3A_22 = arith.constant 0.000000e+00 : f32
    %broadcast_in_dim3A_23 = vector.shape_cast %broadcast_in_dim3A_19 : vector<1x1xf32> to vector<1x1xf32>
    %broadcast_in_dim3A_24 = vector.broadcast %broadcast_in_dim3A_23 : vector<1x1xf32> to vector<1x16xf32>
    %broadcast_in_dim3A_25 = vector.broadcast %jit3A_22 : f32 to vector<1x16xf32>
    %select_n3A_26 = arith.select %gt3A_21, %broadcast_in_dim3A_24, %broadcast_in_dim3A_25 : vector<1x16xi1>, vector<1x16xf32>
    %add3A = arith.addf %broadcast_in_dim3A_13, %select_n3A_26 : vector<1x16xf32>
    %eq3A_27 = arith.constant 1 : i32
    %eq3A_28 = vector.broadcast %eq3A_27 : i32 to vector<1x8xi32>
    %eq3A_29 = arith.cmpi eq, %iota3A_10, %eq3A_28 : vector<1x8xi32>
    %jit3A_30 = arith.constant 0.000000e+00 : f32
    %broadcast_in_dim3A_31 = vector.broadcast %jit3A_30 : f32 to vector<1x8xf32>
    %select_n3A_32 = arith.select %eq3A_29, %broadcast_in_dim3A_9, %broadcast_in_dim3A_31 : vector<1x8xi1>, vector<1x8xf32>
    %reduce_sum3A_33 = arith.constant dense<0.000000e+00> : vector<1xf32>
    %reduce_sum3A_34 = vector.multi_reduction <add>, %select_n3A_32, %reduce_sum3A_33 [1] : vector<1x8xf32> to vector<1xf32>
    %broadcast_in_dim3A_35 = vector.shape_cast %reduce_sum3A_34 : vector<1xf32> to vector<1x1xf32>
    %gt3A_36 = arith.constant 1 : i32
    %gt3A_37 = vector.broadcast %gt3A_36 : i32 to vector<1x16xi32>
    %gt3A_38 = arith.cmpi sgt, %iota3A_11, %gt3A_37 : vector<1x16xi32>
    %jit3A_39 = arith.constant 0.000000e+00 : f32
    %broadcast_in_dim3A_40 = vector.shape_cast %broadcast_in_dim3A_35 : vector<1x1xf32> to vector<1x1xf32>
    %broadcast_in_dim3A_41 = vector.broadcast %broadcast_in_dim3A_40 : vector<1x1xf32> to vector<1x16xf32>
    %broadcast_in_dim3A_42 = vector.broadcast %jit3A_39 : f32 to vector<1x16xf32>
    %select_n3A_43 = arith.select %gt3A_38, %broadcast_in_dim3A_41, %broadcast_in_dim3A_42 : vector<1x16xi1>, vector<1x16xf32>
    %add3A_44 = arith.addf %add3A, %select_n3A_43 : vector<1x16xf32>
    %eq3A_45 = arith.constant 2 : i32
    %eq3A_46 = vector.broadcast %eq3A_45 : i32 to vector<1x8xi32>
    %eq3A_47 = arith.cmpi eq, %iota3A_10, %eq3A_46 : vector<1x8xi32>
    %jit3A_48 = arith.constant 0.000000e+00 : f32
    %broadcast_in_dim3A_49 = vector.broadcast %jit3A_48 : f32 to vector<1x8xf32>
    %select_n3A_50 = arith.select %eq3A_47, %broadcast_in_dim3A_9, %broadcast_in_dim3A_49 : vector<1x8xi1>, vector<1x8xf32>
    %reduce_sum3A_51 = arith.constant dense<0.000000e+00> : vector<1xf32>
    %reduce_sum3A_52 = vector.multi_reduction <add>, %select_n3A_50, %reduce_sum3A_51 [1] : vector<1x8xf32> to vector<1xf32>
    %broadcast_in_dim3A_53 = vector.shape_cast %reduce_sum3A_52 : vector<1xf32> to vector<1x1xf32>
    %gt3A_54 = arith.constant 2 : i32
    %gt3A_55 = vector.broadcast %gt3A_54 : i32 to vector<1x16xi32>
    %gt3A_56 = arith.cmpi sgt, %iota3A_11, %gt3A_55 : vector<1x16xi32>
    %jit3A_57 = arith.constant 0.000000e+00 : f32
    %broadcast_in_dim3A_58 = vector.shape_cast %broadcast_in_dim3A_53 : vector<1x1xf32> to vector<1x1xf32>
    %broadcast_in_dim3A_59 = vector.broadcast %broadcast_in_dim3A_58 : vector<1x1xf32> to vector<1x16xf32>
    %broadcast_in_dim3A_60 = vector.broadcast %jit3A_57 : f32 to vector<1x16xf32>
    %select_n3A_61 = arith.select %gt3A_56, %broadcast_in_dim3A_59, %broadcast_in_dim3A_60 : vector<1x16xi1>, vector<1x16xf32>
    %add3A_62 = arith.addf %add3A_44, %select_n3A_61 : vector<1x16xf32>
    %eq3A_63 = arith.constant 3 : i32
    %eq3A_64 = vector.broadcast %eq3A_63 : i32 to vector<1x8xi32>
    %eq3A_65 = arith.cmpi eq, %iota3A_10, %eq3A_64 : vector<1x8xi32>
    %jit3A_66 = arith.constant 0.000000e+00 : f32
    %broadcast_in_dim3A_67 = vector.broadcast %jit3A_66 : f32 to vector<1x8xf32>
    %select_n3A_68 = arith.select %eq3A_65, %broadcast_in_dim3A_9, %broadcast_in_dim3A_67 : vector<1x8xi1>, vector<1x8xf32>
    %reduce_sum3A_69 = arith.constant dense<0.000000e+00> : vector<1xf32>
    %reduce_sum3A_70 = vector.multi_reduction <add>, %select_n3A_68, %reduce_sum3A_69 [1] : vector<1x8xf32> to vector<1xf32>
    %broadcast_in_dim3A_71 = vector.shape_cast %reduce_sum3A_70 : vector<1xf32> to vector<1x1xf32>
    %gt3A_72 = arith.constant 3 : i32
    %gt3A_73 = vector.broadcast %gt3A_72 : i32 to vector<1x16xi32>
    %gt3A_74 = arith.cmpi sgt, %iota3A_11, %gt3A_73 : vector<1x16xi32>
    %jit3A_75 = arith.constant 0.000000e+00 : f32
    %broadcast_in_dim3A_76 = vector.shape_cast %broadcast_in_dim3A_71 : vector<1x1xf32> to vector<1x1xf32>
    %broadcast_in_dim3A_77 = vector.broadcast %broadcast_in_dim3A_76 : vector<1x1xf32> to vector<1x16xf32>
    %broadcast_in_dim3A_78 = vector.broadcast %jit3A_75 : f32 to vector<1x16xf32>
    %select_n3A_79 = arith.select %gt3A_74, %broadcast_in_dim3A_77, %broadcast_in_dim3A_78 : vector<1x16xi1>, vector<1x16xf32>
    %add3A_80 = arith.addf %add3A_62, %select_n3A_79 : vector<1x16xf32>
    %eq3A_81 = arith.constant 4 : i32
    %eq3A_82 = vector.broadcast %eq3A_81 : i32 to vector<1x8xi32>
    %eq3A_83 = arith.cmpi eq, %iota3A_10, %eq3A_82 : vector<1x8xi32>
    %jit3A_84 = arith.constant 0.000000e+00 : f32
    %broadcast_in_dim3A_85 = vector.broadcast %jit3A_84 : f32 to vector<1x8xf32>
    %select_n3A_86 = arith.select %eq3A_83, %broadcast_in_dim3A_9, %broadcast_in_dim3A_85 : vector<1x8xi1>, vector<1x8xf32>
    %reduce_sum3A_87 = arith.constant dense<0.000000e+00> : vector<1xf32>
    %reduce_sum3A_88 = vector.multi_reduction <add>, %select_n3A_86, %reduce_sum3A_87 [1] : vector<1x8xf32> to vector<1xf32>
    %broadcast_in_dim3A_89 = vector.shape_cast %reduce_sum3A_88 : vector<1xf32> to vector<1x1xf32>
    %gt3A_90 = arith.constant 4 : i32
    %gt3A_91 = vector.broadcast %gt3A_90 : i32 to vector<1x16xi32>
    %gt3A_92 = arith.cmpi sgt, %iota3A_11, %gt3A_91 : vector<1x16xi32>
    %jit3A_93 = arith.constant 0.000000e+00 : f32
    %broadcast_in_dim3A_94 = vector.shape_cast %broadcast_in_dim3A_89 : vector<1x1xf32> to vector<1x1xf32>
    %broadcast_in_dim3A_95 = vector.broadcast %broadcast_in_dim3A_94 : vector<1x1xf32> to vector<1x16xf32>
    %broadcast_in_dim3A_96 = vector.broadcast %jit3A_93 : f32 to vector<1x16xf32>
    %select_n3A_97 = arith.select %gt3A_92, %broadcast_in_dim3A_95, %broadcast_in_dim3A_96 : vector<1x16xi1>, vector<1x16xf32>
    %add3A_98 = arith.addf %add3A_80, %select_n3A_97 : vector<1x16xf32>
    %eq3A_99 = arith.constant 5 : i32
    %eq3A_100 = vector.broadcast %eq3A_99 : i32 to vector<1x8xi32>
    %eq3A_101 = arith.cmpi eq, %iota3A_10, %eq3A_100 : vector<1x8xi32>
    %jit3A_102 = arith.constant 0.000000e+00 : f32
    %broadcast_in_dim3A_103 = vector.broadcast %jit3A_102 : f32 to vector<1x8xf32>
    %select_n3A_104 = arith.select %eq3A_101, %broadcast_in_dim3A_9, %broadcast_in_dim3A_103 : vector<1x8xi1>, vector<1x8xf32>
    %reduce_sum3A_105 = arith.constant dense<0.000000e+00> : vector<1xf32>
    %reduce_sum3A_106 = vector.multi_reduction <add>, %select_n3A_104, %reduce_sum3A_105 [1] : vector<1x8xf32> to vector<1xf32>
    %broadcast_in_dim3A_107 = vector.shape_cast %reduce_sum3A_106 : vector<1xf32> to vector<1x1xf32>
    %gt3A_108 = arith.constant 5 : i32
    %gt3A_109 = vector.broadcast %gt3A_108 : i32 to vector<1x16xi32>
    %gt3A_110 = arith.cmpi sgt, %iota3A_11, %gt3A_109 : vector<1x16xi32>
    %jit3A_111 = arith.constant 0.000000e+00 : f32
    %broadcast_in_dim3A_112 = vector.shape_cast %broadcast_in_dim3A_107 : vector<1x1xf32> to vector<1x1xf32>
    %broadcast_in_dim3A_113 = vector.broadcast %broadcast_in_dim3A_112 : vector<1x1xf32> to vector<1x16xf32>
    %broadcast_in_dim3A_114 = vector.broadcast %jit3A_111 : f32 to vector<1x16xf32>
    %select_n3A_115 = arith.select %gt3A_110, %broadcast_in_dim3A_113, %broadcast_in_dim3A_114 : vector<1x16xi1>, vector<1x16xf32>
    %add3A_116 = arith.addf %add3A_98, %select_n3A_115 : vector<1x16xf32>
    %eq3A_117 = arith.constant 6 : i32
    %eq3A_118 = vector.broadcast %eq3A_117 : i32 to vector<1x8xi32>
    %eq3A_119 = arith.cmpi eq, %iota3A_10, %eq3A_118 : vector<1x8xi32>
    %jit3A_120 = arith.constant 0.000000e+00 : f32
    %broadcast_in_dim3A_121 = vector.broadcast %jit3A_120 : f32 to vector<1x8xf32>
    %select_n3A_122 = arith.select %eq3A_119, %broadcast_in_dim3A_9, %broadcast_in_dim3A_121 : vector<1x8xi1>, vector<1x8xf32>
    %reduce_sum3A_123 = arith.constant dense<0.000000e+00> : vector<1xf32>
    %reduce_sum3A_124 = vector.multi_reduction <add>, %select_n3A_122, %reduce_sum3A_123 [1] : vector<1x8xf32> to vector<1xf32>
    %broadcast_in_dim3A_125 = vector.shape_cast %reduce_sum3A_124 : vector<1xf32> to vector<1x1xf32>
    %gt3A_126 = arith.constant 6 : i32
    %gt3A_127 = vector.broadcast %gt3A_126 : i32 to vector<1x16xi32>
    %gt3A_128 = arith.cmpi sgt, %iota3A_11, %gt3A_127 : vector<1x16xi32>
    %jit3A_129 = arith.constant 0.000000e+00 : f32
    %broadcast_in_dim3A_130 = vector.shape_cast %broadcast_in_dim3A_125 : vector<1x1xf32> to vector<1x1xf32>
    %broadcast_in_dim3A_131 = vector.broadcast %broadcast_in_dim3A_130 : vector<1x1xf32> to vector<1x16xf32>
    %broadcast_in_dim3A_132 = vector.broadcast %jit3A_129 : f32 to vector<1x16xf32>
    %select_n3A_133 = arith.select %gt3A_128, %broadcast_in_dim3A_131, %broadcast_in_dim3A_132 : vector<1x16xi1>, vector<1x16xf32>
    %add3A_134 = arith.addf %add3A_116, %select_n3A_133 : vector<1x16xf32>
    %eq3A_135 = arith.constant 7 : i32
    %eq3A_136 = vector.broadcast %eq3A_135 : i32 to vector<1x8xi32>
    %eq3A_137 = arith.cmpi eq, %iota3A_10, %eq3A_136 : vector<1x8xi32>
    %jit3A_138 = arith.constant 0.000000e+00 : f32
    %broadcast_in_dim3A_139 = vector.broadcast %jit3A_138 : f32 to vector<1x8xf32>
    %select_n3A_140 = arith.select %eq3A_137, %broadcast_in_dim3A_9, %broadcast_in_dim3A_139 : vector<1x8xi1>, vector<1x8xf32>
    %reduce_sum3A_141 = arith.constant dense<0.000000e+00> : vector<1xf32>
    %reduce_sum3A_142 = vector.multi_reduction <add>, %select_n3A_140, %reduce_sum3A_141 [1] : vector<1x8xf32> to vector<1xf32>
    %broadcast_in_dim3A_143 = vector.shape_cast %reduce_sum3A_142 : vector<1xf32> to vector<1x1xf32>
    %gt3A_144 = arith.constant 7 : i32
    %gt3A_145 = vector.broadcast %gt3A_144 : i32 to vector<1x16xi32>
    %gt3A_146 = arith.cmpi sgt, %iota3A_11, %gt3A_145 : vector<1x16xi32>
    %jit3A_147 = arith.constant 0.000000e+00 : f32
    %broadcast_in_dim3A_148 = vector.shape_cast %broadcast_in_dim3A_143 : vector<1x1xf32> to vector<1x1xf32>
    %broadcast_in_dim3A_149 = vector.broadcast %broadcast_in_dim3A_148 : vector<1x1xf32> to vector<1x16xf32>
    %broadcast_in_dim3A_150 = vector.broadcast %jit3A_147 : f32 to vector<1x16xf32>
    %select_n3A_151 = arith.select %gt3A_146, %broadcast_in_dim3A_149, %broadcast_in_dim3A_150 : vector<1x16xi1>, vector<1x16xf32>
    %add3A_152 = arith.addf %add3A_134, %select_n3A_151 : vector<1x16xf32>
    %convert_element_type3A_153 = arith.fptosi %add3A_152 : vector<1x16xf32> to vector<1x16xi32>
    %swap3A = arith.constant 0 : index
    %swap3A_154 = arith.constant 0 : index
    %swap3A_155 = vector.load %arg5[%swap3A, %swap3A_154] : memref<1x16xi32, #tpu.memory_space<vmem>>, vector<1x16xi32>
    tpu.vector_store %arg5[%swap3A, %swap3A_154], %convert_element_type3A_153 {strides = array<i32>} : memref<1x16xi32, #tpu.memory_space<vmem>>, vector<1x16xi32>,
    %slice3A = vector.extract_strided_slice %add3A_152 {offsets = [0, 0], sizes = [1, 8], strides = [1, 1]} : vector<1x16xf32> to vector<1x8xf32>
    %get3A_156 = arith.constant 0 : index
    %get3A_157 = arith.constant 0 : index
    %get3A_158 = vector.load %arg1[%get3A_156, %get3A_157] : memref<512x8xf32, #tpu.memory_space<vmem>>, vector<512x8xf32>
    %get3A_159 = arith.constant 0 : index
    %get3A_160 = arith.constant 0 : index
    %get3A_161 = vector.load %arg3[%get3A_159, %get3A_160] : memref<512x512xf32, #tpu.memory_space<vmem>>, vector<512x512xf32>
    %dot_general3A = arith.constant dense<0.000000e+00> : vector<512x8xf32>
    %dot_general3A_162 = tpu.matmul %get3A_161, %get3A_158, %dot_general3A {dimension_numbers = #tpu.dot_dimension_numbers<[1], [0], [0], [1], [0, 0, 1, 1], [], []>, transpose_lhs_hint = false} : vector<512x512xf32>, vector<512x8xf32>, vector<512x8xf32> -> vector<512x8xf32>
    %mul3A_163 = arith.mulf %dot_general3A_162, %get3A_158 : vector<512x8xf32>
    %reduce_sum3A_164 = arith.constant dense<0.000000e+00> : vector<512xf32>
    %reduce_sum3A_165 = vector.multi_reduction <add>, %mul3A_163, %reduce_sum3A_164 [1] : vector<512x8xf32> to vector<512xf32>
    %add3A_166 = arith.addf %slice3A, %broadcast_in_dim3A : vector<1x8xf32>
    %mul3A_167 = vector.broadcast %add3A_166 : vector<1x8xf32> to vector<512x8xf32>
    %mul3A_168 = arith.mulf %get3A_158, %mul3A_167 : vector<512x8xf32>
    %reduce_sum3A_169 = arith.constant dense<0.000000e+00> : vector<512xf32>
    %reduce_sum3A_170 = vector.multi_reduction <add>, %mul3A_168, %reduce_sum3A_169 [1] : vector<512x8xf32> to vector<512xf32>
    %add3A_171 = arith.addf %reduce_sum3A_170, %reduce_sum3A_165 : vector<512xf32>
    %convert_element_type3A_172 = arith.fptosi %add3A_171 : vector<512xf32> to vector<512xi32>
    %reshape3A_173 = vector.shape_cast %convert_element_type3A_172 : vector<512xi32> to vector<1x1x512xi32>
    %swap3A_174 = arith.constant 0 : index
    %swap3A_175 = arith.constant 0 : index
    %swap3A_176 = arith.constant 0 : index
    %swap3A_177 = vector.load %arg4[%swap3A_174, %swap3A_175, %swap3A_176] : memref<1x1x512xi32, #tpu.memory_space<vmem>>, vector<1x1x512xi32>
    tpu.vector_store %arg4[%swap3A_174, %swap3A_175, %swap3A_176], %reshape3A_173 {strides = array<i32>} : memref<1x1x512xi32, #tpu.memory_space<vmem>>, vector<1x1x512xi32>,
    return
  }
  func.func @transform_0(%arg0: i32) -> (i32, i32) {
    %c0_i32 = arith.constant 0 : i32
    %c0_i32_0 = arith.constant 0 : i32
    return %arg0, %c0_i32 : i32, i32
  }
  func.func @transform_1(%arg0: i32) -> (i32, i32, i32) {
    %c0_i32 = arith.constant 0 : i32
    %c0_i32_0 = arith.constant 0 : i32
    %c0_i32_1 = arith.constant 0 : i32
    %c0_i32_2 = arith.constant 0 : i32
    return %c0_i32, %c0_i32_0, %c0_i32_1 : i32, i32, i32
  }
  func.func @transform_2(%arg0: i32) -> (i32, i32) {
    %c0_i32 = arith.constant 0 : i32
    %c0_i32_0 = arith.constant 0 : i32
    %c0_i32_1 = arith.constant 0 : i32
    return %c0_i32, %c0_i32_0 : i32, i32
  }
  func.func @transform_3(%arg0: i32) -> (i32, i32, i32) {
    %c0_i32 = arith.constant 0 : i32
    %c0_i32_0 = arith.constant 0 : i32
    %c0_i32_1 = arith.constant 0 : i32
    return %arg0, %c0_i32, %c0_i32_0 : i32, i32, i32
  }
  func.func @transform_4(%arg0: i32) -> (i32, i32) {
    %c0_i32 = arith.constant 0 : i32
    %c0_i32_0 = arith.constant 0 : i32
    %c0_i32_1 = arith.constant 0 : i32
    return %c0_i32, %c0_i32_0 : i32, i32
  }
}

module attributes {stable_mosaic.version = 14 : i64} {
  func.func @_route_kernel(%arg0: i32, %arg1: memref<512x768xf32, #tpu.memory_space<vmem>>, %arg2: memref<8x768xf32, #tpu.memory_space<vmem>>, %arg3: memref<512x8xf32, #tpu.memory_space<vmem>>, %arg4: memref<1x1x8xi32, #tpu.memory_space<vmem>>) attributes {dimension_semantics = [#tpu.dimension_semantics<arbitrary>], iteration_bounds = array<i64: 64>, scalar_prefetch = 0 : i64, scratch_operands = 0 : i64, tpu.core_type = #tpu.core_type<tc>, window_params = [{transform_indices = @transform_0, window_bounds = array<i64: 512, 768>}, {pipeline_mode = #tpu.pipeline_mode<synchronous>, transform_indices = @transform_1, window_bounds = array<i64: 8, 768>}, {transform_indices = @transform_2, window_bounds = array<i64: 512, 8>}, {transform_indices = @transform_3, window_bounds = array<i64: 1, 1, 8>}]} {
    %get3A = arith.constant 0 : index
    %get3A_0 = arith.constant 0 : index
    %get3A_1 = vector.load %arg1[%get3A, %get3A_0] : memref<512x768xf32, #tpu.memory_space<vmem>>, vector<512x768xf32>
    %get3A_2 = arith.constant 0 : index
    %get3A_3 = arith.constant 0 : index
    %get3A_4 = vector.load %arg2[%get3A_2, %get3A_3] : memref<8x768xf32, #tpu.memory_space<vmem>>, vector<8x768xf32>
    %dot_general3A = arith.constant dense<0.000000e+00> : vector<512x8xf32>
    %dot_general3A_5 = tpu.matmul %get3A_1, %get3A_4, %dot_general3A {dimension_numbers = #tpu.dot_dimension_numbers<[1], [1], [0], [0], [0, 0, 1, 0], [], []>, transpose_lhs_hint = false} : vector<512x768xf32>, vector<8x768xf32>, vector<512x8xf32> -> vector<512x8xf32>
    %reduce_max3A = arith.constant dense<0xFF800000> : vector<512xf32>
    %reduce_max3A_6 = vector.multi_reduction <maximumf>, %dot_general3A_5, %reduce_max3A [1] : vector<512x8xf32> to vector<512xf32>
    %broadcast_in_dim3A = vector.shape_cast %reduce_max3A_6 : vector<512xf32> to vector<512x1xf32>
    %eq3A = vector.broadcast %broadcast_in_dim3A : vector<512x1xf32> to vector<512x8xf32>
    %eq3A_7 = arith.cmpf oeq, %dot_general3A_5, %eq3A : vector<512x8xf32>
    %iota3A = tpu.iota {dimensions = array<i32: 1>} : vector<512x8xi32>
    %jit3A = arith.constant 8 : i32
    %broadcast_in_dim3A_8 = vector.broadcast %jit3A : i32 to vector<512x8xi32>
    %select_n3A = arith.select %eq3A_7, %iota3A, %broadcast_in_dim3A_8 : vector<512x8xi1>, vector<512x8xi32>
    %reduce_min3A = arith.constant dense<2147483647> : vector<512xi32>
    %reduce_min3A_9 = vector.multi_reduction <minsi>, %select_n3A, %reduce_min3A [1] : vector<512x8xi32> to vector<512xi32>
    %broadcast_in_dim3A_10 = vector.shape_cast %reduce_min3A_9 : vector<512xi32> to vector<512x1xi32>
    %eq3A_11 = vector.broadcast %broadcast_in_dim3A_10 : vector<512x1xi32> to vector<512x8xi32>
    %eq3A_12 = arith.cmpi eq, %iota3A, %eq3A_11 : vector<512x8xi32>
    %convert_element_type3A = arith.extui %eq3A_12 : vector<512x8xi1> to vector<512x8xi32>
    %convert_element_type3A_13 = arith.sitofp %convert_element_type3A : vector<512x8xi32> to vector<512x8xf32>
    %swap3A = arith.constant 0 : index
    %swap3A_14 = arith.constant 0 : index
    %swap3A_15 = vector.load %arg3[%swap3A, %swap3A_14] : memref<512x8xf32, #tpu.memory_space<vmem>>, vector<512x8xf32>
    tpu.vector_store %arg3[%swap3A, %swap3A_14], %convert_element_type3A_13 {strides = array<i32>} : memref<512x8xf32, #tpu.memory_space<vmem>>, vector<512x8xf32>,
    %reduce_sum3A = arith.constant dense<0.000000e+00> : vector<8xf32>
    %reduce_sum3A_16 = vector.multi_reduction <add>, %convert_element_type3A_13, %reduce_sum3A [0] : vector<512x8xf32> to vector<8xf32>
    %reshape3A = vector.shape_cast %reduce_sum3A_16 : vector<8xf32> to vector<1x1x8xf32>
    %convert_element_type3A_17 = arith.fptosi %reshape3A : vector<1x1x8xf32> to vector<1x1x8xi32>
    %swap3A_18 = arith.constant 0 : index
    %swap3A_19 = arith.constant 0 : index
    %swap3A_20 = arith.constant 0 : index
    %swap3A_21 = vector.load %arg4[%swap3A_18, %swap3A_19, %swap3A_20] : memref<1x1x8xi32, #tpu.memory_space<vmem>>, vector<1x1x8xi32>
    tpu.vector_store %arg4[%swap3A_18, %swap3A_19, %swap3A_20], %convert_element_type3A_17 {strides = array<i32>} : memref<1x1x8xi32, #tpu.memory_space<vmem>>, vector<1x1x8xi32>,
    return
  }
  func.func @transform_0(%arg0: i32) -> (i32, i32) {
    %c0_i32 = arith.constant 0 : i32
    %c0_i32_0 = arith.constant 0 : i32
    return %arg0, %c0_i32 : i32, i32
  }
  func.func @transform_1(%arg0: i32) -> (i32, i32) {
    %c0_i32 = arith.constant 0 : i32
    %c0_i32_0 = arith.constant 0 : i32
    %c0_i32_1 = arith.constant 0 : i32
    return %c0_i32, %c0_i32_0 : i32, i32
  }
  func.func @transform_2(%arg0: i32) -> (i32, i32) {
    %c0_i32 = arith.constant 0 : i32
    %c0_i32_0 = arith.constant 0 : i32
    return %arg0, %c0_i32 : i32, i32
  }
  func.func @transform_3(%arg0: i32) -> (i32, i32, i32) {
    %c0_i32 = arith.constant 0 : i32
    %c0_i32_0 = arith.constant 0 : i32
    %c0_i32_1 = arith.constant 0 : i32
    return %arg0, %c0_i32, %c0_i32_0 : i32, i32, i32
  }
}

module attributes {stable_mosaic.version = 14 : i64} {
  func.func @_ffn_kernel(%arg0: i32, %arg1: memref<16xi32, #tpu.memory_space<smem>>, %arg2: memref<512x768xf32, #tpu.memory_space<vmem>>, %arg3: memref<3072x768xf32, #tpu.memory_space<vmem>>, %arg4: memref<8x96x384xf32, #tpu.memory_space<vmem>>, %arg5: memref<8x384xf32, #tpu.memory_space<vmem>>, %arg6: memref<8x96xf32, #tpu.memory_space<vmem>>, %arg7: memref<512x768xf32, #tpu.memory_space<vmem>>, %arg8: memref<512x96xf32, #tpu.memory_space<vmem>>) attributes {dimension_semantics = [#tpu.dimension_semantics<arbitrary>], iteration_bounds = array<i64: 64>, scalar_prefetch = 1 : i64, scratch_operands = 1 : i64, tpu.core_type = #tpu.core_type<tc>, window_params = [{transform_indices = @transform_0, window_bounds = array<i64: 512, 768>}, {pipeline_mode = #tpu.pipeline_mode<synchronous>, transform_indices = @transform_1, window_bounds = array<i64: 3072, 768>}, {pipeline_mode = #tpu.pipeline_mode<synchronous>, transform_indices = @transform_2, window_bounds = array<i64: 8, 96, 384>}, {pipeline_mode = #tpu.pipeline_mode<synchronous>, transform_indices = @transform_3, window_bounds = array<i64: 8, 384>}, {pipeline_mode = #tpu.pipeline_mode<synchronous>, transform_indices = @transform_4, window_bounds = array<i64: 8, 96>}, {transform_indices = @transform_5, window_bounds = array<i64: 512, 768>}]} {
    %mul3A = arith.constant 512 : i32
    %mul3A_0 = arith.muli %arg0, %mul3A : i32
    %get3A = arith.constant 1 : index
    %get3A_1 = memref.load %arg1[%get3A] : memref<16xi32, #tpu.memory_space<smem>>
    %le3A = arith.cmpi sle, %get3A_1, %mul3A_0 : i32
    %convert_element_type3A = arith.extui %le3A : i1 to i32
    %add3A = arith.constant 0 : i32
    %add3A_2 = arith.addi %add3A, %convert_element_type3A : i32
    %get3A_3 = arith.constant 1 : index
    %get3A_4 = memref.load %arg1[%get3A_3] : memref<16xi32, #tpu.memory_space<smem>>
    %add3A_5 = arith.constant 512 : i32
    %add3A_6 = arith.addi %mul3A_0, %add3A_5 : i32
    %sub3A = arith.constant 1 : i32
    %sub3A_7 = arith.subi %add3A_6, %sub3A : i32
    %le3A_8 = arith.cmpi sle, %get3A_4, %sub3A_7 : i32
    %convert_element_type3A_9 = arith.extui %le3A_8 : i1 to i32
    %add3A_10 = arith.constant 0 : i32
    %add3A_11 = arith.addi %add3A_10, %convert_element_type3A_9 : i32
    %get3A_12 = arith.constant 2 : index
    %get3A_13 = memref.load %arg1[%get3A_12] : memref<16xi32, #tpu.memory_space<smem>>
    %le3A_14 = arith.cmpi sle, %get3A_13, %mul3A_0 : i32
    %convert_element_type3A_15 = arith.extui %le3A_14 : i1 to i32
    %add3A_16 = arith.addi %add3A_2, %convert_element_type3A_15 : i32
    %get3A_17 = arith.constant 2 : index
    %get3A_18 = memref.load %arg1[%get3A_17] : memref<16xi32, #tpu.memory_space<smem>>
    %add3A_19 = arith.constant 512 : i32
    %add3A_20 = arith.addi %mul3A_0, %add3A_19 : i32
    %sub3A_21 = arith.constant 1 : i32
    %sub3A_22 = arith.subi %add3A_20, %sub3A_21 : i32
    %le3A_23 = arith.cmpi sle, %get3A_18, %sub3A_22 : i32
    %convert_element_type3A_24 = arith.extui %le3A_23 : i1 to i32
    %add3A_25 = arith.addi %add3A_11, %convert_element_type3A_24 : i32
    %get3A_26 = arith.constant 3 : index
    %get3A_27 = memref.load %arg1[%get3A_26] : memref<16xi32, #tpu.memory_space<smem>>
    %le3A_28 = arith.cmpi sle, %get3A_27, %mul3A_0 : i32
    %convert_element_type3A_29 = arith.extui %le3A_28 : i1 to i32
    %add3A_30 = arith.addi %add3A_16, %convert_element_type3A_29 : i32
    %get3A_31 = arith.constant 3 : index
    %get3A_32 = memref.load %arg1[%get3A_31] : memref<16xi32, #tpu.memory_space<smem>>
    %add3A_33 = arith.constant 512 : i32
    %add3A_34 = arith.addi %mul3A_0, %add3A_33 : i32
    %sub3A_35 = arith.constant 1 : i32
    %sub3A_36 = arith.subi %add3A_34, %sub3A_35 : i32
    %le3A_37 = arith.cmpi sle, %get3A_32, %sub3A_36 : i32
    %convert_element_type3A_38 = arith.extui %le3A_37 : i1 to i32
    %add3A_39 = arith.addi %add3A_25, %convert_element_type3A_38 : i32
    %get3A_40 = arith.constant 4 : index
    %get3A_41 = memref.load %arg1[%get3A_40] : memref<16xi32, #tpu.memory_space<smem>>
    %le3A_42 = arith.cmpi sle, %get3A_41, %mul3A_0 : i32
    %convert_element_type3A_43 = arith.extui %le3A_42 : i1 to i32
    %add3A_44 = arith.addi %add3A_30, %convert_element_type3A_43 : i32
    %get3A_45 = arith.constant 4 : index
    %get3A_46 = memref.load %arg1[%get3A_45] : memref<16xi32, #tpu.memory_space<smem>>
    %add3A_47 = arith.constant 512 : i32
    %add3A_48 = arith.addi %mul3A_0, %add3A_47 : i32
    %sub3A_49 = arith.constant 1 : i32
    %sub3A_50 = arith.subi %add3A_48, %sub3A_49 : i32
    %le3A_51 = arith.cmpi sle, %get3A_46, %sub3A_50 : i32
    %convert_element_type3A_52 = arith.extui %le3A_51 : i1 to i32
    %add3A_53 = arith.addi %add3A_39, %convert_element_type3A_52 : i32
    %get3A_54 = arith.constant 5 : index
    %get3A_55 = memref.load %arg1[%get3A_54] : memref<16xi32, #tpu.memory_space<smem>>
    %le3A_56 = arith.cmpi sle, %get3A_55, %mul3A_0 : i32
    %convert_element_type3A_57 = arith.extui %le3A_56 : i1 to i32
    %add3A_58 = arith.addi %add3A_44, %convert_element_type3A_57 : i32
    %get3A_59 = arith.constant 5 : index
    %get3A_60 = memref.load %arg1[%get3A_59] : memref<16xi32, #tpu.memory_space<smem>>
    %add3A_61 = arith.constant 512 : i32
    %add3A_62 = arith.addi %mul3A_0, %add3A_61 : i32
    %sub3A_63 = arith.constant 1 : i32
    %sub3A_64 = arith.subi %add3A_62, %sub3A_63 : i32
    %le3A_65 = arith.cmpi sle, %get3A_60, %sub3A_64 : i32
    %convert_element_type3A_66 = arith.extui %le3A_65 : i1 to i32
    %add3A_67 = arith.addi %add3A_53, %convert_element_type3A_66 : i32
    %get3A_68 = arith.constant 6 : index
    %get3A_69 = memref.load %arg1[%get3A_68] : memref<16xi32, #tpu.memory_space<smem>>
    %le3A_70 = arith.cmpi sle, %get3A_69, %mul3A_0 : i32
    %convert_element_type3A_71 = arith.extui %le3A_70 : i1 to i32
    %add3A_72 = arith.addi %add3A_58, %convert_element_type3A_71 : i32
    %get3A_73 = arith.constant 6 : index
    %get3A_74 = memref.load %arg1[%get3A_73] : memref<16xi32, #tpu.memory_space<smem>>
    %add3A_75 = arith.constant 512 : i32
    %add3A_76 = arith.addi %mul3A_0, %add3A_75 : i32
    %sub3A_77 = arith.constant 1 : i32
    %sub3A_78 = arith.subi %add3A_76, %sub3A_77 : i32
    %le3A_79 = arith.cmpi sle, %get3A_74, %sub3A_78 : i32
    %convert_element_type3A_80 = arith.extui %le3A_79 : i1 to i32
    %add3A_81 = arith.addi %add3A_67, %convert_element_type3A_80 : i32
    %get3A_82 = arith.constant 7 : index
    %get3A_83 = memref.load %arg1[%get3A_82] : memref<16xi32, #tpu.memory_space<smem>>
    %le3A_84 = arith.cmpi sle, %get3A_83, %mul3A_0 : i32
    %convert_element_type3A_85 = arith.extui %le3A_84 : i1 to i32
    %add3A_86 = arith.addi %add3A_72, %convert_element_type3A_85 : i32
    %get3A_87 = arith.constant 7 : index
    %get3A_88 = memref.load %arg1[%get3A_87] : memref<16xi32, #tpu.memory_space<smem>>
    %add3A_89 = arith.constant 512 : i32
    %add3A_90 = arith.addi %mul3A_0, %add3A_89 : i32
    %sub3A_91 = arith.constant 1 : i32
    %sub3A_92 = arith.subi %add3A_90, %sub3A_91 : i32
    %le3A_93 = arith.cmpi sle, %get3A_88, %sub3A_92 : i32
    %convert_element_type3A_94 = arith.extui %le3A_93 : i1 to i32
    %add3A_95 = arith.addi %add3A_81, %convert_element_type3A_94 : i32
    %get3A_96 = arith.constant 0 : index
    %get3A_97 = arith.constant 0 : index
    %get3A_98 = vector.load %arg2[%get3A_96, %get3A_97] : memref<512x768xf32, #tpu.memory_space<vmem>>, vector<512x768xf32>
    %broadcast_in_dim3A = arith.constant 0.000000e+00 : f32
    %broadcast_in_dim3A_99 = vector.broadcast %broadcast_in_dim3A : f32 to vector<512x96xf32>
    %swap3A = arith.constant 0 : index
    %swap3A_100 = arith.constant 0 : index
    %swap3A_101 = vector.load %arg8[%swap3A, %swap3A_100] : memref<512x96xf32, #tpu.memory_space<vmem>>, vector<512x96xf32>
    tpu.vector_store %arg8[%swap3A, %swap3A_100], %broadcast_in_dim3A_99 {strides = array<i32>} : memref<512x96xf32, #tpu.memory_space<vmem>>, vector<512x96xf32>,
    %iota3A = tpu.iota {dimensions = array<i32: 0>} : vector<512x1xi32>
    %add3A_102 = vector.broadcast %mul3A_0 : i32 to vector<512x1xi32>
    %add3A_103 = arith.addi %add3A_102, %iota3A : vector<512x1xi32>
    %add3A_104 = arith.constant 1 : i32
    %add3A_105 = arith.addi %add3A_95, %add3A_104 : i32
    %while3A = arith.constant 0 : i32
    %while3A_106 = arith.subi %add3A_105, %add3A_86 : i32
    %while3A_107 = arith.addi %add3A_86, %while3A_106 : i32
    %while3A_108 = arith.constant 1 : i32
    %while3A_109 = arith.divsi %while3A_106, %while3A_108 : i32
    %while3A_110 = arith.muli %while3A_109, %while3A_108 : i32
    %while3A_111 = arith.addi %add3A_86, %while3A_110 : i32
    %while3A_112 = arith.constant 1 : i32
    scf.for %while3A_192 = %add3A_86 to %while3A_111 step %while3A_112  : i32 {
      %mul3A_193 = arith.constant 384 : i32
      %mul3A_194 = arith.muli %while3A_192, %mul3A_193 : i32
      %multiple_of3A = tpu.assume_multiple %mul3A_194, 128 : i32
      %get3A_195 = arith.index_cast %multiple_of3A : i32 to index
      %get3A_196 = arith.constant 0 : index
      %get3A_197 = vector.load %arg3[%get3A_195, %get3A_196] : memref<3072x768xf32, #tpu.memory_space<vmem>>, vector<384x768xf32>
      %get3A_198 = arith.index_cast %while3A_192 : i32 to index
      %get3A_199 = arith.constant 0 : index
      %get3A_200 = vector.load %arg5[%get3A_198, %get3A_199] : memref<8x384xf32, #tpu.memory_space<vmem>>, vector<1x384xf32>
      %dot_general3A = arith.constant dense<0.000000e+00> : vector<512x384xf32>
      %dot_general3A_201 = tpu.matmul %get3A_98, %get3A_197, %dot_general3A {dimension_numbers = #tpu.dot_dimension_numbers<[1], [1], [0], [0], [0, 0, 1, 0], [], []>, transpose_lhs_hint = false} : vector<512x768xf32>, vector<384x768xf32>, vector<512x384xf32> -> vector<512x384xf32>
      %add3A_202 = vector.broadcast %get3A_200 : vector<1x384xf32> to vector<512x384xf32>
      %add3A_203 = arith.addf %dot_general3A_201, %add3A_202 : vector<512x384xf32>
      %max3A = arith.constant 0.000000e+00 : f32
      %max3A_204 = vector.broadcast %max3A : f32 to vector<512x384xf32>
      %max3A_205 = arith.maximumf %add3A_203, %max3A_204 : vector<512x384xf32>
      %get3A_206 = arith.index_cast %while3A_192 : i32 to index
      %get3A_207 = arith.constant 0 : index
      %get3A_208 = arith.constant 0 : index
      %get3A_209 = vector.load %arg4[%get3A_206, %get3A_207, %get3A_208] : memref<8x96x384xf32, #tpu.memory_space<vmem>>, vector<1x96x384xf32>
      %squeeze3A = vector.shape_cast %get3A_209 : vector<1x96x384xf32> to vector<96x384xf32>
      %dot_general3A_210 = arith.constant dense<0.000000e+00> : vector<512x96xf32>
      %dot_general3A_211 = tpu.matmul %max3A_205, %squeeze3A, %dot_general3A_210 {dimension_numbers = #tpu.dot_dimension_numbers<[1], [1], [0], [0], [0, 0, 1, 0], [], []>, transpose_lhs_hint = false} : vector<512x384xf32>, vector<96x384xf32>, vector<512x96xf32> -> vector<512x96xf32>
      %get3A_212 = arith.index_cast %while3A_192 : i32 to index
      %get3A_213 = arith.constant 0 : index
      %get3A_214 = vector.load %arg6[%get3A_212, %get3A_213] : memref<8x96xf32, #tpu.memory_space<vmem>>, vector<1x96xf32>
      %add3A_215 = vector.broadcast %get3A_214 : vector<1x96xf32> to vector<512x96xf32>
      %add3A_216 = arith.addf %dot_general3A_211, %add3A_215 : vector<512x96xf32>
      %get3A_217 = arith.index_cast %while3A_192 : i32 to index
      %get3A_218 = memref.load %arg1[%get3A_217] : memref<16xi32, #tpu.memory_space<smem>>
      %ge3A_219 = vector.broadcast %get3A_218 : i32 to vector<512x1xi32>
      %ge3A_220 = arith.cmpi sge, %add3A_103, %ge3A_219 : vector<512x1xi32>
      %add3A_221 = arith.constant 1 : i32
      %add3A_222 = arith.addi %while3A_192, %add3A_221 : i32
      %get3A_223 = arith.index_cast %add3A_222 : i32 to index
      %get3A_224 = memref.load %arg1[%get3A_223] : memref<16xi32, #tpu.memory_space<smem>>
      %lt3A = vector.broadcast %get3A_224 : i32 to vector<512x1xi32>
      %lt3A_225 = arith.cmpi slt, %add3A_103, %lt3A : vector<512x1xi32>
      %and3A_226 = arith.andi %ge3A_220, %lt3A_225 : vector<512x1xi1>
      %convert_element_type3A_227 = arith.extui %and3A_226 : vector<512x1xi1> to vector<512x1xi32>
      %convert_element_type3A_228 = arith.sitofp %convert_element_type3A_227 : vector<512x1xi32> to vector<512x1xf32>
      %get3A_229 = arith.constant 0 : index
      %get3A_230 = arith.constant 0 : index
      %get3A_231 = vector.load %arg8[%get3A_229, %get3A_230] : memref<512x96xf32, #tpu.memory_space<vmem>>, vector<512x96xf32>
      %mul3A_232 = vector.broadcast %convert_element_type3A_228 : vector<512x1xf32> to vector<512x96xf32>
      %mul3A_233 = arith.mulf %add3A_216, %mul3A_232 : vector<512x96xf32>
      %add3A_234 = arith.addf %get3A_231, %mul3A_233 : vector<512x96xf32>
      %swap3A_235 = arith.constant 0 : index
      %swap3A_236 = arith.constant 0 : index
      %swap3A_237 = vector.load %arg8[%swap3A_235, %swap3A_236] : memref<512x96xf32, #tpu.memory_space<vmem>>, vector<512x96xf32>
      tpu.vector_store %arg8[%swap3A_235, %swap3A_236], %add3A_234 {strides = array<i32>} : memref<512x96xf32, #tpu.memory_space<vmem>>, vector<512x96xf32>,
    }
    %while3A_113 = arith.constant 1 : i32
    scf.for %while3A_192 = %while3A_111 to %while3A_107 step %while3A_113  : i32 {
      %mul3A_193 = arith.constant 384 : i32
      %mul3A_194 = arith.muli %while3A_192, %mul3A_193 : i32
      %multiple_of3A = tpu.assume_multiple %mul3A_194, 128 : i32
      %get3A_195 = arith.index_cast %multiple_of3A : i32 to index
      %get3A_196 = arith.constant 0 : index
      %get3A_197 = vector.load %arg3[%get3A_195, %get3A_196] : memref<3072x768xf32, #tpu.memory_space<vmem>>, vector<384x768xf32>
      %get3A_198 = arith.index_cast %while3A_192 : i32 to index
      %get3A_199 = arith.constant 0 : index
      %get3A_200 = vector.load %arg5[%get3A_198, %get3A_199] : memref<8x384xf32, #tpu.memory_space<vmem>>, vector<1x384xf32>
      %dot_general3A = arith.constant dense<0.000000e+00> : vector<512x384xf32>
      %dot_general3A_201 = tpu.matmul %get3A_98, %get3A_197, %dot_general3A {dimension_numbers = #tpu.dot_dimension_numbers<[1], [1], [0], [0], [0, 0, 1, 0], [], []>, transpose_lhs_hint = false} : vector<512x768xf32>, vector<384x768xf32>, vector<512x384xf32> -> vector<512x384xf32>
      %add3A_202 = vector.broadcast %get3A_200 : vector<1x384xf32> to vector<512x384xf32>
      %add3A_203 = arith.addf %dot_general3A_201, %add3A_202 : vector<512x384xf32>
      %max3A = arith.constant 0.000000e+00 : f32
      %max3A_204 = vector.broadcast %max3A : f32 to vector<512x384xf32>
      %max3A_205 = arith.maximumf %add3A_203, %max3A_204 : vector<512x384xf32>
      %get3A_206 = arith.index_cast %while3A_192 : i32 to index
      %get3A_207 = arith.constant 0 : index
      %get3A_208 = arith.constant 0 : index
      %get3A_209 = vector.load %arg4[%get3A_206, %get3A_207, %get3A_208] : memref<8x96x384xf32, #tpu.memory_space<vmem>>, vector<1x96x384xf32>
      %squeeze3A = vector.shape_cast %get3A_209 : vector<1x96x384xf32> to vector<96x384xf32>
      %dot_general3A_210 = arith.constant dense<0.000000e+00> : vector<512x96xf32>
      %dot_general3A_211 = tpu.matmul %max3A_205, %squeeze3A, %dot_general3A_210 {dimension_numbers = #tpu.dot_dimension_numbers<[1], [1], [0], [0], [0, 0, 1, 0], [], []>, transpose_lhs_hint = false} : vector<512x384xf32>, vector<96x384xf32>, vector<512x96xf32> -> vector<512x96xf32>
      %get3A_212 = arith.index_cast %while3A_192 : i32 to index
      %get3A_213 = arith.constant 0 : index
      %get3A_214 = vector.load %arg6[%get3A_212, %get3A_213] : memref<8x96xf32, #tpu.memory_space<vmem>>, vector<1x96xf32>
      %add3A_215 = vector.broadcast %get3A_214 : vector<1x96xf32> to vector<512x96xf32>
      %add3A_216 = arith.addf %dot_general3A_211, %add3A_215 : vector<512x96xf32>
      %get3A_217 = arith.index_cast %while3A_192 : i32 to index
      %get3A_218 = memref.load %arg1[%get3A_217] : memref<16xi32, #tpu.memory_space<smem>>
      %ge3A_219 = vector.broadcast %get3A_218 : i32 to vector<512x1xi32>
      %ge3A_220 = arith.cmpi sge, %add3A_103, %ge3A_219 : vector<512x1xi32>
      %add3A_221 = arith.constant 1 : i32
      %add3A_222 = arith.addi %while3A_192, %add3A_221 : i32
      %get3A_223 = arith.index_cast %add3A_222 : i32 to index
      %get3A_224 = memref.load %arg1[%get3A_223] : memref<16xi32, #tpu.memory_space<smem>>
      %lt3A = vector.broadcast %get3A_224 : i32 to vector<512x1xi32>
      %lt3A_225 = arith.cmpi slt, %add3A_103, %lt3A : vector<512x1xi32>
      %and3A_226 = arith.andi %ge3A_220, %lt3A_225 : vector<512x1xi1>
      %convert_element_type3A_227 = arith.extui %and3A_226 : vector<512x1xi1> to vector<512x1xi32>
      %convert_element_type3A_228 = arith.sitofp %convert_element_type3A_227 : vector<512x1xi32> to vector<512x1xf32>
      %get3A_229 = arith.constant 0 : index
      %get3A_230 = arith.constant 0 : index
      %get3A_231 = vector.load %arg8[%get3A_229, %get3A_230] : memref<512x96xf32, #tpu.memory_space<vmem>>, vector<512x96xf32>
      %mul3A_232 = vector.broadcast %convert_element_type3A_228 : vector<512x1xf32> to vector<512x96xf32>
      %mul3A_233 = arith.mulf %add3A_216, %mul3A_232 : vector<512x96xf32>
      %add3A_234 = arith.addf %get3A_231, %mul3A_233 : vector<512x96xf32>
      %swap3A_235 = arith.constant 0 : index
      %swap3A_236 = arith.constant 0 : index
      %swap3A_237 = vector.load %arg8[%swap3A_235, %swap3A_236] : memref<512x96xf32, #tpu.memory_space<vmem>>, vector<512x96xf32>
      tpu.vector_store %arg8[%swap3A_235, %swap3A_236], %add3A_234 {strides = array<i32>} : memref<512x96xf32, #tpu.memory_space<vmem>>, vector<512x96xf32>,
    }
    %broadcast_in_dim3A_114 = arith.constant 0 : i32
    %broadcast_in_dim3A_115 = vector.broadcast %broadcast_in_dim3A_114 : i32 to vector<512x1xi32>
    %get3A_116 = arith.constant 1 : index
    %get3A_117 = memref.load %arg1[%get3A_116] : memref<16xi32, #tpu.memory_space<smem>>
    %ge3A = vector.broadcast %get3A_117 : i32 to vector<512x1xi32>
    %ge3A_118 = arith.cmpi sge, %add3A_103, %ge3A : vector<512x1xi32>
    %convert_element_type3A_119 = arith.extui %ge3A_118 : vector<512x1xi1> to vector<512x1xi32>
    %add3A_120 = arith.addi %broadcast_in_dim3A_115, %convert_element_type3A_119 : vector<512x1xi32>
    %get3A_121 = arith.constant 2 : index
    %get3A_122 = memref.load %arg1[%get3A_121] : memref<16xi32, #tpu.memory_space<smem>>
    %ge3A_123 = vector.broadcast %get3A_122 : i32 to vector<512x1xi32>
    %ge3A_124 = arith.cmpi sge, %add3A_103, %ge3A_123 : vector<512x1xi32>
    %convert_element_type3A_125 = arith.extui %ge3A_124 : vector<512x1xi1> to vector<512x1xi32>
    %add3A_126 = arith.addi %add3A_120, %convert_element_type3A_125 : vector<512x1xi32>
    %get3A_127 = arith.constant 3 : index
    %get3A_128 = memref.load %arg1[%get3A_127] : memref<16xi32, #tpu.memory_space<smem>>
    %ge3A_129 = vector.broadcast %get3A_128 : i32 to vector<512x1xi32>
    %ge3A_130 = arith.cmpi sge, %add3A_103, %ge3A_129 : vector<512x1xi32>
    %convert_element_type3A_131 = arith.extui %ge3A_130 : vector<512x1xi1> to vector<512x1xi32>
    %add3A_132 = arith.addi %add3A_126, %convert_element_type3A_131 : vector<512x1xi32>
    %get3A_133 = arith.constant 4 : index
    %get3A_134 = memref.load %arg1[%get3A_133] : memref<16xi32, #tpu.memory_space<smem>>
    %ge3A_135 = vector.broadcast %get3A_134 : i32 to vector<512x1xi32>
    %ge3A_136 = arith.cmpi sge, %add3A_103, %ge3A_135 : vector<512x1xi32>
    %convert_element_type3A_137 = arith.extui %ge3A_136 : vector<512x1xi1> to vector<512x1xi32>
    %add3A_138 = arith.addi %add3A_132, %convert_element_type3A_137 : vector<512x1xi32>
    %get3A_139 = arith.constant 5 : index
    %get3A_140 = memref.load %arg1[%get3A_139] : memref<16xi32, #tpu.memory_space<smem>>
    %ge3A_141 = vector.broadcast %get3A_140 : i32 to vector<512x1xi32>
    %ge3A_142 = arith.cmpi sge, %add3A_103, %ge3A_141 : vector<512x1xi32>
    %convert_element_type3A_143 = arith.extui %ge3A_142 : vector<512x1xi1> to vector<512x1xi32>
    %add3A_144 = arith.addi %add3A_138, %convert_element_type3A_143 : vector<512x1xi32>
    %get3A_145 = arith.constant 6 : index
    %get3A_146 = memref.load %arg1[%get3A_145] : memref<16xi32, #tpu.memory_space<smem>>
    %ge3A_147 = vector.broadcast %get3A_146 : i32 to vector<512x1xi32>
    %ge3A_148 = arith.cmpi sge, %add3A_103, %ge3A_147 : vector<512x1xi32>
    %convert_element_type3A_149 = arith.extui %ge3A_148 : vector<512x1xi1> to vector<512x1xi32>
    %add3A_150 = arith.addi %add3A_144, %convert_element_type3A_149 : vector<512x1xi32>
    %get3A_151 = arith.constant 7 : index
    %get3A_152 = memref.load %arg1[%get3A_151] : memref<16xi32, #tpu.memory_space<smem>>
    %ge3A_153 = vector.broadcast %get3A_152 : i32 to vector<512x1xi32>
    %ge3A_154 = arith.cmpi sge, %add3A_103, %ge3A_153 : vector<512x1xi32>
    %convert_element_type3A_155 = arith.extui %ge3A_154 : vector<512x1xi1> to vector<512x1xi32>
    %add3A_156 = arith.addi %add3A_150, %convert_element_type3A_155 : vector<512x1xi32>
    %iota3A_157 = tpu.iota {dimensions = array<i32: 1>} : vector<512x768xi32>
    %jit3A = arith.constant 96 : i32
    %div3A = vector.broadcast %jit3A : i32 to vector<512x768xi32>
    %div3A_158 = arith.divsi %iota3A_157, %div3A : vector<512x768xi32>
    %sign3A = arith.constant 0 : i32
    %sign3A_159 = vector.broadcast %sign3A : i32 to vector<512x768xi32>
    %sign3A_160 = arith.cmpi sgt, %iota3A_157, %sign3A_159 : vector<512x768xi32>
    %sign3A_161 = arith.extui %sign3A_160 : vector<512x768xi1> to vector<512x768xi32>
    %sign3A_162 = arith.constant 0 : i32
    %sign3A_163 = vector.broadcast %sign3A_162 : i32 to vector<512x768xi32>
    %sign3A_164 = arith.cmpi slt, %iota3A_157, %sign3A_163 : vector<512x768xi32>
    %sign3A_165 = arith.extui %sign3A_164 : vector<512x768xi1> to vector<512x768xi32>
    %sign3A_166 = arith.subi %sign3A_161, %sign3A_165 : vector<512x768xi32>
    %sign3A_167 = arith.constant 0 : i32
    %sign3A_168 = arith.cmpi sgt, %jit3A, %sign3A_167 : i32
    %sign3A_169 = arith.extui %sign3A_168 : i1 to i32
    %sign3A_170 = arith.constant 0 : i32
    %sign3A_171 = arith.cmpi slt, %jit3A, %sign3A_170 : i32
    %sign3A_172 = arith.extui %sign3A_171 : i1 to i32
    %sign3A_173 = arith.subi %sign3A_169, %sign3A_172 : i32
    %ne3A = vector.broadcast %sign3A_173 : i32 to vector<512x768xi32>
    %ne3A_174 = arith.cmpi ne, %sign3A_166, %ne3A : vector<512x768xi32>
    %rem3A = vector.broadcast %jit3A : i32 to vector<512x768xi32>
    %rem3A_175 = arith.remsi %iota3A_157, %rem3A : vector<512x768xi32>
    %ne3A_176 = arith.constant 0 : i32
    %ne3A_177 = vector.broadcast %ne3A_176 : i32 to vector<512x768xi32>
    %ne3A_178 = arith.cmpi ne, %rem3A_175, %ne3A_177 : vector<512x768xi32>
    %and3A = arith.andi %ne3A_174, %ne3A_178 : vector<512x768xi1>
    %sub3A_179 = arith.constant 1 : i32
    %sub3A_180 = vector.broadcast %sub3A_179 : i32 to vector<512x768xi32>
    %sub3A_181 = arith.subi %div3A_158, %sub3A_180 : vector<512x768xi32>
    %select_n3A = arith.select %and3A, %sub3A_181, %div3A_158 : vector<512x768xi1>, vector<512x768xi32>
    %get3A_182 = arith.constant 0 : index
    %get3A_183 = arith.constant 0 : index
    %get3A_184 = vector.load %arg8[%get3A_182, %get3A_183] : memref<512x96xf32, #tpu.memory_space<vmem>>, vector<512x96xf32>
    %concatenate3A = tpu.concatenate %get3A_184, %get3A_184, %get3A_184, %get3A_184, %get3A_184, %get3A_184, %get3A_184, %get3A_184 in 1 : vector<512x96xf32>, vector<512x96xf32>, vector<512x96xf32>, vector<512x96xf32>, vector<512x96xf32>, vector<512x96xf32>, vector<512x96xf32>, vector<512x96xf32> -> vector<512x768xf32>
    %eq3A = vector.broadcast %add3A_156 : vector<512x1xi32> to vector<512x768xi32>
    %eq3A_185 = arith.cmpi eq, %select_n3A, %eq3A : vector<512x768xi32>
    %convert_element_type3A_186 = arith.extui %eq3A_185 : vector<512x768xi1> to vector<512x768xi32>
    %convert_element_type3A_187 = arith.sitofp %convert_element_type3A_186 : vector<512x768xi32> to vector<512x768xf32>
    %mul3A_188 = arith.mulf %concatenate3A, %convert_element_type3A_187 : vector<512x768xf32>
    %swap3A_189 = arith.constant 0 : index
    %swap3A_190 = arith.constant 0 : index
    %swap3A_191 = vector.load %arg7[%swap3A_189, %swap3A_190] : memref<512x768xf32, #tpu.memory_space<vmem>>, vector<512x768xf32>
    tpu.vector_store %arg7[%swap3A_189, %swap3A_190], %mul3A_188 {strides = array<i32>} : memref<512x768xf32, #tpu.memory_space<vmem>>, vector<512x768xf32>,
    return
  }
  func.func @transform_0(%arg0: i32, %arg1: memref<16xi32, #tpu.memory_space<smem>>) -> (i32, i32) {
    %c0_i32 = arith.constant 0 : i32
    %c0_i32_0 = arith.constant 0 : i32
    return %arg0, %c0_i32 : i32, i32
  }
  func.func @transform_1(%arg0: i32, %arg1: memref<16xi32, #tpu.memory_space<smem>>) -> (i32, i32) {
    %c0_i32 = arith.constant 0 : i32
    %c0_i32_0 = arith.constant 0 : i32
    %c0_i32_1 = arith.constant 0 : i32
    return %c0_i32, %c0_i32_0 : i32, i32
  }
  func.func @transform_2(%arg0: i32, %arg1: memref<16xi32, #tpu.memory_space<smem>>) -> (i32, i32, i32) {
    %c0_i32 = arith.constant 0 : i32
    %c0_i32_0 = arith.constant 0 : i32
    %c0_i32_1 = arith.constant 0 : i32
    %c0_i32_2 = arith.constant 0 : i32
    return %c0_i32, %c0_i32_0, %c0_i32_1 : i32, i32, i32
  }
  func.func @transform_3(%arg0: i32, %arg1: memref<16xi32, #tpu.memory_space<smem>>) -> (i32, i32) {
    %c0_i32 = arith.constant 0 : i32
    %c0_i32_0 = arith.constant 0 : i32
    %c0_i32_1 = arith.constant 0 : i32
    return %c0_i32, %c0_i32_0 : i32, i32
  }
  func.func @transform_4(%arg0: i32, %arg1: memref<16xi32, #tpu.memory_space<smem>>) -> (i32, i32) {
    %c0_i32 = arith.constant 0 : i32
    %c0_i32_0 = arith.constant 0 : i32
    %c0_i32_1 = arith.constant 0 : i32
    return %c0_i32, %c0_i32_0 : i32, i32
  }
  func.func @transform_5(%arg0: i32, %arg1: memref<16xi32, #tpu.memory_space<smem>>) -> (i32, i32) {
    %c0_i32 = arith.constant 0 : i32
    %c0_i32_0 = arith.constant 0 : i32
    return %arg0, %c0_i32 : i32, i32
  }
}

</mosaic_0001>

<sc_bundles>
// kernel: kernel.11.cloned.1.call-start
scs
__scs_entry_jumppad:
0x0: {  	(pc) =	sbr.rel $0x88, $3  }
0x1: {  	(tag) =	ssettag $0x0;
	lr =	simm.s32 $0x1  }
0x2: {  	[smem:$0x3F9C] =	sst lr;
	_ =	strace $0xD0000000  }
0x3: {  	_ = 	snop  }
0x4: {  	_ = 	snop  }
0x5: {  	_ = 	snop  }
0x6: {  	_ = 	snop  }
0x7: {  	_ = 	snop  }
__scs_overlays_trampoline_lowered:
0x8: {  	[smem:$0x3FAB] =	sst s0  }
0x9: {  	[smem:$0x3FAC] =	sst s1  }
0xa: {  	[smem:$0x3FAD] =	sst s2  }
0xb: {  	[smem:$0x3FAE] =	sst s3  }
0xc: {  	[smem:$0x3FAF] =	sst s4  }
0xd: {  	[smem:$0x3FB0] =	sst s5  }
0xe: {  	[smem:$0x3FB1] =	sst s6  }
0xf: {  	[smem:$0x3FB2] =	sst s7  }
0x10: {  	[smem:$0x3FB3] =	sst s8  }
0x11: {  	[smem:$0x3FB4] =	sst s9;
	s0 =	simm.s32 @!p0 $0x0  }
0x12: {  	s1 =	sld [smem:$0x3F9A];
	s0 =	simm.s32 @p0 $0x1  }
0x13: {  	[smem:$0x3FB5] =	sst s0;
	s0 =	simm.s32 @!p1 $0x0  }
0x14: {  	s2 =	sld [smem:$0x3F99];
	s0 =	simm.s32 @p1 $0x1  }
0x15: {  	[smem:$0x3FB6] =	sst s0;
	s0 =	simm.s32 @!p2 $0x0  }
0x16: {  	s3 =	sld [smem:$0x3FDB];
	s0 =	simm.s32 @p2 $0x1  }
0x17: {  	s4 =	simm.s32 $0x1BF5;
	[smem:$0x3FB8] =	sst s0  }
0x18: {  	s0 =	sld [smem:$0x3F9B];
	_ =	swait.ge [sflag:s4], $0x0  }
0x19: {  	s7 =	sld [smem:$0x3F9C]  }
0x1a: {  	s8 =	sadd.s32 $0xFFFFE003, lr  }
0x1b: {  	s9 =	sadd.s32 $0xFFFFFEF7, lr;
	s5 =	simm.s32 $0xFFFFFFFF;
	p2 =	slt.u32 s8, $0xFFFFF086  }
0x1c: {  	p1 =	slt.u32 s9, $0xF7A;
	s5 =	simm.s32 @!p2 $0x0  }
0x1d: {  	s5 =	simm.s32 @p1 $0x1;
	p0 =	seq.s32 s7, s2  }
0x1e: {  	s7 =	smul.u32 @!p0 $0xF7A, s2;
	p2 =	seq.s32 @!p0 s5, $0x0  }
0x1f: {  	s9 =	smul.u32 $0xF7A, s1;
	s8 =	simm.s32 @!p0 $0x1BF5;
	p2 =	por !p2, p0  }
0x20: {  	[sflag:s8] =	ssyncset.s32 @!p0 $0xFFFFF086;
	s6 =	sadd.s32 @!p0 s3, s7;
	s7 =	simm.s32 @!p0 $0x108  }
0x21: {  	s3 =	sadd.s32 s3, s9;
	s6 =	sadd.s32 @!p0 $0x88, s6;
	s7 =	simm.s32 @p2 $0x1082  }
0x22: {  	[simem:s7], [sflag:s8] =	dma.local @!p0 [hbm:s6], $0xF7A  }
0x23: {  	s9 =	sor.u32 $0xD0000000, s2;
	s6 =	simm.s32 $0x108;
	_ =	swait.ge @!p0 [sflag:s8], $0x0  }
0x24: {  	s3 =	sadd.s32 $0x88, s3;
	s6 =	simm.s32 @!p1 $0x1082;
	[sflag:s4] =	ssyncset.s32 $0xFFFFF086  }
0x25: {  	[simem:s6], [sflag:s4] =	dma.local [hbm:s3], $0xF7A  }
0x26: {  	[smem:$0x3F9C] =	sst s1;
	(tag) =	ssettag s2;
	_ =	strace s9  }
0x27: {  	s1 =	sld [smem:$0x3FAC]  }
0x28: {  	s2 =	sld [smem:$0x3FAD]  }
0x29: {  	s4 =	sld [smem:$0x3FAF]  }
0x2a: {  	p0 =	seq.s32 s5, $0x0;
	s5 =	sld [smem:$0x3FB0]  }
0x2b: {  	s6 =	sld [smem:$0x3FB1]  }
0x2c: {  	s7 =	sld [smem:$0x3FB2]  }
0x2d: {  	s3 =	simm.s32 $0x108;
	s8 =	sld [smem:$0x3FB3]  }
0x2e: {  	s3 =	simm.s32 @!p0 $0x1082;
	s9 =	sld [smem:$0x3FB4]  }
0x2f: {  	lr =	sadd.s32 s0, s3;
	s0 =	sld [smem:$0x3FAB]  }
0x30: {  	s3 =	sld [smem:$0x3FAE]  }
0x31: {  	[smem:$0x3FB7] =	sst s10  }
0x32: {  	s10 =	sld [smem:$0x3FB5];
	_ =	sdelay $0x3  }
0x33: {  	p0 =	seq.s32 s10, $0x1;
	s10 =	sld [smem:$0x3FB7];
	_ =	sdelay $0x3  }
0x34: {  	[smem:$0x3FB7] =	sst s10  }
0x35: {  	s10 =	sld [smem:$0x3FB6];
	_ =	sdelay $0x3  }
0x36: {  	p1 =	seq.s32 s10, $0x1;
	s10 =	sld [smem:$0x3FB7];
	_ =	sdelay $0x3  }
0x37: {  	[smem:$0x3FB7] =	sst s10  }
0x38: {  	s10 =	sld [smem:$0x3FB8]  }
0x39: {  	_ = 	snop;
	(pc) =	sbr.ind lr, $3  }
0x3a: {  	_ = 	snop  }
0x3b: {  	_ = 	snop  }
0x3c: {  	p2 =	seq.s32 s10, $0x1;
	s10 =	sld [smem:$0x3FB7]  }
0x3d: {  	_ =	shalt  }
0x3e: {  	_ =	shalt  }
0x3f: {  	_ =	shalt  }
0x40: {  	_ =	shalt  }
0x41: {  	_ =	shalt  }
0x42: {  	_ =	shalt  }
0x43: {  	_ =	shalt  }
0x44: {  	_ =	shalt  }
0x45: {  	_ =	shalt  }
0x46: {  	_ =	shalt  }
0x47: {  	_ =	shalt  }
0x48: {  	_ =	shalt  }
0x49: {  	_ =	shalt  }
0x4a: {  	_ =	shalt  }
0x4b: {  	_ =	shalt  }
0x4c: {  	_ =	shalt  }
0x4d: {  	_ =	shalt  }
0x4e: {  	_ =	shalt  }
0x4f: {  	_ =	shalt  }
0x50: {  	_ =	shalt  }
0x51: {  	_ =	shalt  }
0x52: {  	_ =	shalt  }
0x53: {  	_ =	shalt  }
0x54: {  	_ =	shalt  }
0x55: {  	_ =	shalt  }
0x56: {  	_ =	shalt  }
0x57: {  	_ =	shalt  }
0x58: {  	_ =	shalt  }
0x59: {  	_ =	shalt  }
0x5a: {  	_ =	shalt  }
0x5b: {  	_ =	shalt  }
0x5c: {  	_ =	shalt  }
0x5d: {  	_ =	shalt  }
0x5e: {  	_ =	shalt  }
0x5f: {  	_ =	shalt  }
0x60: {  	_ =	shalt  }
0x61: {  	_ =	shalt  }
0x62: {  	_ =	shalt  }
0x63: {  	_ =	shalt  }
0x64: {  	_ =	shalt  }
0x65: {  	_ =	shalt  }
0x66: {  	_ =	shalt  }
0x67: {  	_ =	shalt  }
0x68: {  	_ =	shalt  }
0x69: {  	_ =	shalt  }
0x6a: {  	_ =	shalt  }
0x6b: {  	_ =	shalt  }
0x6c: {  	_ =	shalt  }
0x6d: {  	_ =	shalt  }
0x6e: {  	_ =	shalt  }
0x6f: {  	_ =	shalt  }
0x70: {  	_ =	shalt  }
0x71: {  	_ =	shalt  }
0x72: {  	_ =	shalt  }
0x73: {  	_ =	shalt  }
0x74: {  	_ =	shalt  }
0x75: {  	_ =	shalt  }
0x76: {  	_ =	shalt  }
0x77: {  	_ =	shalt  }
0x78: {  	_ =	shalt  }
0x79: {  	_ =	shalt  }
0x7a: {  	_ =	shalt  }
0x7b: {  	_ =	shalt  }
0x7c: {  	_ =	shalt  }
0x7d: {  	_ =	shalt  }
0x7e: {  	_ =	shalt  }
0x7f: {  	_ =	shalt  }
0x80: {  	_ =	shalt  }
0x81: {  	_ =	shalt  }
0x82: {  	_ =	shalt  }
0x83: {  	_ =	shalt  }
0x84: {  	_ =	shalt  }
0x85: {  	_ =	shalt  }
0x86: {  	_ =	shalt  }
0x87: {  	_ =	shalt  }
.Lfunc_end0:
.L_simem_size_0:
called_computation.1_lowered:
.L_overlay_start_0:
0x88: {  	s2 =	sld [smem:$0x3FD9]  }
0x89: {  	s3 =	sld [smem:$0x3FFE];
	_ =	sdelay $0x1  }
0x8a: {  	s1 =	srdreg.scid  }
0x8b: {  	s0 =	sand.u32 $0x1, s1  }
0x8c: {  	s14 =	sshll.u32 s0, $0xA;
	s2 =	sadd.s32 s3, s2  }
0x8d: {  	s2 =	sadd.s32 s2, s14  }
0x8e: {  	[smem:$0x3FC3] =	sst s2  }
0x8f: {  	_ = 	snop  }
0x90: {  	s2 =	sld [smem:$0x3FD0];
	_ =	sdelay $0x2  }
0x91: {  	s15 =	simm.s32 $0xA;
	s4 =	simm.s32 $0x10  }
0x92: {  	[smem:s4], [sflag:s15] =	dma.local [hbm:s2], $0x1  }
0x93: {  	_ =	swait.eq [sflag:s15], $0x1  }
0x94: {  	[sflag:s15] =	ssyncset.done $0x0  }
0x95: {  	[sflag:s15] =	ssyncadd.s32 $0xFFFFFFFF  }
0x96: {  	s16 =	sld [smem:$0x10];
	(tm) =	ssettm $0x1  }
0x97: {  	s17 =	sld [smem:$0x3FFB];
	_ =	sdelay $0x3  }
0x98: {  	_ =	strace s17  }
0x99: {  	s3 =	sld [smem:$0x3FFC];
	_ =	sdelay $0x3  }
0x9a: {  	_ =	strace s3  }
0x9b: {  	s3 =	sld [smem:$0x3FFD];
	_ =	sdelay $0x3  }
0x9c: {  	_ =	strace s3  }
0x9d: {  	_ =	strace $0x8FFFFFFF  }
0x9e: {  	s18 =	sld [smem:$0x3FDB];
	_ =	sdelay $0x1  }
0x9f: {  	s19 =	simm.s32 $_scs_section_size  }
0xa0: {  	s5 =	simm.s32 $_size__tile_overlayer_lowered;
	s6 =	simm.s32 $_tile_overlayer_lowered  }
0xa1: {  	s22 =	simm.s32 $0x1BFF;
	s21 =	sshll.u32 s6, $0x1;
	s3 =	sadd.s32 s19, s18  }
0xa2: {  	s7 =	simm.s32 $0x0;
	s20 =	sshll.u32 s5, $0x1;
	s5 =	sadd.s32 s21, s3  }
0xa3: {  	[timem:s7], [sflag:s22] =	dma.local [hbm:s5], s20  }
0xa4: {  	_ =	swait.ge [sflag:s22], s20  }
0xa5: {  	s4 =	ssub.s32 $0x0, s20;
	[sflag:s22] =	ssyncset.done $0x0  }
0xa6: {  	[sflag:s22] =	ssyncadd.s32 s4;
	_ =	sdelay $0x1  }
0xa7: {  	s23 =	simm.s32 $0x1B8B  }
0xa8: {  	_ =	swait.ge [sflag:s23], $0x1  }
0xa9: {  	[sflag:s23] =	ssyncset.done $0x0  }
0xaa: {  	s25 =	simm.s32 $0x1B8E;
	s24 =	sld [smem:$0x3FFE];
	[sflag:s23] =	ssyncadd.s32 $0xFFFFFFFF  }
0xab: {  	s26 =	simm.s32 $execute0_lowered;
	[smem:$0x3FD2] =	sst s25  }
0xac: {  	s5 =	sshll.u32 s26, $0x1;
	_ =	strace $0x80000049;
	[dreg:$0x1] =	wrdreg $0xFFFFFFFF  }
0xad: {  	s28 =	simm.s32 $_size_execute0_lowered;
	s3 =	sadd.s32 s3, s5;
	[dreg:$0x0] =	wrdreg $0x0  }
0xae: {  	s5 =	sshll.u32 s28, $0x1;
	[dreg:$0x2] =	wrdreg s3  }
0xaf: {  	[dreg:$0x3] =	wrdreg s5  }
0xb0: {  	[dreg:$0x4] =	wrdreg $0xC0  }
0xb1: {  	_ =	task [dreg:s7], $0x5FFFF  }
0xb2: {  	[dreg:$0x1] =	wrdreg $0xFFFFFFFF  }
0xb3: {  	[dreg:$0x0] =	wrdreg $0x60  }
0xb4: {  	[dreg:$0x2] =	wrdreg s24  }
0xb5: {  	[dreg:$0x3] =	wrdreg s16  }
0xb6: {  	[dreg:$0x4] =	wrdreg $0x9  }
0xb7: {  	_ =	task.clear_ibuf [dreg:s7], $0x5FFFF;
	_ =	strace $0x90000049  }
0xb8: {  	s29 =	simm.s32 $0x9;
	_ =	strace $0x8000004B  }
0xb9: {  	_ =	swait.ge [sflag:s29], $0x1  }
0xba: {  	[sflag:s29] =	ssyncadd.s32 $0xFFFFFFFF  }
0xbb: {  	_ =	strace $0x9000004B  }
0xbc: {  	_ =	sfence  }
0xbd: {  	s30 =	sld [smem:$0x0];
	_ =	sdelay $0x2  }
0xbe: {  	s31 =	sshll.u32 s1, $0xD;
	s1 =	sshrl.u32 s1, $0x2  }
0xbf: {  	s3 =	sand.u32 $0x4000, s31;
	s1 =	sadd.s32 s1, s30  }
0xc0: {  	s0 =	sor.u32 s3, s0;
	s1 =	sshll.u32 s1, $0x11  }
0xc1: {  	s0 =	sor.u32 s1, s0  }
0xc2: {  	s0 =	sadd.s32 $0x8F2B, s0  }
0xc3: {  	[sflag:s0] =	ssyncadd.remote.s32 $0x1  }
0xc4: {  	_ =	sfence.sel $0xFFFF  }
0xc5: {  	[dreg:$0x0] =	wrdreg $0xFFFFFFFF;
	(pc) =	sbr.abs _section_cstart, $3  }
0xc6: {  	[dreg:$0x1] =	wrdreg $0xFFFFFFFF  }
0xc7: {  	_ =	task.clear_ibuf [dreg:s7], $0x2FFFF;
	_ =	strace $0x9FFFFFFF  }
0xc8: {  	(tm) =	ssettm $0x7FFFFFFF  }
0xc9: {  	_ =	shalt  }
tec
execute0_lowered:
.L_overlay_start_1:
0x0: {  	(tag) =	ssettag $0x1  }
0x1: {  	s0 =	rddreg [dreg:$0x0]  }
0x2: {  	s1 =	rddreg [dreg:$0x1]  }
0x3: {  	s2 =	srdreg.scid;
	s4 =	stileid.u32  }
0x4: {  	s12 =	simm.s32 $0x5;
	s18 =	simm.s32 $0x900;
	s30 =	simm.s32 $0x1100  }
0x5: {  	s20 =	simm.s32 $0x1900;
	s21 =	simm.s32 $0x2100;
	s22 =	simm.s32 $0x2900  }
0x6: {  	s28 =	simm.s32 $0x5100;
	s29 =	simm.s32 $0x5900;
	s13 =	simm.s32 $0x9100  }
0x7: {  	s31 =	simm.s32 $0xA100;
	s19 =	simm.s32 $0xC100;
	s14 =	simm.s32 $0x3  }
0x8: {  	s15 =	simm.s32 $0x2;
	s16 =	simm.s32 $0x4;
	s17 =	simm.s32 $0x0  }
0x9: {  	s3 =	sand.u32 $0x1, s2;
	s2 =	simm.s32 $0x0;
	s4 =	sshll.u32 s4, $0xB  }
0xa: {  	s5 =	sshll.u32 s3, $0xA;
	[smem:$0x7FF] =	sst s2;
	s23 =	ssub.s32 $0x2, s3  }
0xb: {  	s3 =	sadd.s32 $0x82E00, s0;
	s4 =	sor.u32 s5, s4;
	_ =	strace $0x8000004A  }
0xc: {  	s8 =	sshrl.u32 s23, $0x1;
	s5 =	sadd.s32 $0x82F00, s0;
	[dreg:$0xb] =	wrdreg s17  }
0xd: {  	s7 =	sshrl.u32 s4, $0x3;
	s8 =	ssub.s32 s23, s8;
	s10 =	sor.u32 $0x40, s4  }
0xe: {  	s4 =	sor.u32 $0x80, s4;
	s23 =	simm.s32 $0x3100;
	s6 =	sadd.s32 s7, s0  }
0xf: {  	s9 =	smul.u32 $0x1800, s7;
	s10 =	sshrl.u32 s10, $0x3;
	s8 =	smax.u32 s8, $0x1  }
0x10: {  	s4 =	sshrl.u32 s4, $0x3;
	s24 =	sadd.s32 $0x81E00, s6;
	s6 =	sadd.s32 $0x83000, s0  }
0x11: {  	s0 =	sadd.s32 $0x81E08, s0;
	s10 =	smul.u32 $0x300, s10;
	[dreg:$0x9] =	wrdreg s8  }
0x12: {  	s8 =	simm.s32 $0x8100;
	[dreg:$0x5] =	wrdreg s24;
	s9 =	sshrl.u32 s9, $0x3  }
0x13: {  	s11 =	sadd.s32 s7, s0;
	s7 =	smul.u32 $0x300, s7;
	s0 =	sadd.s32 s4, s0  }
0x14: {  	s24 =	simm.s32 $0x3900;
	s4 =	simm.s32 $0x7100;
	[dreg:$0x6] =	wrdreg s11  }
0x15: {  	s9 =	sadd.s32 s1, s9;
	s26 =	sadd.s32 s10, s1;
	[dreg:$0xa] =	wrdreg s0  }
0x16: {  	s11 =	simm.s32 $0x100;
	s25 =	sadd.s32 $0x15000, s9;
	[dreg:$0x3] =	wrdreg s26  }
0x17: {  	s0 =	simm.s32 $0x6100;
	s9 =	sadd.s32 $0x16800, s9;
	[dreg:$0x7] =	wrdreg s25  }
0x18: {  	v2 =	vlaneseq.u32;
	s10 =	simm.s32 $0x1;
	s1 =	sadd.s32 s7, s1;
	[dreg:$0x8] =	wrdreg s9  }
0x19: {  	vm0 =	vmmov $0xffff;
	v1 =	vshrl.u32 v2, $0x3;
	s26 =	simm.s32 $0x4900;
	s7 =	simm.s32 $0x7900;
	[dreg:$0x4] =	wrdreg s1  }
0x1a: {  	v0 =	vand.u32 $0x7, v2;
	v2 =	vor.u32 $0x8, v2;
	v1 =	vmul.u32 $0x8, v1;
	s25 =	simm.s32 $0x4100;
	s1 =	simm.s32 $0x6900;
	s9 =	simm.s32 $0x8900  }
.LBB2_1:
0x1b: {  	s17 =	rddreg [dreg:$0x5]  }
0x1c: {  	[tilespmem:s2], [sflag:$0x5] =	stream.linear.gather [hbm4b:s17+s2], $0x40, $0x38;
	[tilespmem:$0x18100] =	vst v63  }
0x1d: {  	_ =	swait.ge [sflag:s12], $0x40  }
0x1e: {  	[sflag:s12] =	ssyncset.done $0x0  }
0x1f: {  	[sflag:s12] =	ssyncadd.s32 $0xFFFFFFC0  }
0x20: {  	v3 =	vld [tilespmem:$0x0];
	_ =	sdelay $0x4  }
0x21: {  	v4 =	vshrl.u32 v3, $0x3  }
0x22: {  	v4 =	vmul.u32 $0x30, v4  }
0x23: {  	v3 =	vand.u32 $0x7, v3  }
0x24: {  	v3 =	vor.u32 v3, v4  }
0x25: {  	v4 =	vperm.xlane v3, v0;
	_ =	sdelay $0x1  }
0x26: {  	v4 =	vadd.s32 v1, v4;
	_ =	sdelay $0x3  }
0x27: {  	v3 =	vperm.xlane v3, v2  }
0x28: {  	[tilespmem:s11], [sflag:$0x1] =	stream.indirect_vreg.gather [hbm4b:s3+s2], $0x80, v4, vm0, $0xb8;
	[tilespmem:$0x18100] =	vst v63  }
0x29: {  	v3 =	vadd.s32 v1, v3  }
0x2a: {  	[tilespmem:s18], [sflag:$0x1] =	stream.indirect_vreg.gather [hbm4b:s5+s2], $0x80, v4, vm0, $0xb8;
	[tilespmem:$0x18100] =	vst v63  }
0x2b: {  	_ = 	snop  }
0x2c: {  	[tilespmem:s30], [sflag:$0x1] =	stream.indirect_vreg.gather [hbm4b:s6+s2], $0x80, v4, vm0, $0xb8;
	[tilespmem:$0x18100] =	vst v63  }
0x2d: {  	_ = 	snop  }
0x2e: {  	[tilespmem:s20], [sflag:$0x1] =	stream.indirect_vreg.gather [hbm4b:s3+s2], $0x80, v3, vm0, $0xb8;
	[tilespmem:$0x18100] =	vst v63  }
0x2f: {  	_ = 	snop  }
0x30: {  	[tilespmem:s21], [sflag:$0x1] =	stream.indirect_vreg.gather [hbm4b:s5+s2], $0x80, v3, vm0, $0xb8;
	[tilespmem:$0x18100] =	vst v63  }
0x31: {  	_ = 	snop  }
0x32: {  	[tilespmem:s22], [sflag:$0x1] =	stream.indirect_vreg.gather [hbm4b:s6+s2], $0x80, v3, vm0, $0xb8;
	[tilespmem:$0x18100] =	vst v63  }
0x33: {  	v3 =	vld [tilespmem:$0x10];
	_ =	sdelay $0x4  }
0x34: {  	v57 =	vshrl.u32 v3, $0x3  }
0x35: {  	v4 =	vmul.u32 $0x30, v57  }
0x36: {  	v3 =	vand.u32 $0x7, v3  }
0x37: {  	v3 =	vor.u32 v3, v4  }
0x38: {  	v4 =	vperm.xlane v3, v0;
	_ =	sdelay $0x1  }
0x39: {  	v4 =	vadd.s32 v1, v4;
	_ =	sdelay $0x3  }
0x3a: {  	v3 =	vperm.xlane v3, v2  }
0x3b: {  	[tilespmem:s23], [sflag:$0x1] =	stream.indirect_vreg.gather [hbm4b:s3+s2], $0x80, v4, vm0, $0xb8;
	[tilespmem:$0x18100] =	vst v63  }
0x3c: {  	v3 =	vadd.s32 v1, v3  }
0x3d: {  	[tilespmem:s24], [sflag:$0x1] =	stream.indirect_vreg.gather [hbm4b:s5+s2], $0x80, v4, vm0, $0xb8;
	[tilespmem:$0x18100] =	vst v63  }
0x3e: {  	_ = 	snop  }
0x3f: {  	[tilespmem:s25], [sflag:$0x1] =	stream.indirect_vreg.gather [hbm4b:s6+s2], $0x80, v4, vm0, $0xb8;
	[tilespmem:$0x18100] =	vst v63  }
0x40: {  	_ = 	snop  }
0x41: {  	[tilespmem:s26], [sflag:$0x1] =	stream.indirect_vreg.gather [hbm4b:s3+s2], $0x80, v3, vm0, $0xb8;
	[tilespmem:$0x18100] =	vst v63  }
0x42: {  	_ = 	snop  }
0x43: {  	[tilespmem:s28], [sflag:$0x1] =	stream.indirect_vreg.gather [hbm4b:s5+s2], $0x80, v3, vm0, $0xb8;
	[tilespmem:$0x18100] =	vst v63  }
0x44: {  	_ = 	snop  }
0x45: {  	[tilespmem:s29], [sflag:$0x1] =	stream.indirect_vreg.gather [hbm4b:s6+s2], $0x80, v3, vm0, $0xb8;
	[tilespmem:$0x18100] =	vst v63  }
0x46: {  	v3 =	vld [tilespmem:$0x20];
	_ =	sdelay $0x4  }
0x47: {  	v58 =	vshrl.u32 v3, $0x3  }
0x48: {  	v4 =	vmul.u32 $0x30, v58  }
0x49: {  	v3 =	vand.u32 $0x7, v3  }
0x4a: {  	v3 =	vor.u32 v3, v4  }
0x4b: {  	v4 =	vperm.xlane v3, v0;
	_ =	sdelay $0x1  }
0x4c: {  	v4 =	vadd.s32 v1, v4;
	_ =	sdelay $0x3  }
0x4d: {  	v3 =	vperm.xlane v3, v2  }
0x4e: {  	[tilespmem:s0], [sflag:$0x1] =	stream.indirect_vreg.gather [hbm4b:s3+s2], $0x80, v4, vm0, $0xb8;
	[tilespmem:$0x18100] =	vst v63  }
0x4f: {  	v3 =	vadd.s32 v1, v3  }
0x50: {  	[tilespmem:s1], [sflag:$0x1] =	stream.indirect_vreg.gather [hbm4b:s5+s2], $0x80, v4, vm0, $0xb8;
	[tilespmem:$0x18100] =	vst v63  }
0x51: {  	_ = 	snop  }
0x52: {  	[tilespmem:s4], [sflag:$0x1] =	stream.indirect_vreg.gather [hbm4b:s6+s2], $0x80, v4, vm0, $0xb8;
	[tilespmem:$0x18100] =	vst v63  }
0x53: {  	_ = 	snop  }
0x54: {  	[tilespmem:s7], [sflag:$0x1] =	stream.indirect_vreg.gather [hbm4b:s3+s2], $0x80, v3, vm0, $0xb8;
	[tilespmem:$0x18100] =	vst v63  }
0x55: {  	_ = 	snop  }
0x56: {  	[tilespmem:s8], [sflag:$0x1] =	stream.indirect_vreg.gather [hbm4b:s5+s2], $0x80, v3, vm0, $0xb8;
	[tilespmem:$0x18100] =	vst v63  }
0x57: {  	_ = 	snop  }
0x58: {  	[tilespmem:s9], [sflag:$0x1] =	stream.indirect_vreg.gather [hbm4b:s6+s2], $0x80, v3, vm0, $0xb8;
	[tilespmem:$0x18100] =	vst v63  }
0x59: {  	v3 =	vld [tilespmem:$0x30];
	_ =	sdelay $0x4  }
0x5a: {  	v59 =	vshrl.u32 v3, $0x3  }
0x5b: {  	v4 =	vmul.u32 $0x30, v59  }
0x5c: {  	v3 =	vand.u32 $0x7, v3  }
0x5d: {  	v3 =	vor.u32 v3, v4  }
0x5e: {  	v4 =	vperm.xlane v3, v0;
	_ =	sdelay $0x1  }
0x5f: {  	v4 =	vadd.s32 v1, v4;
	_ =	sdelay $0x3  }
0x60: {  	v3 =	vperm.xlane v3, v2  }
0x61: {  	[tilespmem:s13], [sflag:$0x1] =	stream.indirect_vreg.gather [hbm4b:s3+s2], $0x80, v4, vm0, $0xb8;
	[tilespmem:$0x18100] =	vst v63  }
0x62: {  	s18 =	simm.s32 $0x9900;
	v3 =	vadd.s32 v1, v3  }
0x63: {  	[tilespmem:s18], [sflag:$0x1] =	stream.indirect_vreg.gather [hbm4b:s5+s2], $0x80, v4, vm0, $0xb8;
	[tilespmem:$0x18100] =	vst v63  }
0x64: {  	_ = 	snop  }
0x65: {  	[tilespmem:s31], [sflag:$0x1] =	stream.indirect_vreg.gather [hbm4b:s6+s2], $0x80, v4, vm0, $0xb8;
	[tilespmem:$0x18100] =	vst v63  }
0x66: {  	s20 =	simm.s32 $0xA900  }
0x67: {  	[tilespmem:s20], [sflag:$0x1] =	stream.indirect_vreg.gather [hbm4b:s3+s2], $0x80, v3, vm0, $0xb8;
	[tilespmem:$0x18100] =	vst v63  }
0x68: {  	s21 =	simm.s32 $0xB100  }
0x69: {  	[tilespmem:s21], [sflag:$0x1] =	stream.indirect_vreg.gather [hbm4b:s5+s2], $0x80, v3, vm0, $0xb8;
	[tilespmem:$0x18100] =	vst v63  }
0x6a: {  	s22 =	simm.s32 $0xB900  }
0x6b: {  	[tilespmem:s22], [sflag:$0x1] =	stream.indirect_vreg.gather [hbm4b:s6+s2], $0x80, v3, vm0, $0xb8;
	[tilespmem:$0x18100] =	vst v63  }
0x6c: {  	s23 =	rddreg [dreg:$0x6];
	s24 =	simm.s32 $0x80  }
0x6d: {  	[tilespmem:s24], [sflag:$0x5] =	stream.linear.gather [hbm4b:s23+s2], $0x40, $0x38;
	[tilespmem:$0x18100] =	vst v63  }
0x6e: {  	_ =	swait.ge [sflag:s12], $0x40  }
0x6f: {  	[sflag:s12] =	ssyncset.done $0x0  }
0x70: {  	[sflag:s12] =	ssyncadd.s32 $0xFFFFFFC0  }
0x71: {  	v3 =	vld [tilespmem:$0x80];
	_ =	sdelay $0x4  }
0x72: {  	v60 =	vshrl.u32 v3, $0x3  }
0x73: {  	v4 =	vmul.u32 $0x30, v60  }
0x74: {  	v3 =	vand.u32 $0x7, v3  }
0x75: {  	v3 =	vor.u32 v3, v4  }
0x76: {  	v4 =	vperm.xlane v3, v0;
	_ =	sdelay $0x1  }
0x77: {  	v4 =	vadd.s32 v1, v4;
	_ =	sdelay $0x3  }
0x78: {  	v3 =	vperm.xlane v3, v2  }
0x79: {  	[tilespmem:s19], [sflag:$0x2] =	stream.indirect_vreg.gather [hbm4b:s3+s2], $0x80, v4, vm0, $0xb8;
	[tilespmem:$0x18100] =	vst v63  }
0x7a: {  	s25 =	simm.s32 $0xC900;
	v3 =	vadd.s32 v1, v3  }
0x7b: {  	[tilespmem:s25], [sflag:$0x2] =	stream.indirect_vreg.gather [hbm4b:s5+s2], $0x80, v4, vm0, $0xb8;
	[tilespmem:$0x18100] =	vst v63  }
0x7c: {  	s26 =	simm.s32 $0xD100  }
0x7d: {  	[tilespmem:s26], [sflag:$0x2] =	stream.indirect_vreg.gather [hbm4b:s6+s2], $0x80, v4, vm0, $0xb8;
	[tilespmem:$0x18100] =	vst v63  }
0x7e: {  	s1 =	simm.s32 $0xD900  }
0x7f: {  	[tilespmem:s1], [sflag:$0x2] =	stream.indirect_vreg.gather [hbm4b:s3+s2], $0x80, v3, vm0, $0xb8;
	[tilespmem:$0x18100] =	vst v63  }
0x80: {  	s4 =	simm.s32 $0xE100  }
0x81: {  	[tilespmem:s4], [sflag:$0x2] =	stream.indirect_vreg.gather [hbm4b:s5+s2], $0x80, v3, vm0, $0xb8;
	[tilespmem:$0x18100] =	vst v63  }
0x82: {  	s7 =	simm.s32 $0xE900  }
0x83: {  	[tilespmem:s7], [sflag:$0x2] =	stream.indirect_vreg.gather [hbm4b:s6+s2], $0x80, v3, vm0, $0xb8;
	[tilespmem:$0x18100] =	vst v63  }
0x84: {  	v3 =	vld [tilespmem:$0x90];
	_ =	sdelay $0x4  }
0x85: {  	v61 =	vshrl.u32 v3, $0x3  }
0x86: {  	v4 =	vmul.u32 $0x30, v61  }
0x87: {  	v3 =	vand.u32 $0x7, v3  }
0x88: {  	v3 =	vor.u32 v3, v4  }
0x89: {  	v4 =	vperm.xlane v3, v0;
	_ =	sdelay $0x1  }
0x8a: {  	v4 =	vadd.s32 v1, v4;
	_ =	sdelay $0x3  }
0x8b: {  	s8 =	simm.s32 $0xF100;
	v3 =	vperm.xlane v3, v2  }
0x8c: {  	[tilespmem:s8], [sflag:$0x2] =	stream.indirect_vreg.gather [hbm4b:s3+s2], $0x80, v4, vm0, $0xb8;
	[tilespmem:$0x18100] =	vst v63  }
0x8d: {  	s9 =	simm.s32 $0xF900;
	v3 =	vadd.s32 v1, v3  }
0x8e: {  	[tilespmem:s9], [sflag:$0x2] =	stream.indirect_vreg.gather [hbm4b:s5+s2], $0x80, v4, vm0, $0xb8;
	[tilespmem:$0x18100] =	vst v63  }
0x8f: {  	s11 =	simm.s32 $0x10100  }
0x90: {  	[tilespmem:s11], [sflag:$0x2] =	stream.indirect_vreg.gather [hbm4b:s6+s2], $0x80, v4, vm0, $0xb8;
	[tilespmem:$0x18100] =	vst v63  }
0x91: {  	s13 =	simm.s32 $0x10900  }
0x92: {  	[tilespmem:s13], [sflag:$0x2] =	stream.indirect_vreg.gather [hbm4b:s3+s2], $0x80, v3, vm0, $0xb8;
	[tilespmem:$0x18100] =	vst v63  }
0x93: {  	s17 =	simm.s32 $0x11100  }
0x94: {  	[tilespmem:s17], [sflag:$0x2] =	stream.indirect_vreg.gather [hbm4b:s5+s2], $0x80, v3, vm0, $0xb8;
	[tilespmem:$0x18100] =	vst v63  }
0x95: {  	s18 =	simm.s32 $0x11900  }
0x96: {  	[tilespmem:s18], [sflag:$0x2] =	stream.indirect_vreg.gather [hbm4b:s6+s2], $0x80, v3, vm0, $0xb8;
	[tilespmem:$0x18100] =	vst v63  }
0x97: {  	v3 =	vld [tilespmem:$0xA0];
	_ =	sdelay $0x4  }
0x98: {  	v62 =	vshrl.u32 v3, $0x3  }
0x99: {  	v4 =	vmul.u32 $0x30, v62  }
0x9a: {  	v3 =	vand.u32 $0x7, v3  }
0x9b: {  	v3 =	vor.u32 v3, v4  }
0x9c: {  	v4 =	vperm.xlane v3, v0;
	_ =	sdelay $0x1  }
0x9d: {  	v4 =	vadd.s32 v1, v4;
	_ =	sdelay $0x3  }
0x9e: {  	s19 =	simm.s32 $0x12100;
	v3 =	vperm.xlane v3, v2  }
0x9f: {  	[tilespmem:s19], [sflag:$0x2] =	stream.indirect_vreg.gather [hbm4b:s3+s2], $0x80, v4, vm0, $0xb8;
	[tilespmem:$0x18100] =	vst v63  }
0xa0: {  	s20 =	simm.s32 $0x12900;
	v3 =	vadd.s32 v1, v3  }
0xa1: {  	[tilespmem:s20], [sflag:$0x2] =	stream.indirect_vreg.gather [hbm4b:s5+s2], $0x80, v4, vm0, $0xb8;
	[tilespmem:$0x18100] =	vst v63  }
0xa2: {  	s21 =	simm.s32 $0x13100  }
0xa3: {  	[tilespmem:s21], [sflag:$0x2] =	stream.indirect_vreg.gather [hbm4b:s6+s2], $0x80, v4, vm0, $0xb8;
	[tilespmem:$0x18100] =	vst v63  }
0xa4: {  	s22 =	simm.s32 $0x13900  }
0xa5: {  	[tilespmem:s22], [sflag:$0x2] =	stream.indirect_vreg.gather [hbm4b:s3+s2], $0x80, v3, vm0, $0xb8;
	[tilespmem:$0x18100] =	vst v63  }
0xa6: {  	s23 =	simm.s32 $0x14100  }
0xa7: {  	[tilespmem:s23], [sflag:$0x2] =	stream.indirect_vreg.gather [hbm4b:s5+s2], $0x80, v3, vm0, $0xb8;
	[tilespmem:$0x18100] =	vst v63  }
0xa8: {  	s24 =	simm.s32 $0x14900  }
0xa9: {  	[tilespmem:s24], [sflag:$0x2] =	stream.indirect_vreg.gather [hbm4b:s6+s2], $0x80, v3, vm0, $0xb8;
	[tilespmem:$0x18100] =	vst v63  }
0xaa: {  	v3 =	vld [tilespmem:$0xB0];
	_ =	sdelay $0x4  }
0xab: {  	v63 =	vshrl.u32 v3, $0x3  }
0xac: {  	v4 =	vmul.u32 $0x30, v63  }
0xad: {  	v3 =	vand.u32 $0x7, v3  }
0xae: {  	v3 =	vor.u32 v3, v4  }
0xaf: {  	v4 =	vperm.xlane v3, v0;
	_ =	sdelay $0x1  }
0xb0: {  	v4 =	vadd.s32 v1, v4;
	_ =	sdelay $0x2  }
0xb1: {  	s30 =	simm.s32 $0x5100;
	s28 =	simm.s32 $0x4100;
	s29 =	simm.s32 $0x17100  }
0xb2: {  	s0 =	simm.s32 $0x6100;
	s31 =	simm.s32 $0x17900;
	s25 =	simm.s32 $0x15100;
	v3 =	vperm.xlane v3, v2  }
0xb3: {  	[tilespmem:s25], [sflag:$0x2] =	stream.indirect_vreg.gather [hbm4b:s3+s2], $0x80, v4, vm0, $0xb8;
	[tilespmem:$0x18100] =	vst v63  }
0xb4: {  	s26 =	simm.s32 $0x15900;
	s1 =	simm.s32 $0x6900;
	s4 =	simm.s32 $0x7100;
	v3 =	vadd.s32 v1, v3  }
0xb5: {  	[tilespmem:s26], [sflag:$0x2] =	stream.indirect_vreg.gather [hbm4b:s5+s2], $0x80, v4, vm0, $0xb8;
	[tilespmem:$0x18100] =	vst v63  }
0xb6: {  	s7 =	simm.s32 $0x7900;
	s8 =	simm.s32 $0x8100;
	s20 =	simm.s32 $0x16100  }
0xb7: {  	[tilespmem:s20], [sflag:$0x2] =	stream.indirect_vreg.gather [hbm4b:s6+s2], $0x80, v4, vm0, $0xb8;
	[tilespmem:$0x18100] =	vst v63  }
0xb8: {  	s9 =	simm.s32 $0x8900;
	s13 =	simm.s32 $0x9100;
	s24 =	simm.s32 $0x16900  }
0xb9: {  	[tilespmem:s24], [sflag:$0x2] =	stream.indirect_vreg.gather [hbm4b:s3+s2], $0x80, v3, vm0, $0xb8;
	[tilespmem:$0x18100] =	vst v63  }
0xba: {  	s17 =	rddreg [dreg:$0xa];
	s18 =	simm.s32 $0x0;
	s21 =	simm.s32 $0x1100  }
0xbb: {  	[tilespmem:s29], [sflag:$0x2] =	stream.indirect_vreg.gather [hbm4b:s5+s2], $0x80, v3, vm0, $0xb8;
	[tilespmem:$0x18100] =	vst v63  }
0xbc: {  	s23 =	simm.s32 $0x2100;
	s25 =	simm.s32 $0x3100;
	s26 =	simm.s32 $0x9900  }
0xbd: {  	[tilespmem:s31], [sflag:$0x2] =	stream.indirect_vreg.gather [hbm4b:s6+s2], $0x80, v3, vm0, $0xb8;
	[tilespmem:$0x18100] =	vst v63  }
.LBB2_2:
0xbe: {  	_ =	swait.ge [sflag:s10], $0xC000  }
0xbf: {  	s19 =	rddreg [dreg:$0x4];
	[sflag:s10] =	ssyncset.done $0x0  }
0xc0: {  	s22 =	simm.s32 $0x100;
	[sflag:s10] =	ssyncadd.s32 $0xFFFF4000;
	s19 =	sadd.s32 s18, s19  }
0xc1: {  	[hbm4b:s19+s2] =	stream.linear.scatter [tilespmem:s22], [sflag:$0x3], $0xC000, $0x38;
	[tilespmem:$0x18100] =	vst v63  }
0xc2: {  	_ =	swait.ge [sflag:s14], $0xC000  }
0xc3: {  	[sflag:s14] =	ssyncset.done $0x0  }
0xc4: {  	s11 =	sadd.s32 $0xFFFFFFF8, s17;
	[sflag:s14] =	ssyncadd.s32 $0xFFFF4000  }
0xc5: {  	[tilespmem:s2], [sflag:$0x5] =	stream.linear.gather [hbm4b:s11+s2], $0x40, $0x38;
	[tilespmem:$0x18100] =	vst v63  }
0xc6: {  	_ =	swait.ge [sflag:s12], $0x40  }
0xc7: {  	[sflag:s12] =	ssyncset.done $0x0  }
0xc8: {  	[sflag:s12] =	ssyncadd.s32 $0xFFFFFFC0  }
0xc9: {  	v3 =	vld [tilespmem:$0x0];
	_ =	sdelay $0x4  }
0xca: {  	v4 =	vshrl.u32 v3, $0x3  }
0xcb: {  	v4 =	vmul.u32 $0x30, v4  }
0xcc: {  	v3 =	vand.u32 $0x7, v3  }
0xcd: {  	v3 =	vor.u32 v3, v4  }
0xce: {  	v4 =	vperm.xlane v3, v0;
	_ =	sdelay $0x1  }
0xcf: {  	v4 =	vadd.s32 v1, v4;
	_ =	sdelay $0x3  }
0xd0: {  	v3 =	vperm.xlane v3, v2  }
0xd1: {  	[tilespmem:s22], [sflag:$0x1] =	stream.indirect_vreg.gather [hbm4b:s3+s2], $0x80, v4, vm0, $0xb8;
	[tilespmem:$0x18100] =	vst v63  }
0xd2: {  	v3 =	vadd.s32 v1, v3;
	s22 =	simm.s32 $0x900  }
0xd3: {  	[tilespmem:s22], [sflag:$0x1] =	stream.indirect_vreg.gather [hbm4b:s5+s2], $0x80, v4, vm0, $0xb8;
	[tilespmem:$0x18100] =	vst v63  }
0xd4: {  	_ = 	snop  }
0xd5: {  	[tilespmem:s21], [sflag:$0x1] =	stream.indirect_vreg.gather [hbm4b:s6+s2], $0x80, v4, vm0, $0xb8;
	[tilespmem:$0x18100] =	vst v63  }
0xd6: {  	s22 =	simm.s32 $0x1900  }
0xd7: {  	[tilespmem:s22], [sflag:$0x1] =	stream.indirect_vreg.gather [hbm4b:s3+s2], $0x80, v3, vm0, $0xb8;
	[tilespmem:$0x18100] =	vst v63  }
0xd8: {  	_ = 	snop  }
0xd9: {  	[tilespmem:s23], [sflag:$0x1] =	stream.indirect_vreg.gather [hbm4b:s5+s2], $0x80, v3, vm0, $0xb8;
	[tilespmem:$0x18100] =	vst v63  }
0xda: {  	s22 =	simm.s32 $0x2900  }
0xdb: {  	[tilespmem:s22], [sflag:$0x1] =	stream.indirect_vreg.gather [hbm4b:s6+s2], $0x80, v3, vm0, $0xb8;
	[tilespmem:$0x18100] =	vst v63  }
0xdc: {  	v3 =	vld [tilespmem:$0x10];
	_ =	sdelay $0x4  }
0xdd: {  	v57 =	vshrl.u32 v3, $0x3  }
0xde: {  	v4 =	vmul.u32 $0x30, v57  }
0xdf: {  	v3 =	vand.u32 $0x7, v3  }
0xe0: {  	v3 =	vor.u32 v3, v4  }
0xe1: {  	v4 =	vperm.xlane v3, v0;
	_ =	sdelay $0x1  }
0xe2: {  	v4 =	vadd.s32 v1, v4;
	_ =	sdelay $0x3  }
0xe3: {  	v3 =	vperm.xlane v3, v2  }
0xe4: {  	[tilespmem:s25], [sflag:$0x1] =	stream.indirect_vreg.gather [hbm4b:s3+s2], $0x80, v4, vm0, $0xb8;
	[tilespmem:$0x18100] =	vst v63  }
0xe5: {  	s22 =	simm.s32 $0x3900;
	v3 =	vadd.s32 v1, v3  }
0xe6: {  	[tilespmem:s22], [sflag:$0x1] =	stream.indirect_vreg.gather [hbm4b:s5+s2], $0x80, v4, vm0, $0xb8;
	[tilespmem:$0x18100] =	vst v63  }
0xe7: {  	_ = 	snop  }
0xe8: {  	[tilespmem:s28], [sflag:$0x1] =	stream.indirect_vreg.gather [hbm4b:s6+s2], $0x80, v4, vm0, $0xb8;
	[tilespmem:$0x18100] =	vst v63  }
0xe9: {  	s22 =	simm.s32 $0x4900  }
0xea: {  	[tilespmem:s22], [sflag:$0x1] =	stream.indirect_vreg.gather [hbm4b:s3+s2], $0x80, v3, vm0, $0xb8;
	[tilespmem:$0x18100] =	vst v63  }
0xeb: {  	_ = 	snop  }
0xec: {  	[tilespmem:s30], [sflag:$0x1] =	stream.indirect_vreg.gather [hbm4b:s5+s2], $0x80, v3, vm0, $0xb8;
	[tilespmem:$0x18100] =	vst v63  }
0xed: {  	s22 =	simm.s32 $0x5900  }
0xee: {  	[tilespmem:s22], [sflag:$0x1] =	stream.indirect_vreg.gather [hbm4b:s6+s2], $0x80, v3, vm0, $0xb8;
	[tilespmem:$0x18100] =	vst v63  }
0xef: {  	v3 =	vld [tilespmem:$0x20];
	_ =	sdelay $0x4  }
0xf0: {  	v58 =	vshrl.u32 v3, $0x3  }
0xf1: {  	v4 =	vmul.u32 $0x30, v58  }
0xf2: {  	v3 =	vand.u32 $0x7, v3  }
0xf3: {  	v3 =	vor.u32 v3, v4  }
0xf4: {  	v4 =	vperm.xlane v3, v0;
	_ =	sdelay $0x1  }
0xf5: {  	v4 =	vadd.s32 v1, v4;
	_ =	sdelay $0x3  }
0xf6: {  	v3 =	vperm.xlane v3, v2  }
0xf7: {  	[tilespmem:s0], [sflag:$0x1] =	stream.indirect_vreg.gather [hbm4b:s3+s2], $0x80, v4, vm0, $0xb8;
	[tilespmem:$0x18100] =	vst v63  }
0xf8: {  	v3 =	vadd.s32 v1, v3  }
0xf9: {  	[tilespmem:s1], [sflag:$0x1] =	stream.indirect_vreg.gather [hbm4b:s5+s2], $0x80, v4, vm0, $0xb8;
	[tilespmem:$0x18100] =	vst v63  }
0xfa: {  	_ = 	snop  }
0xfb: {  	[tilespmem:s4], [sflag:$0x1] =	stream.indirect_vreg.gather [hbm4b:s6+s2], $0x80, v4, vm0, $0xb8;
	[tilespmem:$0x18100] =	vst v63  }
0xfc: {  	_ = 	snop  }
0xfd: {  	[tilespmem:s7], [sflag:$0x1] =	stream.indirect_vreg.gather [hbm4b:s3+s2], $0x80, v3, vm0, $0xb8;
	[tilespmem:$0x18100] =	vst v63  }
0xfe: {  	_ = 	snop  }
0xff: {  	[tilespmem:s8], [sflag:$0x1] =	stream.indirect_vreg.gather [hbm4b:s5+s2], $0x80, v3, vm0, $0xb8;
	[tilespmem:$0x18100] =	vst v63  }
0x100: {  	_ = 	snop  }
0x101: {  	[tilespmem:s9], [sflag:$0x1] =	stream.indirect_vreg.gather [hbm4b:s6+s2], $0x80, v3, vm0, $0xb8;
	[tilespmem:$0x18100] =	vst v63  }
0x102: {  	v3 =	vld [tilespmem:$0x30];
	_ =	sdelay $0x4  }
0x103: {  	v59 =	vshrl.u32 v3, $0x3  }
0x104: {  	v4 =	vmul.u32 $0x30, v59  }
0x105: {  	v3 =	vand.u32 $0x7, v3  }
0x106: {  	v3 =	vor.u32 v3, v4  }
0x107: {  	v4 =	vperm.xlane v3, v0;
	_ =	sdelay $0x1  }
0x108: {  	v4 =	vadd.s32 v1, v4;
	_ =	sdelay $0x3  }
0x109: {  	v3 =	vperm.xlane v3, v2  }
0x10a: {  	[tilespmem:s13], [sflag:$0x1] =	stream.indirect_vreg.gather [hbm4b:s3+s2], $0x80, v4, vm0, $0xb8;
	[tilespmem:$0x18100] =	vst v63  }
0x10b: {  	v3 =	vadd.s32 v1, v3  }
0x10c: {  	[tilespmem:s26], [sflag:$0x1] =	stream.indirect_vreg.gather [hbm4b:s5+s2], $0x80, v4, vm0, $0xb8;
	[tilespmem:$0x18100] =	vst v63  }
0x10d: {  	s22 =	simm.s32 $0xA100  }
0x10e: {  	[tilespmem:s22], [sflag:$0x1] =	stream.indirect_vreg.gather [hbm4b:s6+s2], $0x80, v4, vm0, $0xb8;
	[tilespmem:$0x18100] =	vst v63  }
0x10f: {  	s22 =	simm.s32 $0xA900  }
0x110: {  	[tilespmem:s22], [sflag:$0x1] =	stream.indirect_vreg.gather [hbm4b:s3+s2], $0x80, v3, vm0, $0xb8;
	[tilespmem:$0x18100] =	vst v63  }
0x111: {  	s22 =	simm.s32 $0xB100  }
0x112: {  	[tilespmem:s22], [sflag:$0x1] =	stream.indirect_vreg.gather [hbm4b:s5+s2], $0x80, v3, vm0, $0xb8;
	[tilespmem:$0x18100] =	vst v63  }
0x113: {  	s22 =	simm.s32 $0xB900  }
0x114: {  	[tilespmem:s22], [sflag:$0x1] =	stream.indirect_vreg.gather [hbm4b:s6+s2], $0x80, v3, vm0, $0xb8;
	[tilespmem:$0x18100] =	vst v63  }
0x115: {  	_ =	swait.ge [sflag:s15], $0xC000  }
0x116: {  	s22 =	rddreg [dreg:$0x3];
	[sflag:s15] =	ssyncset.done $0x0  }
0x117: {  	[sflag:s15] =	ssyncadd.s32 $0xFFFF4000;
	s19 =	sadd.s32 s18, s22;
	s22 =	simm.s32 $0xC100  }
0x118: {  	[hbm4b:s19+s2] =	stream.linear.scatter [tilespmem:s22], [sflag:$0x4], $0xC000, $0x38;
	[tilespmem:$0x18100] =	vst v63  }
0x119: {  	_ =	swait.ge [sflag:s16], $0xC000  }
0x11a: {  	[sflag:s16] =	ssyncset.done $0x0  }
0x11b: {  	s19 =	simm.s32 $0x80;
	[sflag:s16] =	ssyncadd.s32 $0xFFFF4000  }
0x11c: {  	[tilespmem:s19], [sflag:$0x5] =	stream.linear.gather [hbm4b:s17+s2], $0x40, $0x38;
	[tilespmem:$0x18100] =	vst v63  }
0x11d: {  	_ =	swait.ge [sflag:s12], $0x40  }
0x11e: {  	[sflag:s12] =	ssyncset.done $0x0  }
0x11f: {  	[sflag:s12] =	ssyncadd.s32 $0xFFFFFFC0  }
0x120: {  	v3 =	vld [tilespmem:$0x80];
	_ =	sdelay $0x4  }
0x121: {  	v60 =	vshrl.u32 v3, $0x3  }
0x122: {  	v4 =	vmul.u32 $0x30, v60  }
0x123: {  	v3 =	vand.u32 $0x7, v3  }
0x124: {  	v3 =	vor.u32 v3, v4  }
0x125: {  	v4 =	vperm.xlane v3, v0;
	_ =	sdelay $0x1  }
0x126: {  	v4 =	vadd.s32 v1, v4;
	_ =	sdelay $0x3  }
0x127: {  	v3 =	vperm.xlane v3, v2  }
0x128: {  	[tilespmem:s22], [sflag:$0x2] =	stream.indirect_vreg.gather [hbm4b:s3+s2], $0x80, v4, vm0, $0xb8;
	[tilespmem:$0x18100] =	vst v63  }
0x129: {  	v3 =	vadd.s32 v1, v3;
	s22 =	simm.s32 $0xC900  }
0x12a: {  	[tilespmem:s22], [sflag:$0x2] =	stream.indirect_vreg.gather [hbm4b:s5+s2], $0x80, v4, vm0, $0xb8;
	[tilespmem:$0x18100] =	vst v63  }
0x12b: {  	s22 =	simm.s32 $0xD100  }
0x12c: {  	[tilespmem:s22], [sflag:$0x2] =	stream.indirect_vreg.gather [hbm4b:s6+s2], $0x80, v4, vm0, $0xb8;
	[tilespmem:$0x18100] =	vst v63  }
0x12d: {  	s22 =	simm.s32 $0xD900  }
0x12e: {  	[tilespmem:s22], [sflag:$0x2] =	stream.indirect_vreg.gather [hbm4b:s3+s2], $0x80, v3, vm0, $0xb8;
	[tilespmem:$0x18100] =	vst v63  }
0x12f: {  	s22 =	simm.s32 $0xE100  }
0x130: {  	[tilespmem:s22], [sflag:$0x2] =	stream.indirect_vreg.gather [hbm4b:s5+s2], $0x80, v3, vm0, $0xb8;
	[tilespmem:$0x18100] =	vst v63  }
0x131: {  	s22 =	simm.s32 $0xE900  }
0x132: {  	[tilespmem:s22], [sflag:$0x2] =	stream.indirect_vreg.gather [hbm4b:s6+s2], $0x80, v3, vm0, $0xb8;
	[tilespmem:$0x18100] =	vst v63  }
0x133: {  	v3 =	vld [tilespmem:$0x90];
	_ =	sdelay $0x4  }
0x134: {  	v61 =	vshrl.u32 v3, $0x3  }
0x135: {  	v4 =	vmul.u32 $0x30, v61  }
0x136: {  	v3 =	vand.u32 $0x7, v3  }
0x137: {  	v3 =	vor.u32 v3, v4  }
0x138: {  	v4 =	vperm.xlane v3, v0;
	_ =	sdelay $0x1  }
0x139: {  	v4 =	vadd.s32 v1, v4;
	_ =	sdelay $0x3  }
0x13a: {  	s22 =	simm.s32 $0xF100;
	v3 =	vperm.xlane v3, v2  }
0x13b: {  	[tilespmem:s22], [sflag:$0x2] =	stream.indirect_vreg.gather [hbm4b:s3+s2], $0x80, v4, vm0, $0xb8;
	[tilespmem:$0x18100] =	vst v63  }
0x13c: {  	v3 =	vadd.s32 v1, v3;
	s22 =	simm.s32 $0xF900  }
0x13d: {  	[tilespmem:s22], [sflag:$0x2] =	stream.indirect_vreg.gather [hbm4b:s5+s2], $0x80, v4, vm0, $0xb8;
	[tilespmem:$0x18100] =	vst v63  }
0x13e: {  	s22 =	simm.s32 $0x10100  }
0x13f: {  	[tilespmem:s22], [sflag:$0x2] =	stream.indirect_vreg.gather [hbm4b:s6+s2], $0x80, v4, vm0, $0xb8;
	[tilespmem:$0x18100] =	vst v63  }
0x140: {  	s22 =	simm.s32 $0x10900  }
0x141: {  	[tilespmem:s22], [sflag:$0x2] =	stream.indirect_vreg.gather [hbm4b:s3+s2], $0x80, v3, vm0, $0xb8;
	[tilespmem:$0x18100] =	vst v63  }
0x142: {  	s22 =	simm.s32 $0x11100  }
0x143: {  	[tilespmem:s22], [sflag:$0x2] =	stream.indirect_vreg.gather [hbm4b:s5+s2], $0x80, v3, vm0, $0xb8;
	[tilespmem:$0x18100] =	vst v63  }
0x144: {  	s22 =	simm.s32 $0x11900  }
0x145: {  	[tilespmem:s22], [sflag:$0x2] =	stream.indirect_vreg.gather [hbm4b:s6+s2], $0x80, v3, vm0, $0xb8;
	[tilespmem:$0x18100] =	vst v63  }
0x146: {  	v3 =	vld [tilespmem:$0xA0];
	_ =	sdelay $0x4  }
0x147: {  	v62 =	vshrl.u32 v3, $0x3  }
0x148: {  	v4 =	vmul.u32 $0x30, v62  }
0x149: {  	v3 =	vand.u32 $0x7, v3  }
0x14a: {  	v3 =	vor.u32 v3, v4  }
0x14b: {  	v4 =	vperm.xlane v3, v0;
	_ =	sdelay $0x1  }
0x14c: {  	v4 =	vadd.s32 v1, v4;
	_ =	sdelay $0x3  }
0x14d: {  	s22 =	simm.s32 $0x12100;
	v3 =	vperm.xlane v3, v2  }
0x14e: {  	[tilespmem:s22], [sflag:$0x2] =	stream.indirect_vreg.gather [hbm4b:s3+s2], $0x80, v4, vm0, $0xb8;
	[tilespmem:$0x18100] =	vst v63  }
0x14f: {  	v3 =	vadd.s32 v1, v3;
	s22 =	simm.s32 $0x12900  }
0x150: {  	[tilespmem:s22], [sflag:$0x2] =	stream.indirect_vreg.gather [hbm4b:s5+s2], $0x80, v4, vm0, $0xb8;
	[tilespmem:$0x18100] =	vst v63  }
0x151: {  	s22 =	simm.s32 $0x13100  }
0x152: {  	[tilespmem:s22], [sflag:$0x2] =	stream.indirect_vreg.gather [hbm4b:s6+s2], $0x80, v4, vm0, $0xb8;
	[tilespmem:$0x18100] =	vst v63  }
0x153: {  	s22 =	simm.s32 $0x13900  }
0x154: {  	[tilespmem:s22], [sflag:$0x2] =	stream.indirect_vreg.gather [hbm4b:s3+s2], $0x80, v3, vm0, $0xb8;
	[tilespmem:$0x18100] =	vst v63  }
0x155: {  	s22 =	simm.s32 $0x14100  }
0x156: {  	[tilespmem:s22], [sflag:$0x2] =	stream.indirect_vreg.gather [hbm4b:s5+s2], $0x80, v3, vm0, $0xb8;
	[tilespmem:$0x18100] =	vst v63  }
0x157: {  	s22 =	simm.s32 $0x14900  }
0x158: {  	[tilespmem:s22], [sflag:$0x2] =	stream.indirect_vreg.gather [hbm4b:s6+s2], $0x80, v3, vm0, $0xb8;
	[tilespmem:$0x18100] =	vst v63  }
0x159: {  	v3 =	vld [tilespmem:$0xB0];
	_ =	sdelay $0x4  }
0x15a: {  	v63 =	vshrl.u32 v3, $0x3  }
0x15b: {  	v4 =	vmul.u32 $0x30, v63  }
0x15c: {  	v3 =	vand.u32 $0x7, v3  }
0x15d: {  	v3 =	vor.u32 v3, v4  }
0x15e: {  	v4 =	vperm.xlane v3, v0;
	_ =	sdelay $0x1  }
0x15f: {  	v4 =	vadd.s32 v1, v4;
	_ =	sdelay $0x3  }
0x160: {  	s22 =	simm.s32 $0x15100;
	v3 =	vperm.xlane v3, v2  }
0x161: {  	[tilespmem:s22], [sflag:$0x2] =	stream.indirect_vreg.gather [hbm4b:s3+s2], $0x80, v4, vm0, $0xb8;
	[tilespmem:$0x18100] =	vst v63  }
0x162: {  	v3 =	vadd.s32 v1, v3;
	s22 =	simm.s32 $0x15900  }
0x163: {  	[tilespmem:s22], [sflag:$0x2] =	stream.indirect_vreg.gather [hbm4b:s5+s2], $0x80, v4, vm0, $0xb8;
	[tilespmem:$0x18100] =	vst v63  }
0x164: {  	_ = 	snop  }
0x165: {  	[tilespmem:s20], [sflag:$0x2] =	stream.indirect_vreg.gather [hbm4b:s6+s2], $0x80, v4, vm0, $0xb8;
	[tilespmem:$0x18100] =	vst v63  }
0x166: {  	p0 =	sne.s32 s18, $0x12000  }
0x167: {  	[tilespmem:s24], [sflag:$0x2] =	stream.indirect_vreg.gather [hbm4b:s3+s2], $0x80, v3, vm0, $0xb8;
	[tilespmem:$0x18100] =	vst v63  }
.Ltmp0:
0x168: {  	_ = 	snop;
	(pc) =	sbr.rel @p0 .LBB2_2-.Ltmp0, $4  }
0x169: {  	s11 =	simm.s32 $0x100  }
0x16a: {  	[tilespmem:s29], [sflag:$0x2] =	stream.indirect_vreg.gather [hbm4b:s5+s2], $0x80, v3, vm0, $0xb8;
	[tilespmem:$0x18100] =	vst v63  }
0x16b: {  	s18 =	sadd.s32 $0x3000, s18;
	s19 =	simm.s32 $0xC100;
	s17 =	sadd.s32 $0x10, s17  }
0x16c: {  	[tilespmem:s31], [sflag:$0x2] =	stream.indirect_vreg.gather [hbm4b:s6+s2], $0x80, v3, vm0, $0xb8;
	[tilespmem:$0x18100] =	vst v63  }
0x16d: {  	_ =	swait.ge [sflag:s10], $0xC000  }
0x16e: {  	[sflag:s10] =	ssyncset.done $0x0  }
0x16f: {  	s17 =	rddreg [dreg:$0x7];
	[sflag:s10] =	ssyncadd.s32 $0xFFFF4000  }
0x170: {  	[hbm4b:s17+s2] =	stream.linear.scatter [tilespmem:s11], [sflag:$0x5], $0xC000, $0x38;
	[tilespmem:$0x18100] =	vst v63  }
0x171: {  	_ =	swait.ge [sflag:s12], $0xC000  }
0x172: {  	[sflag:s12] =	ssyncset.done $0x0  }
0x173: {  	[sflag:s12] =	ssyncadd.s32 $0xFFFF4000  }
0x174: {  	_ =	swait.ge [sflag:s15], $0xC000  }
0x175: {  	[sflag:s15] =	ssyncset.done $0x0  }
0x176: {  	s18 =	simm.s32 $0x900;
	s25 =	rddreg [dreg:$0x8];
	[sflag:s15] =	ssyncadd.s32 $0xFFFF4000  }
0x177: {  	[hbm4b:s25+s2] =	stream.linear.scatter [tilespmem:s19], [sflag:$0x5], $0xC000, $0x38;
	[tilespmem:$0x18100] =	vst v63  }
0x178: {  	s30 =	simm.s32 $0x1100;
	s20 =	simm.s32 $0x1900;
	_ =	swait.ge [sflag:s12], $0xC000  }
0x179: {  	s21 =	simm.s32 $0x2100;
	s22 =	simm.s32 $0x2900;
	s0 =	rddreg [dreg:$0xb]  }
0x17a: {  	s23 =	simm.s32 $0x3100;
	s26 =	rddreg [dreg:$0x9];
	s0 =	sadd.s32 $0x1, s0  }
0x17b: {  	s24 =	simm.s32 $0x3900;
	s28 =	simm.s32 $0x5100;
	p0 =	sne.s32 s0, s26  }
.Ltmp1:
0x17c: {  	s29 =	simm.s32 $0x5900;
	s1 =	simm.s32 $0x6900;
	(pc) =	sbr.rel @p0 .LBB2_1-.Ltmp1, $4  }
0x17d: {  	s4 =	simm.s32 $0x7100;
	s7 =	simm.s32 $0x7900;
	s8 =	simm.s32 $0x8100  }
0x17e: {  	s9 =	simm.s32 $0x8900;
	s13 =	simm.s32 $0x9100;
	[sflag:s12] =	ssyncset.done $0x0  }
0x17f: {  	s31 =	simm.s32 $0xA100;
	s25 =	simm.s32 $0x4100;
	[sflag:s12] =	ssyncadd.s32 $0xFFFF4000  }
0x180: {  	[dreg:$0xb] =	wrdreg s0;
	s26 =	simm.s32 $0x4900;
	s0 =	simm.s32 $0x6100  }
0x181: {  	_ =	sfence.sel $0x180000  }
0x182: {  	[bflag:$0x0] =	sbarrier.arrive $0xFFFF  }
0x183: {  	_ =	strace $0x9000004A  }
0x184: {  	s0 =	stileid.u32;
	[bflag:$0x2] =	sbarrier.arrive $0xFFFF  }
0x185: {  	p0 =	sne.s32 s0, $0x0;
	s0 =	rddreg [dreg:$0x2]  }
0x186: {  	s0 =	sadd.s32 @!p0 $0x100000, s0  }
0x187: {  	[sflag:s0] =	ssyncadd.tile.s32 @!p0 $0x1;
	_ =	shalt  }
.Lfunc_end2:
_tile_overlayer_lowered:
.L_overlay_start_2:
0x188: {  	(tag) =	ssettag $0x2  }
0x189: {  	s0 =	rddreg [dreg:$0x0];
	s2 =	stileid.u32  }
0x18a: {  	s1 =	rddreg [dreg:$0x1];
	p0 =	sne.s32 s2, $0x0  }
0x18b: {  	s3 =	rddreg [dreg:$0x2];
	[bflag:$0x3] =	sbarrier.arrive $0xFFFF;
	s2 =	simm.s32 @!p0 $0x1C05  }
0x18c: {  	[timem:s3], [sflag:s2] =	dma.local @!p0 [hbm:s0], s1  }
0x18d: {  	s0 =	simm.s32 @!p0 $0x5  }
0x18e: {  	_ =	swait.ge @!p0 [sflag:s0], s1  }
0x18f: {  	s1 =	ssub.s32 @!p0 $0x0, s1;
	[sflag:s0] =	ssyncset.done @!p0 $0x0  }
0x190: {  	[sflag:s0] =	ssyncadd.s32 @!p0 s1  }
0x191: {  	[bflag:$0x3] =	sbarrier.arrive $0xFFFF  }
0x192: {  	_ =	shalt  }

// kernel: kernel.8.cloned.1.call-start
scs
__scs_entry_jumppad:
0x0: {  	(pc) =	sbr.rel $0x88, $3  }
0x1: {  	(tag) =	ssettag $0x0;
	lr =	simm.s32 $0x1  }
0x2: {  	[smem:$0x3F9C] =	sst lr;
	_ =	strace $0xD0000000  }
0x3: {  	_ = 	snop  }
0x4: {  	_ = 	snop  }
0x5: {  	_ = 	snop  }
0x6: {  	_ = 	snop  }
0x7: {  	_ = 	snop  }
__scs_overlays_trampoline_lowered:
0x8: {  	[smem:$0x3FAB] =	sst s0  }
0x9: {  	[smem:$0x3FAC] =	sst s1  }
0xa: {  	[smem:$0x3FAD] =	sst s2  }
0xb: {  	[smem:$0x3FAE] =	sst s3  }
0xc: {  	[smem:$0x3FAF] =	sst s4  }
0xd: {  	[smem:$0x3FB0] =	sst s5  }
0xe: {  	[smem:$0x3FB1] =	sst s6  }
0xf: {  	[smem:$0x3FB2] =	sst s7  }
0x10: {  	[smem:$0x3FB3] =	sst s8  }
0x11: {  	[smem:$0x3FB4] =	sst s9;
	s0 =	simm.s32 @!p0 $0x0  }
0x12: {  	s1 =	sld [smem:$0x3F9A];
	s0 =	simm.s32 @p0 $0x1  }
0x13: {  	[smem:$0x3FB5] =	sst s0;
	s0 =	simm.s32 @!p1 $0x0  }
0x14: {  	s2 =	sld [smem:$0x3F99];
	s0 =	simm.s32 @p1 $0x1  }
0x15: {  	[smem:$0x3FB6] =	sst s0;
	s0 =	simm.s32 @!p2 $0x0  }
0x16: {  	s3 =	sld [smem:$0x3FDB];
	s0 =	simm.s32 @p2 $0x1  }
0x17: {  	s4 =	simm.s32 $0x1BF5;
	[smem:$0x3FB8] =	sst s0  }
0x18: {  	s0 =	sld [smem:$0x3F9B];
	_ =	swait.ge [sflag:s4], $0x0  }
0x19: {  	s7 =	sld [smem:$0x3F9C]  }
0x1a: {  	s8 =	sadd.s32 $0xFFFFE003, lr  }
0x1b: {  	s9 =	sadd.s32 $0xFFFFFEF7, lr;
	s5 =	simm.s32 $0xFFFFFFFF;
	p2 =	slt.u32 s8, $0xFFFFF086  }
0x1c: {  	p1 =	slt.u32 s9, $0xF7A;
	s5 =	simm.s32 @!p2 $0x0  }
0x1d: {  	s5 =	simm.s32 @p1 $0x1;
	p0 =	seq.s32 s7, s2  }
0x1e: {  	s7 =	smul.u32 @!p0 $0xF7A, s2;
	p2 =	seq.s32 @!p0 s5, $0x0  }
0x1f: {  	s9 =	smul.u32 $0xF7A, s1;
	s8 =	simm.s32 @!p0 $0x1BF5;
	p2 =	por !p2, p0  }
0x20: {  	[sflag:s8] =	ssyncset.s32 @!p0 $0xFFFFF086;
	s6 =	sadd.s32 @!p0 s3, s7;
	s7 =	simm.s32 @!p0 $0x108  }
0x21: {  	s3 =	sadd.s32 s3, s9;
	s6 =	sadd.s32 @!p0 $0x88, s6;
	s7 =	simm.s32 @p2 $0x1082  }
0x22: {  	[simem:s7], [sflag:s8] =	dma.local @!p0 [hbm:s6], $0xF7A  }
0x23: {  	s9 =	sor.u32 $0xD0000000, s2;
	s6 =	simm.s32 $0x108;
	_ =	swait.ge @!p0 [sflag:s8], $0x0  }
0x24: {  	s3 =	sadd.s32 $0x88, s3;
	s6 =	simm.s32 @!p1 $0x1082;
	[sflag:s4] =	ssyncset.s32 $0xFFFFF086  }
0x25: {  	[simem:s6], [sflag:s4] =	dma.local [hbm:s3], $0xF7A  }
0x26: {  	[smem:$0x3F9C] =	sst s1;
	(tag) =	ssettag s2;
	_ =	strace s9  }
0x27: {  	s1 =	sld [smem:$0x3FAC]  }
0x28: {  	s2 =	sld [smem:$0x3FAD]  }
0x29: {  	s4 =	sld [smem:$0x3FAF]  }
0x2a: {  	p0 =	seq.s32 s5, $0x0;
	s5 =	sld [smem:$0x3FB0]  }
0x2b: {  	s6 =	sld [smem:$0x3FB1]  }
0x2c: {  	s7 =	sld [smem:$0x3FB2]  }
0x2d: {  	s3 =	simm.s32 $0x108;
	s8 =	sld [smem:$0x3FB3]  }
0x2e: {  	s3 =	simm.s32 @!p0 $0x1082;
	s9 =	sld [smem:$0x3FB4]  }
0x2f: {  	lr =	sadd.s32 s0, s3;
	s0 =	sld [smem:$0x3FAB]  }
0x30: {  	s3 =	sld [smem:$0x3FAE]  }
0x31: {  	[smem:$0x3FB7] =	sst s10  }
0x32: {  	s10 =	sld [smem:$0x3FB5];
	_ =	sdelay $0x3  }
0x33: {  	p0 =	seq.s32 s10, $0x1;
	s10 =	sld [smem:$0x3FB7];
	_ =	sdelay $0x3  }
0x34: {  	[smem:$0x3FB7] =	sst s10  }
0x35: {  	s10 =	sld [smem:$0x3FB6];
	_ =	sdelay $0x3  }
0x36: {  	p1 =	seq.s32 s10, $0x1;
	s10 =	sld [smem:$0x3FB7];
	_ =	sdelay $0x3  }
0x37: {  	[smem:$0x3FB7] =	sst s10  }
0x38: {  	s10 =	sld [smem:$0x3FB8]  }
0x39: {  	_ = 	snop;
	(pc) =	sbr.ind lr, $3  }
0x3a: {  	_ = 	snop  }
0x3b: {  	_ = 	snop  }
0x3c: {  	p2 =	seq.s32 s10, $0x1;
	s10 =	sld [smem:$0x3FB7]  }
0x3d: {  	_ =	shalt  }
0x3e: {  	_ =	shalt  }
0x3f: {  	_ =	shalt  }
0x40: {  	_ =	shalt  }
0x41: {  	_ =	shalt  }
0x42: {  	_ =	shalt  }
0x43: {  	_ =	shalt  }
0x44: {  	_ =	shalt  }
0x45: {  	_ =	shalt  }
0x46: {  	_ =	shalt  }
0x47: {  	_ =	shalt  }
0x48: {  	_ =	shalt  }
0x49: {  	_ =	shalt  }
0x4a: {  	_ =	shalt  }
0x4b: {  	_ =	shalt  }
0x4c: {  	_ =	shalt  }
0x4d: {  	_ =	shalt  }
0x4e: {  	_ =	shalt  }
0x4f: {  	_ =	shalt  }
0x50: {  	_ =	shalt  }
0x51: {  	_ =	shalt  }
0x52: {  	_ =	shalt  }
0x53: {  	_ =	shalt  }
0x54: {  	_ =	shalt  }
0x55: {  	_ =	shalt  }
0x56: {  	_ =	shalt  }
0x57: {  	_ =	shalt  }
0x58: {  	_ =	shalt  }
0x59: {  	_ =	shalt  }
0x5a: {  	_ =	shalt  }
0x5b: {  	_ =	shalt  }
0x5c: {  	_ =	shalt  }
0x5d: {  	_ =	shalt  }
0x5e: {  	_ =	shalt  }
0x5f: {  	_ =	shalt  }
0x60: {  	_ =	shalt  }
0x61: {  	_ =	shalt  }
0x62: {  	_ =	shalt  }
0x63: {  	_ =	shalt  }
0x64: {  	_ =	shalt  }
0x65: {  	_ =	shalt  }
0x66: {  	_ =	shalt  }
0x67: {  	_ =	shalt  }
0x68: {  	_ =	shalt  }
0x69: {  	_ =	shalt  }
0x6a: {  	_ =	shalt  }
0x6b: {  	_ =	shalt  }
0x6c: {  	_ =	shalt  }
0x6d: {  	_ =	shalt  }
0x6e: {  	_ =	shalt  }
0x6f: {  	_ =	shalt  }
0x70: {  	_ =	shalt  }
0x71: {  	_ =	shalt  }
0x72: {  	_ =	shalt  }
0x73: {  	_ =	shalt  }
0x74: {  	_ =	shalt  }
0x75: {  	_ =	shalt  }
0x76: {  	_ =	shalt  }
0x77: {  	_ =	shalt  }
0x78: {  	_ =	shalt  }
0x79: {  	_ =	shalt  }
0x7a: {  	_ =	shalt  }
0x7b: {  	_ =	shalt  }
0x7c: {  	_ =	shalt  }
0x7d: {  	_ =	shalt  }
0x7e: {  	_ =	shalt  }
0x7f: {  	_ =	shalt  }
0x80: {  	_ =	shalt  }
0x81: {  	_ =	shalt  }
0x82: {  	_ =	shalt  }
0x83: {  	_ =	shalt  }
0x84: {  	_ =	shalt  }
0x85: {  	_ =	shalt  }
0x86: {  	_ =	shalt  }
0x87: {  	_ =	shalt  }
.Lfunc_end0:
.L_simem_size_0:
called_computation_lowered:
.L_overlay_start_0:
0x88: {  	s2 =	sld [smem:$0x3FD9]  }
0x89: {  	s3 =	sld [smem:$0x3FFE];
	_ =	sdelay $0x1  }
0x8a: {  	s1 =	srdreg.scid  }
0x8b: {  	s0 =	sand.u32 $0x1, s1  }
0x8c: {  	s14 =	sshll.u32 s0, $0xA;
	s2 =	sadd.s32 s3, s2  }
0x8d: {  	s2 =	sadd.s32 s2, s14  }
0x8e: {  	[smem:$0x3FC3] =	sst s2  }
0x8f: {  	_ = 	snop  }
0x90: {  	s2 =	sld [smem:$0x3FD0];
	_ =	sdelay $0x2  }
0x91: {  	s4 =	simm.s32 $0xA;
	s5 =	simm.s32 $0x10;
	s15 =	sld [smem:$0x3FC9]  }
0x92: {  	[smem:s5], [sflag:s4] =	dma.local [hbm:s2], $0x1  }
0x93: {  	_ =	swait.eq [sflag:s4], $0x1  }
0x94: {  	[sflag:s4] =	ssyncset.done $0x0  }
0x95: {  	[sflag:s4] =	ssyncadd.s32 $0xFFFFFFFF  }
0x96: {  	s16 =	sld [smem:$0x10];
	(tm) =	ssettm $0x1  }
0x97: {  	s17 =	sld [smem:$0x3FFB];
	_ =	sdelay $0x3  }
0x98: {  	_ =	strace s17  }
0x99: {  	s4 =	sld [smem:$0x3FFC];
	_ =	sdelay $0x3  }
0x9a: {  	_ =	strace s4  }
0x9b: {  	s4 =	sld [smem:$0x3FFD];
	_ =	sdelay $0x3  }
0x9c: {  	_ =	strace s4  }
0x9d: {  	_ =	strace $0x8FFFFFFF  }
0x9e: {  	s18 =	sld [smem:$0x3FDB];
	_ =	sdelay $0x1  }
0x9f: {  	s19 =	simm.s32 $_scs_section_size  }
0xa0: {  	s6 =	simm.s32 $_size__tile_overlayer_lowered;
	s7 =	simm.s32 $_tile_overlayer_lowered  }
0xa1: {  	s22 =	simm.s32 $0x1BFF;
	s21 =	sshll.u32 s7, $0x1;
	s4 =	sadd.s32 s19, s18  }
0xa2: {  	s8 =	simm.s32 $0x0;
	s20 =	sshll.u32 s6, $0x1;
	s6 =	sadd.s32 s21, s4  }
0xa3: {  	[timem:s8], [sflag:s22] =	dma.local [hbm:s6], s20  }
0xa4: {  	_ =	swait.ge [sflag:s22], s20  }
0xa5: {  	s5 =	ssub.s32 $0x0, s20;
	[sflag:s22] =	ssyncset.done $0x0  }
0xa6: {  	[sflag:s22] =	ssyncadd.s32 s5;
	_ =	sdelay $0x1  }
0xa7: {  	s23 =	simm.s32 $0x1B8B  }
0xa8: {  	_ =	swait.ge [sflag:s23], $0x1  }
0xa9: {  	[sflag:s23] =	ssyncset.done $0x0  }
0xaa: {  	s25 =	simm.s32 $0x1B8E;
	s24 =	sld [smem:$0x3FFE];
	[sflag:s23] =	ssyncadd.s32 $0xFFFFFFFF  }
0xab: {  	s26 =	simm.s32 $execute0_lowered;
	[smem:$0x3FD2] =	sst s25  }
0xac: {  	s6 =	sshll.u32 s26, $0x1;
	_ =	strace $0x80000046;
	[dreg:$0x1] =	wrdreg $0xFFFFFFFF  }
0xad: {  	s28 =	simm.s32 $_size_execute0_lowered;
	s4 =	sadd.s32 s4, s6;
	[dreg:$0x0] =	wrdreg $0x0  }
0xae: {  	s6 =	sshll.u32 s28, $0x1;
	[dreg:$0x2] =	wrdreg s4  }
0xaf: {  	[dreg:$0x3] =	wrdreg s6  }
0xb0: {  	[dreg:$0x4] =	wrdreg $0xC0  }
0xb1: {  	_ =	task [dreg:s8], $0x5FFFF  }
0xb2: {  	[dreg:$0x1] =	wrdreg $0xFFFFFFFF  }
0xb3: {  	[dreg:$0x0] =	wrdreg $0x60  }
0xb4: {  	[dreg:$0x2] =	wrdreg s15  }
0xb5: {  	[dreg:$0x3] =	wrdreg s24  }
0xb6: {  	[dreg:$0x4] =	wrdreg s16  }
0xb7: {  	[dreg:$0x5] =	wrdreg $0x9  }
0xb8: {  	_ =	task.clear_ibuf [dreg:s8], $0x6FFFF;
	_ =	strace $0x90000046  }
0xb9: {  	s29 =	simm.s32 $0x9;
	_ =	strace $0x80000048  }
0xba: {  	_ =	swait.ge [sflag:s29], $0x1  }
0xbb: {  	[sflag:s29] =	ssyncadd.s32 $0xFFFFFFFF  }
0xbc: {  	_ =	strace $0x90000048  }
0xbd: {  	_ =	sfence  }
0xbe: {  	s30 =	sld [smem:$0x0];
	_ =	sdelay $0x2  }
0xbf: {  	s31 =	sshll.u32 s1, $0xD;
	s1 =	sshrl.u32 s1, $0x2  }
0xc0: {  	s3 =	sand.u32 $0x4000, s31;
	s1 =	sadd.s32 s1, s30  }
0xc1: {  	s0 =	sor.u32 s3, s0;
	s1 =	sshll.u32 s1, $0x11  }
0xc2: {  	s0 =	sor.u32 s1, s0  }
0xc3: {  	s0 =	sadd.s32 $0x8F2B, s0  }
0xc4: {  	[sflag:s0] =	ssyncadd.remote.s32 $0x1  }
0xc5: {  	_ =	sfence.sel $0xFFFF  }
0xc6: {  	[dreg:$0x0] =	wrdreg $0xFFFFFFFF;
	(pc) =	sbr.abs _section_cstart, $3  }
0xc7: {  	[dreg:$0x1] =	wrdreg $0xFFFFFFFF  }
0xc8: {  	_ =	task.clear_ibuf [dreg:s8], $0x2FFFF;
	_ =	strace $0x9FFFFFFF  }
0xc9: {  	(tm) =	ssettm $0x7FFFFFFF  }
tec
execute0_lowered:
.L_overlay_start_1:
0x0: {  	(tag) =	ssettag $0x1  }
0x1: {  	s0 =	rddreg [dreg:$0x0]  }
0x2: {  	s1 =	rddreg [dreg:$0x1]  }
0x3: {  	s2 =	rddreg [dreg:$0x2]  }
0x4: {  	s3 =	srdreg.scid;
	s5 =	stileid.u32  }
0x5: {  	s12 =	simm.s32 $0x3;
	s11 =	simm.s32 $0x100;
	s18 =	simm.s32 $0x900  }
0x6: {  	s16 =	simm.s32 $0x1100;
	s17 =	simm.s32 $0x1900;
	s19 =	simm.s32 $0x2100  }
0x7: {  	s20 =	simm.s32 $0x2900;
	s21 =	simm.s32 $0x3100;
	s22 =	simm.s32 $0x3900  }
0x8: {  	s28 =	simm.s32 $0x6100;
	s29 =	simm.s32 $0x6900;
	s13 =	simm.s32 $0xA100  }
0x9: {  	s31 =	simm.s32 $0xA900;
	s30 =	simm.s32 $0xC100;
	s14 =	simm.s32 $0x2  }
0xa: {  	s15 =	simm.s32 $0x0;
	s4 =	sand.u32 $0x1, s3;
	s3 =	simm.s32 $0x0  }
0xb: {  	s5 =	sshll.u32 s5, $0xB;
	s1 =	sadd.s32 $0x81E00, s1;
	s6 =	sshll.u32 s4, $0xA  }
0xc: {  	[smem:$0x7FF] =	sst s3;
	s4 =	ssub.s32 $0x2, s4;
	s5 =	sor.u32 s6, s5  }
0xd: {  	_ =	strace $0x80000047;
	s23 =	sshrl.u32 s4, $0x1;
	[dreg:$0xb] =	wrdreg s15  }
0xe: {  	s7 =	sshrl.u32 s5, $0x3;
	s4 =	ssub.s32 s4, s23;
	s5 =	sor.u32 $0x80, s5  }
0xf: {  	s23 =	simm.s32 $0x4100;
	s24 =	smul.u32 $0x300, s7;
	s8 =	sadd.s32 s1, s7  }
0x10: {  	s25 =	sor.u32 $0x8, s7;
	s5 =	sshrl.u32 s5, $0x3;
	s7 =	sadd.s32 $0x200, s2  }
0x11: {  	s4 =	smax.u32 s4, $0x1;
	[dreg:$0x5] =	wrdreg s8;
	s9 =	smul.u32 $0x300, s25  }
0x12: {  	s10 =	smul.u32 $0x300, s5;
	s8 =	sadd.s32 s1, s25;
	s1 =	sadd.s32 s5, s1  }
0x13: {  	[dreg:$0x9] =	wrdreg s4;
	s25 =	simm.s32 $0x5100;
	s4 =	simm.s32 $0x8100  }
0x14: {  	s5 =	simm.s32 $0x8900;
	s6 =	sadd.s32 s0, s24;
	[dreg:$0x7] =	wrdreg s8  }
0x15: {  	[dreg:$0x4] =	wrdreg s1;
	s24 =	simm.s32 $0x4900;
	s1 =	simm.s32 $0x7900  }
0x16: {  	s8 =	simm.s32 $0x9100;
	[dreg:$0x6] =	wrdreg s6;
	s6 =	sadd.s32 $0x100, s2  }
0x17: {  	v2 =	vlaneseq.u32;
	s26 =	sadd.s32 s0, s9;
	s0 =	sadd.s32 s10, s0;
	s9 =	simm.s32 $0x9900  }
0x18: {  	vm0 =	vmmov $0xffff;
	v1 =	vshrl.u32 v2, $0x3;
	s10 =	simm.s32 $0x1;
	[dreg:$0x8] =	wrdreg s26;
	s0 =	sadd.s32 $0x1800, s0  }
0x19: {  	v0 =	vand.u32 $0x7, v2;
	v2 =	vor.u32 $0x8, v2;
	v1 =	vmul.u32 $0x8, v1;
	s26 =	simm.s32 $0x5900;
	[dreg:$0xa] =	wrdreg s0;
	s0 =	simm.s32 $0x7100  }
.LBB2_1:
0x1a: {  	s15 =	rddreg [dreg:$0x5]  }
0x1b: {  	[tilespmem:s3], [sflag:$0x3] =	stream.linear.gather [hbm4b:s15+s3], $0x40, $0x38;
	[tilespmem:$0x18100] =	vst v63  }
0x1c: {  	_ =	swait.ge [sflag:s12], $0x40  }
0x1d: {  	[sflag:s12] =	ssyncset.done $0x0  }
0x1e: {  	s15 =	rddreg [dreg:$0x6];
	[sflag:s12] =	ssyncadd.s32 $0xFFFFFFC0  }
0x1f: {  	[tilespmem:s11], [sflag:$0x3] =	stream.linear.gather [hbm4b:s15+s3], $0xC000, $0x38;
	[tilespmem:$0x18100] =	vst v63  }
0x20: {  	_ =	swait.ge [sflag:s12], $0xC000  }
0x21: {  	[sflag:s12] =	ssyncset.done $0x0  }
0x22: {  	[sflag:s12] =	ssyncadd.s32 $0xFFFF4000  }
0x23: {  	v3 =	vld [tilespmem:$0x0];
	_ =	sdelay $0x4  }
0x24: {  	v4 =	vshrl.u32 v3, $0x3  }
0x25: {  	v4 =	vmul.u32 $0x30, v4  }
0x26: {  	v3 =	vand.u32 $0x7, v3  }
0x27: {  	v3 =	vor.u32 v3, v4  }
0x28: {  	v4 =	vperm.xlane v3, v0;
	_ =	sdelay $0x1  }
0x29: {  	v4 =	vadd.s32 v1, v4;
	_ =	sdelay $0x3  }
0x2a: {  	v3 =	vperm.xlane v3, v2  }
0x2b: {  	[hbm4b:s2+s3] =	stream.indirect_vreg.scatter [tilespmem:s11], [sflag:$0x1], $0x80, v4, vm0, $0xb8;
	[tilespmem:$0x18100] =	vst v63  }
0x2c: {  	v3 =	vadd.s32 v1, v3  }
0x2d: {  	[hbm4b:s6+s3] =	stream.indirect_vreg.scatter [tilespmem:s18], [sflag:$0x1], $0x80, v4, vm0, $0xb8;
	[tilespmem:$0x18100] =	vst v63  }
0x2e: {  	_ = 	snop  }
0x2f: {  	[hbm4b:s7+s3] =	stream.indirect_vreg.scatter [tilespmem:s16], [sflag:$0x1], $0x80, v4, vm0, $0xb8;
	[tilespmem:$0x18100] =	vst v63  }
0x30: {  	_ = 	snop  }
0x31: {  	[hbm4b:s2+s3] =	stream.indirect_vreg.scatter [tilespmem:s17], [sflag:$0x1], $0x80, v3, vm0, $0xb8;
	[tilespmem:$0x18100] =	vst v63  }
0x32: {  	_ = 	snop  }
0x33: {  	[hbm4b:s6+s3] =	stream.indirect_vreg.scatter [tilespmem:s19], [sflag:$0x1], $0x80, v3, vm0, $0xb8;
	[tilespmem:$0x18100] =	vst v63  }
0x34: {  	_ = 	snop  }
0x35: {  	[hbm4b:s7+s3] =	stream.indirect_vreg.scatter [tilespmem:s20], [sflag:$0x1], $0x80, v3, vm0, $0xb8;
	[tilespmem:$0x18100] =	vst v63  }
0x36: {  	v3 =	vld [tilespmem:$0x10];
	_ =	sdelay $0x4  }
0x37: {  	v57 =	vshrl.u32 v3, $0x3  }
0x38: {  	v4 =	vmul.u32 $0x30, v57  }
0x39: {  	v3 =	vand.u32 $0x7, v3  }
0x3a: {  	v3 =	vor.u32 v3, v4  }
0x3b: {  	v4 =	vperm.xlane v3, v0;
	_ =	sdelay $0x1  }
0x3c: {  	v4 =	vadd.s32 v1, v4;
	_ =	sdelay $0x3  }
0x3d: {  	v3 =	vperm.xlane v3, v2  }
0x3e: {  	[hbm4b:s2+s3] =	stream.indirect_vreg.scatter [tilespmem:s21], [sflag:$0x1], $0x80, v4, vm0, $0xb8;
	[tilespmem:$0x18100] =	vst v63  }
0x3f: {  	v3 =	vadd.s32 v1, v3  }
0x40: {  	[hbm4b:s6+s3] =	stream.indirect_vreg.scatter [tilespmem:s22], [sflag:$0x1], $0x80, v4, vm0, $0xb8;
	[tilespmem:$0x18100] =	vst v63  }
0x41: {  	_ = 	snop  }
0x42: {  	[hbm4b:s7+s3] =	stream.indirect_vreg.scatter [tilespmem:s23], [sflag:$0x1], $0x80, v4, vm0, $0xb8;
	[tilespmem:$0x18100] =	vst v63  }
0x43: {  	_ = 	snop  }
0x44: {  	[hbm4b:s2+s3] =	stream.indirect_vreg.scatter [tilespmem:s24], [sflag:$0x1], $0x80, v3, vm0, $0xb8;
	[tilespmem:$0x18100] =	vst v63  }
0x45: {  	_ = 	snop  }
0x46: {  	[hbm4b:s6+s3] =	stream.indirect_vreg.scatter [tilespmem:s25], [sflag:$0x1], $0x80, v3, vm0, $0xb8;
	[tilespmem:$0x18100] =	vst v63  }
0x47: {  	_ = 	snop  }
0x48: {  	[hbm4b:s7+s3] =	stream.indirect_vreg.scatter [tilespmem:s26], [sflag:$0x1], $0x80, v3, vm0, $0xb8;
	[tilespmem:$0x18100] =	vst v63  }
0x49: {  	v3 =	vld [tilespmem:$0x20];
	_ =	sdelay $0x4  }
0x4a: {  	v58 =	vshrl.u32 v3, $0x3  }
0x4b: {  	v4 =	vmul.u32 $0x30, v58  }
0x4c: {  	v3 =	vand.u32 $0x7, v3  }
0x4d: {  	v3 =	vor.u32 v3, v4  }
0x4e: {  	v4 =	vperm.xlane v3, v0;
	_ =	sdelay $0x1  }
0x4f: {  	v4 =	vadd.s32 v1, v4;
	_ =	sdelay $0x3  }
0x50: {  	v3 =	vperm.xlane v3, v2  }
0x51: {  	[hbm4b:s2+s3] =	stream.indirect_vreg.scatter [tilespmem:s28], [sflag:$0x1], $0x80, v4, vm0, $0xb8;
	[tilespmem:$0x18100] =	vst v63  }
0x52: {  	v3 =	vadd.s32 v1, v3  }
0x53: {  	[hbm4b:s6+s3] =	stream.indirect_vreg.scatter [tilespmem:s29], [sflag:$0x1], $0x80, v4, vm0, $0xb8;
	[tilespmem:$0x18100] =	vst v63  }
0x54: {  	_ = 	snop  }
0x55: {  	[hbm4b:s7+s3] =	stream.indirect_vreg.scatter [tilespmem:s0], [sflag:$0x1], $0x80, v4, vm0, $0xb8;
	[tilespmem:$0x18100] =	vst v63  }
0x56: {  	_ = 	snop  }
0x57: {  	[hbm4b:s2+s3] =	stream.indirect_vreg.scatter [tilespmem:s1], [sflag:$0x1], $0x80, v3, vm0, $0xb8;
	[tilespmem:$0x18100] =	vst v63  }
0x58: {  	_ = 	snop  }
0x59: {  	[hbm4b:s6+s3] =	stream.indirect_vreg.scatter [tilespmem:s4], [sflag:$0x1], $0x80, v3, vm0, $0xb8;
	[tilespmem:$0x18100] =	vst v63  }
0x5a: {  	_ = 	snop  }
0x5b: {  	[hbm4b:s7+s3] =	stream.indirect_vreg.scatter [tilespmem:s5], [sflag:$0x1], $0x80, v3, vm0, $0xb8;
	[tilespmem:$0x18100] =	vst v63  }
0x5c: {  	v3 =	vld [tilespmem:$0x30];
	_ =	sdelay $0x4  }
0x5d: {  	v59 =	vshrl.u32 v3, $0x3  }
0x5e: {  	v4 =	vmul.u32 $0x30, v59  }
0x5f: {  	v3 =	vand.u32 $0x7, v3  }
0x60: {  	v3 =	vor.u32 v3, v4  }
0x61: {  	v4 =	vperm.xlane v3, v0;
	_ =	sdelay $0x1  }
0x62: {  	v4 =	vadd.s32 v1, v4;
	_ =	sdelay $0x3  }
0x63: {  	v3 =	vperm.xlane v3, v2  }
0x64: {  	[hbm4b:s2+s3] =	stream.indirect_vreg.scatter [tilespmem:s8], [sflag:$0x1], $0x80, v4, vm0, $0xb8;
	[tilespmem:$0x18100] =	vst v63  }
0x65: {  	v3 =	vadd.s32 v1, v3  }
0x66: {  	[hbm4b:s6+s3] =	stream.indirect_vreg.scatter [tilespmem:s9], [sflag:$0x1], $0x80, v4, vm0, $0xb8;
	[tilespmem:$0x18100] =	vst v63  }
0x67: {  	_ = 	snop  }
0x68: {  	[hbm4b:s7+s3] =	stream.indirect_vreg.scatter [tilespmem:s13], [sflag:$0x1], $0x80, v4, vm0, $0xb8;
	[tilespmem:$0x18100] =	vst v63  }
0x69: {  	_ = 	snop  }
0x6a: {  	[hbm4b:s2+s3] =	stream.indirect_vreg.scatter [tilespmem:s31], [sflag:$0x1], $0x80, v3, vm0, $0xb8;
	[tilespmem:$0x18100] =	vst v63  }
0x6b: {  	s24 =	simm.s32 $0xB100  }
0x6c: {  	[hbm4b:s6+s3] =	stream.indirect_vreg.scatter [tilespmem:s24], [sflag:$0x1], $0x80, v3, vm0, $0xb8;
	[tilespmem:$0x18100] =	vst v63  }
0x6d: {  	s25 =	simm.s32 $0xB900  }
0x6e: {  	[hbm4b:s7+s3] =	stream.indirect_vreg.scatter [tilespmem:s25], [sflag:$0x1], $0x80, v3, vm0, $0xb8;
	[tilespmem:$0x18100] =	vst v63  }
0x6f: {  	s26 =	rddreg [dreg:$0x7];
	s28 =	simm.s32 $0x80  }
0x70: {  	[tilespmem:s28], [sflag:$0x3] =	stream.linear.gather [hbm4b:s26+s3], $0x40, $0x38;
	[tilespmem:$0x18100] =	vst v63  }
0x71: {  	_ =	swait.ge [sflag:s12], $0x40  }
0x72: {  	[sflag:s12] =	ssyncset.done $0x0  }
0x73: {  	s1 =	rddreg [dreg:$0x8];
	[sflag:s12] =	ssyncadd.s32 $0xFFFFFFC0  }
0x74: {  	[tilespmem:s30], [sflag:$0x3] =	stream.linear.gather [hbm4b:s1+s3], $0xC000, $0x38;
	[tilespmem:$0x18100] =	vst v63  }
0x75: {  	_ =	swait.ge [sflag:s12], $0xC000  }
0x76: {  	[sflag:s12] =	ssyncset.done $0x0  }
0x77: {  	[sflag:s12] =	ssyncadd.s32 $0xFFFF4000  }
0x78: {  	v3 =	vld [tilespmem:$0x80];
	_ =	sdelay $0x4  }
0x79: {  	v60 =	vshrl.u32 v3, $0x3  }
0x7a: {  	v4 =	vmul.u32 $0x30, v60  }
0x7b: {  	v3 =	vand.u32 $0x7, v3  }
0x7c: {  	v3 =	vor.u32 v3, v4  }
0x7d: {  	v4 =	vperm.xlane v3, v0;
	_ =	sdelay $0x1  }
0x7e: {  	v4 =	vadd.s32 v1, v4;
	_ =	sdelay $0x3  }
0x7f: {  	v3 =	vperm.xlane v3, v2  }
0x80: {  	[hbm4b:s2+s3] =	stream.indirect_vreg.scatter [tilespmem:s30], [sflag:$0x2], $0x80, v4, vm0, $0xb8;
	[tilespmem:$0x18100] =	vst v63  }
0x81: {  	s4 =	simm.s32 $0xC900;
	v3 =	vadd.s32 v1, v3  }
0x82: {  	[hbm4b:s6+s3] =	stream.indirect_vreg.scatter [tilespmem:s4], [sflag:$0x2], $0x80, v4, vm0, $0xb8;
	[tilespmem:$0x18100] =	vst v63  }
0x83: {  	s5 =	simm.s32 $0xD100  }
0x84: {  	[hbm4b:s7+s3] =	stream.indirect_vreg.scatter [tilespmem:s5], [sflag:$0x2], $0x80, v4, vm0, $0xb8;
	[tilespmem:$0x18100] =	vst v63  }
0x85: {  	s8 =	simm.s32 $0xD900  }
0x86: {  	[hbm4b:s2+s3] =	stream.indirect_vreg.scatter [tilespmem:s8], [sflag:$0x2], $0x80, v3, vm0, $0xb8;
	[tilespmem:$0x18100] =	vst v63  }
0x87: {  	s9 =	simm.s32 $0xE100  }
0x88: {  	[hbm4b:s6+s3] =	stream.indirect_vreg.scatter [tilespmem:s9], [sflag:$0x2], $0x80, v3, vm0, $0xb8;
	[tilespmem:$0x18100] =	vst v63  }
0x89: {  	s11 =	simm.s32 $0xE900  }
0x8a: {  	[hbm4b:s7+s3] =	stream.indirect_vreg.scatter [tilespmem:s11], [sflag:$0x2], $0x80, v3, vm0, $0xb8;
	[tilespmem:$0x18100] =	vst v63  }
0x8b: {  	v3 =	vld [tilespmem:$0x90];
	_ =	sdelay $0x4  }
0x8c: {  	v61 =	vshrl.u32 v3, $0x3  }
0x8d: {  	v4 =	vmul.u32 $0x30, v61  }
0x8e: {  	v3 =	vand.u32 $0x7, v3  }
0x8f: {  	v3 =	vor.u32 v3, v4  }
0x90: {  	v4 =	vperm.xlane v3, v0;
	_ =	sdelay $0x1  }
0x91: {  	v4 =	vadd.s32 v1, v4;
	_ =	sdelay $0x3  }
0x92: {  	s13 =	simm.s32 $0xF100;
	v3 =	vperm.xlane v3, v2  }
0x93: {  	[hbm4b:s2+s3] =	stream.indirect_vreg.scatter [tilespmem:s13], [sflag:$0x2], $0x80, v4, vm0, $0xb8;
	[tilespmem:$0x18100] =	vst v63  }
0x94: {  	s15 =	simm.s32 $0xF900;
	v3 =	vadd.s32 v1, v3  }
0x95: {  	[hbm4b:s6+s3] =	stream.indirect_vreg.scatter [tilespmem:s15], [sflag:$0x2], $0x80, v4, vm0, $0xb8;
	[tilespmem:$0x18100] =	vst v63  }
0x96: {  	s16 =	simm.s32 $0x10100  }
0x97: {  	[hbm4b:s7+s3] =	stream.indirect_vreg.scatter [tilespmem:s16], [sflag:$0x2], $0x80, v4, vm0, $0xb8;
	[tilespmem:$0x18100] =	vst v63  }
0x98: {  	s17 =	simm.s32 $0x10900  }
0x99: {  	[hbm4b:s2+s3] =	stream.indirect_vreg.scatter [tilespmem:s17], [sflag:$0x2], $0x80, v3, vm0, $0xb8;
	[tilespmem:$0x18100] =	vst v63  }
0x9a: {  	s18 =	simm.s32 $0x11100  }
0x9b: {  	[hbm4b:s6+s3] =	stream.indirect_vreg.scatter [tilespmem:s18], [sflag:$0x2], $0x80, v3, vm0, $0xb8;
	[tilespmem:$0x18100] =	vst v63  }
0x9c: {  	s19 =	simm.s32 $0x11900  }
0x9d: {  	[hbm4b:s7+s3] =	stream.indirect_vreg.scatter [tilespmem:s19], [sflag:$0x2], $0x80, v3, vm0, $0xb8;
	[tilespmem:$0x18100] =	vst v63  }
0x9e: {  	v3 =	vld [tilespmem:$0xA0];
	_ =	sdelay $0x4  }
0x9f: {  	v62 =	vshrl.u32 v3, $0x3  }
0xa0: {  	v4 =	vmul.u32 $0x30, v62  }
0xa1: {  	v3 =	vand.u32 $0x7, v3  }
0xa2: {  	v3 =	vor.u32 v3, v4  }
0xa3: {  	v4 =	vperm.xlane v3, v0;
	_ =	sdelay $0x1  }
0xa4: {  	v4 =	vadd.s32 v1, v4;
	_ =	sdelay $0x3  }
0xa5: {  	s20 =	simm.s32 $0x12100;
	v3 =	vperm.xlane v3, v2  }
0xa6: {  	[hbm4b:s2+s3] =	stream.indirect_vreg.scatter [tilespmem:s20], [sflag:$0x2], $0x80, v4, vm0, $0xb8;
	[tilespmem:$0x18100] =	vst v63  }
0xa7: {  	s21 =	simm.s32 $0x12900;
	v3 =	vadd.s32 v1, v3  }
0xa8: {  	[hbm4b:s6+s3] =	stream.indirect_vreg.scatter [tilespmem:s21], [sflag:$0x2], $0x80, v4, vm0, $0xb8;
	[tilespmem:$0x18100] =	vst v63  }
0xa9: {  	s22 =	simm.s32 $0x13100  }
0xaa: {  	[hbm4b:s7+s3] =	stream.indirect_vreg.scatter [tilespmem:s22], [sflag:$0x2], $0x80, v4, vm0, $0xb8;
	[tilespmem:$0x18100] =	vst v63  }
0xab: {  	s23 =	simm.s32 $0x13900  }
0xac: {  	[hbm4b:s2+s3] =	stream.indirect_vreg.scatter [tilespmem:s23], [sflag:$0x2], $0x80, v3, vm0, $0xb8;
	[tilespmem:$0x18100] =	vst v63  }
0xad: {  	s24 =	simm.s32 $0x14100  }
0xae: {  	[hbm4b:s6+s3] =	stream.indirect_vreg.scatter [tilespmem:s24], [sflag:$0x2], $0x80, v3, vm0, $0xb8;
	[tilespmem:$0x18100] =	vst v63  }
0xaf: {  	s25 =	simm.s32 $0x14900  }
0xb0: {  	[hbm4b:s7+s3] =	stream.indirect_vreg.scatter [tilespmem:s25], [sflag:$0x2], $0x80, v3, vm0, $0xb8;
	[tilespmem:$0x18100] =	vst v63  }
0xb1: {  	v3 =	vld [tilespmem:$0xB0];
	_ =	sdelay $0x4  }
0xb2: {  	v63 =	vshrl.u32 v3, $0x3  }
0xb3: {  	v4 =	vmul.u32 $0x30, v63  }
0xb4: {  	v3 =	vand.u32 $0x7, v3  }
0xb5: {  	v3 =	vor.u32 v3, v4  }
0xb6: {  	v4 =	vperm.xlane v3, v0;
	_ =	sdelay $0x1  }
0xb7: {  	v4 =	vadd.s32 v1, v4;
	_ =	sdelay $0x1  }
0xb8: {  	s29 =	simm.s32 $0x5900;
	s0 =	simm.s32 $0x16900  }
0xb9: {  	s31 =	simm.s32 $0x6900;
	s26 =	simm.s32 $0x15100;
	s28 =	simm.s32 $0x15900  }
0xba: {  	s1 =	simm.s32 $0x7900;
	s30 =	simm.s32 $0x16100;
	s4 =	simm.s32 $0x8100;
	v3 =	vperm.xlane v3, v2  }
0xbb: {  	[hbm4b:s2+s3] =	stream.indirect_vreg.scatter [tilespmem:s26], [sflag:$0x2], $0x80, v4, vm0, $0xb8;
	[tilespmem:$0x18100] =	vst v63  }
0xbc: {  	s5 =	simm.s32 $0x8900;
	s8 =	simm.s32 $0x9100;
	s9 =	simm.s32 $0x9900;
	v3 =	vadd.s32 v1, v3  }
0xbd: {  	[hbm4b:s6+s3] =	stream.indirect_vreg.scatter [tilespmem:s28], [sflag:$0x2], $0x80, v4, vm0, $0xb8;
	[tilespmem:$0x18100] =	vst v63  }
0xbe: {  	s11 =	simm.s32 $0x100;
	s13 =	simm.s32 $0xA100;
	s15 =	rddreg [dreg:$0xa]  }
0xbf: {  	[hbm4b:s7+s3] =	stream.indirect_vreg.scatter [tilespmem:s30], [sflag:$0x2], $0x80, v4, vm0, $0xb8;
	[tilespmem:$0x18100] =	vst v63  }
0xc0: {  	s16 =	simm.s32 $0x0;
	s19 =	simm.s32 $0x17100;
	s20 =	simm.s32 $0x1900  }
0xc1: {  	[hbm4b:s2+s3] =	stream.indirect_vreg.scatter [tilespmem:s0], [sflag:$0x2], $0x80, v3, vm0, $0xb8;
	[tilespmem:$0x18100] =	vst v63  }
0xc2: {  	s21 =	simm.s32 $0xC100;
	s22 =	simm.s32 $0x2900;
	s23 =	simm.s32 $0x17900  }
0xc3: {  	[hbm4b:s6+s3] =	stream.indirect_vreg.scatter [tilespmem:s19], [sflag:$0x2], $0x80, v3, vm0, $0xb8;
	[tilespmem:$0x18100] =	vst v63  }
0xc4: {  	s24 =	simm.s32 $0x3900;
	s25 =	simm.s32 $0xA900;
	s26 =	simm.s32 $0x4900  }
0xc5: {  	[hbm4b:s7+s3] =	stream.indirect_vreg.scatter [tilespmem:s23], [sflag:$0x2], $0x80, v3, vm0, $0xb8;
	[tilespmem:$0x18100] =	vst v63  }
.LBB2_2:
0xc6: {  	_ =	swait.ge [sflag:s10], $0xC000  }
0xc7: {  	s17 =	rddreg [dreg:$0x4];
	[sflag:s10] =	ssyncset.done $0x0  }
0xc8: {  	[sflag:s10] =	ssyncadd.s32 $0xFFFF4000;
	s17 =	sadd.s32 s16, s17  }
0xc9: {  	[tilespmem:s3], [sflag:$0x3] =	stream.linear.gather [hbm4b:s17+s3], $0x40, $0x38;
	[tilespmem:$0x18100] =	vst v63  }
0xca: {  	_ =	swait.ge [sflag:s12], $0x40  }
0xcb: {  	[sflag:s12] =	ssyncset.done $0x0  }
0xcc: {  	s18 =	sadd.s32 $0xFFFFE800, s15;
	[sflag:s12] =	ssyncadd.s32 $0xFFFFFFC0  }
0xcd: {  	[tilespmem:s11], [sflag:$0x3] =	stream.linear.gather [hbm4b:s18+s3], $0xC000, $0x38;
	[tilespmem:$0x18100] =	vst v63  }
0xce: {  	_ =	swait.ge [sflag:s12], $0xC000  }
0xcf: {  	[sflag:s12] =	ssyncset.done $0x0  }
0xd0: {  	[sflag:s12] =	ssyncadd.s32 $0xFFFF4000  }
0xd1: {  	v3 =	vld [tilespmem:$0x0];
	_ =	sdelay $0x4  }
0xd2: {  	v4 =	vshrl.u32 v3, $0x3  }
0xd3: {  	v4 =	vmul.u32 $0x30, v4  }
0xd4: {  	v3 =	vand.u32 $0x7, v3  }
0xd5: {  	v3 =	vor.u32 v3, v4  }
0xd6: {  	v4 =	vperm.xlane v3, v0;
	_ =	sdelay $0x1  }
0xd7: {  	v4 =	vadd.s32 v1, v4;
	_ =	sdelay $0x3  }
0xd8: {  	v3 =	vperm.xlane v3, v2  }
0xd9: {  	[hbm4b:s2+s3] =	stream.indirect_vreg.scatter [tilespmem:s11], [sflag:$0x1], $0x80, v4, vm0, $0xb8;
	[tilespmem:$0x18100] =	vst v63  }
0xda: {  	s18 =	simm.s32 $0x900;
	v3 =	vadd.s32 v1, v3  }
0xdb: {  	[hbm4b:s6+s3] =	stream.indirect_vreg.scatter [tilespmem:s18], [sflag:$0x1], $0x80, v4, vm0, $0xb8;
	[tilespmem:$0x18100] =	vst v63  }
0xdc: {  	s28 =	simm.s32 $0x1100  }
0xdd: {  	[hbm4b:s7+s3] =	stream.indirect_vreg.scatter [tilespmem:s28], [sflag:$0x1], $0x80, v4, vm0, $0xb8;
	[tilespmem:$0x18100] =	vst v63  }
0xde: {  	_ = 	snop  }
0xdf: {  	[hbm4b:s2+s3] =	stream.indirect_vreg.scatter [tilespmem:s20], [sflag:$0x1], $0x80, v3, vm0, $0xb8;
	[tilespmem:$0x18100] =	vst v63  }
0xe0: {  	s28 =	simm.s32 $0x2100  }
0xe1: {  	[hbm4b:s6+s3] =	stream.indirect_vreg.scatter [tilespmem:s28], [sflag:$0x1], $0x80, v3, vm0, $0xb8;
	[tilespmem:$0x18100] =	vst v63  }
0xe2: {  	_ = 	snop  }
0xe3: {  	[hbm4b:s7+s3] =	stream.indirect_vreg.scatter [tilespmem:s22], [sflag:$0x1], $0x80, v3, vm0, $0xb8;
	[tilespmem:$0x18100] =	vst v63  }
0xe4: {  	v3 =	vld [tilespmem:$0x10];
	_ =	sdelay $0x4  }
0xe5: {  	v57 =	vshrl.u32 v3, $0x3  }
0xe6: {  	v4 =	vmul.u32 $0x30, v57  }
0xe7: {  	v3 =	vand.u32 $0x7, v3  }
0xe8: {  	v3 =	vor.u32 v3, v4  }
0xe9: {  	v4 =	vperm.xlane v3, v0;
	_ =	sdelay $0x1  }
0xea: {  	v4 =	vadd.s32 v1, v4;
	_ =	sdelay $0x3  }
0xeb: {  	s28 =	simm.s32 $0x3100;
	v3 =	vperm.xlane v3, v2  }
0xec: {  	[hbm4b:s2+s3] =	stream.indirect_vreg.scatter [tilespmem:s28], [sflag:$0x1], $0x80, v4, vm0, $0xb8;
	[tilespmem:$0x18100] =	vst v63  }
0xed: {  	v3 =	vadd.s32 v1, v3  }
0xee: {  	[hbm4b:s6+s3] =	stream.indirect_vreg.scatter [tilespmem:s24], [sflag:$0x1], $0x80, v4, vm0, $0xb8;
	[tilespmem:$0x18100] =	vst v63  }
0xef: {  	s28 =	simm.s32 $0x4100  }
0xf0: {  	[hbm4b:s7+s3] =	stream.indirect_vreg.scatter [tilespmem:s28], [sflag:$0x1], $0x80, v4, vm0, $0xb8;
	[tilespmem:$0x18100] =	vst v63  }
0xf1: {  	_ = 	snop  }
0xf2: {  	[hbm4b:s2+s3] =	stream.indirect_vreg.scatter [tilespmem:s26], [sflag:$0x1], $0x80, v3, vm0, $0xb8;
	[tilespmem:$0x18100] =	vst v63  }
0xf3: {  	s28 =	simm.s32 $0x5100  }
0xf4: {  	[hbm4b:s6+s3] =	stream.indirect_vreg.scatter [tilespmem:s28], [sflag:$0x1], $0x80, v3, vm0, $0xb8;
	[tilespmem:$0x18100] =	vst v63  }
0xf5: {  	_ = 	snop  }
0xf6: {  	[hbm4b:s7+s3] =	stream.indirect_vreg.scatter [tilespmem:s29], [sflag:$0x1], $0x80, v3, vm0, $0xb8;
	[tilespmem:$0x18100] =	vst v63  }
0xf7: {  	v3 =	vld [tilespmem:$0x20];
	_ =	sdelay $0x4  }
0xf8: {  	v58 =	vshrl.u32 v3, $0x3  }
0xf9: {  	v4 =	vmul.u32 $0x30, v58  }
0xfa: {  	v3 =	vand.u32 $0x7, v3  }
0xfb: {  	v3 =	vor.u32 v3, v4  }
0xfc: {  	v4 =	vperm.xlane v3, v0;
	_ =	sdelay $0x1  }
0xfd: {  	v4 =	vadd.s32 v1, v4;
	_ =	sdelay $0x3  }
0xfe: {  	s28 =	simm.s32 $0x6100;
	v3 =	vperm.xlane v3, v2  }
0xff: {  	[hbm4b:s2+s3] =	stream.indirect_vreg.scatter [tilespmem:s28], [sflag:$0x1], $0x80, v4, vm0, $0xb8;
	[tilespmem:$0x18100] =	vst v63  }
0x100: {  	v3 =	vadd.s32 v1, v3  }
0x101: {  	[hbm4b:s6+s3] =	stream.indirect_vreg.scatter [tilespmem:s31], [sflag:$0x1], $0x80, v4, vm0, $0xb8;
	[tilespmem:$0x18100] =	vst v63  }
0x102: {  	s28 =	simm.s32 $0x7100  }
0x103: {  	[hbm4b:s7+s3] =	stream.indirect_vreg.scatter [tilespmem:s28], [sflag:$0x1], $0x80, v4, vm0, $0xb8;
	[tilespmem:$0x18100] =	vst v63  }
0x104: {  	_ = 	snop  }
0x105: {  	[hbm4b:s2+s3] =	stream.indirect_vreg.scatter [tilespmem:s1], [sflag:$0x1], $0x80, v3, vm0, $0xb8;
	[tilespmem:$0x18100] =	vst v63  }
0x106: {  	_ = 	snop  }
0x107: {  	[hbm4b:s6+s3] =	stream.indirect_vreg.scatter [tilespmem:s4], [sflag:$0x1], $0x80, v3, vm0, $0xb8;
	[tilespmem:$0x18100] =	vst v63  }
0x108: {  	_ = 	snop  }
0x109: {  	[hbm4b:s7+s3] =	stream.indirect_vreg.scatter [tilespmem:s5], [sflag:$0x1], $0x80, v3, vm0, $0xb8;
	[tilespmem:$0x18100] =	vst v63  }
0x10a: {  	v3 =	vld [tilespmem:$0x30];
	_ =	sdelay $0x4  }
0x10b: {  	v59 =	vshrl.u32 v3, $0x3  }
0x10c: {  	v4 =	vmul.u32 $0x30, v59  }
0x10d: {  	v3 =	vand.u32 $0x7, v3  }
0x10e: {  	v3 =	vor.u32 v3, v4  }
0x10f: {  	v4 =	vperm.xlane v3, v0;
	_ =	sdelay $0x1  }
0x110: {  	v4 =	vadd.s32 v1, v4;
	_ =	sdelay $0x3  }
0x111: {  	v3 =	vperm.xlane v3, v2  }
0x112: {  	[hbm4b:s2+s3] =	stream.indirect_vreg.scatter [tilespmem:s8], [sflag:$0x1], $0x80, v4, vm0, $0xb8;
	[tilespmem:$0x18100] =	vst v63  }
0x113: {  	v3 =	vadd.s32 v1, v3  }
0x114: {  	[hbm4b:s6+s3] =	stream.indirect_vreg.scatter [tilespmem:s9], [sflag:$0x1], $0x80, v4, vm0, $0xb8;
	[tilespmem:$0x18100] =	vst v63  }
0x115: {  	_ = 	snop  }
0x116: {  	[hbm4b:s7+s3] =	stream.indirect_vreg.scatter [tilespmem:s13], [sflag:$0x1], $0x80, v4, vm0, $0xb8;
	[tilespmem:$0x18100] =	vst v63  }
0x117: {  	_ = 	snop  }
0x118: {  	[hbm4b:s2+s3] =	stream.indirect_vreg.scatter [tilespmem:s25], [sflag:$0x1], $0x80, v3, vm0, $0xb8;
	[tilespmem:$0x18100] =	vst v63  }
0x119: {  	s28 =	simm.s32 $0xB100  }
0x11a: {  	[hbm4b:s6+s3] =	stream.indirect_vreg.scatter [tilespmem:s28], [sflag:$0x1], $0x80, v3, vm0, $0xb8;
	[tilespmem:$0x18100] =	vst v63  }
0x11b: {  	s28 =	simm.s32 $0xB900  }
0x11c: {  	[hbm4b:s7+s3] =	stream.indirect_vreg.scatter [tilespmem:s28], [sflag:$0x1], $0x80, v3, vm0, $0xb8;
	[tilespmem:$0x18100] =	vst v63  }
0x11d: {  	_ =	swait.ge [sflag:s14], $0xC000  }
0x11e: {  	[sflag:s14] =	ssyncset.done $0x0  }
0x11f: {  	s17 =	sadd.s32 $0x8, s17;
	s28 =	simm.s32 $0x80;
	[sflag:s14] =	ssyncadd.s32 $0xFFFF4000  }
0x120: {  	[tilespmem:s28], [sflag:$0x3] =	stream.linear.gather [hbm4b:s17+s3], $0x40, $0x38;
	[tilespmem:$0x18100] =	vst v63  }
0x121: {  	_ =	swait.ge [sflag:s12], $0x40  }
0x122: {  	[sflag:s12] =	ssyncset.done $0x0  }
0x123: {  	[sflag:s12] =	ssyncadd.s32 $0xFFFFFFC0  }
0x124: {  	[tilespmem:s21], [sflag:$0x3] =	stream.linear.gather [hbm4b:s15+s3], $0xC000, $0x38;
	[tilespmem:$0x18100] =	vst v63  }
0x125: {  	_ =	swait.ge [sflag:s12], $0xC000  }
0x126: {  	[sflag:s12] =	ssyncset.done $0x0  }
0x127: {  	[sflag:s12] =	ssyncadd.s32 $0xFFFF4000  }
0x128: {  	v3 =	vld [tilespmem:$0x80];
	_ =	sdelay $0x4  }
0x129: {  	v60 =	vshrl.u32 v3, $0x3  }
0x12a: {  	v4 =	vmul.u32 $0x30, v60  }
0x12b: {  	v3 =	vand.u32 $0x7, v3  }
0x12c: {  	v3 =	vor.u32 v3, v4  }
0x12d: {  	v4 =	vperm.xlane v3, v0;
	_ =	sdelay $0x1  }
0x12e: {  	v4 =	vadd.s32 v1, v4;
	_ =	sdelay $0x3  }
0x12f: {  	v3 =	vperm.xlane v3, v2  }
0x130: {  	[hbm4b:s2+s3] =	stream.indirect_vreg.scatter [tilespmem:s21], [sflag:$0x2], $0x80, v4, vm0, $0xb8;
	[tilespmem:$0x18100] =	vst v63  }
0x131: {  	s28 =	simm.s32 $0xC900;
	v3 =	vadd.s32 v1, v3  }
0x132: {  	[hbm4b:s6+s3] =	stream.indirect_vreg.scatter [tilespmem:s28], [sflag:$0x2], $0x80, v4, vm0, $0xb8;
	[tilespmem:$0x18100] =	vst v63  }
0x133: {  	s28 =	simm.s32 $0xD100  }
0x134: {  	[hbm4b:s7+s3] =	stream.indirect_vreg.scatter [tilespmem:s28], [sflag:$0x2], $0x80, v4, vm0, $0xb8;
	[tilespmem:$0x18100] =	vst v63  }
0x135: {  	s28 =	simm.s32 $0xD900  }
0x136: {  	[hbm4b:s2+s3] =	stream.indirect_vreg.scatter [tilespmem:s28], [sflag:$0x2], $0x80, v3, vm0, $0xb8;
	[tilespmem:$0x18100] =	vst v63  }
0x137: {  	s28 =	simm.s32 $0xE100  }
0x138: {  	[hbm4b:s6+s3] =	stream.indirect_vreg.scatter [tilespmem:s28], [sflag:$0x2], $0x80, v3, vm0, $0xb8;
	[tilespmem:$0x18100] =	vst v63  }
0x139: {  	s28 =	simm.s32 $0xE900  }
0x13a: {  	[hbm4b:s7+s3] =	stream.indirect_vreg.scatter [tilespmem:s28], [sflag:$0x2], $0x80, v3, vm0, $0xb8;
	[tilespmem:$0x18100] =	vst v63  }
0x13b: {  	v3 =	vld [tilespmem:$0x90];
	_ =	sdelay $0x4  }
0x13c: {  	v61 =	vshrl.u32 v3, $0x3  }
0x13d: {  	v4 =	vmul.u32 $0x30, v61  }
0x13e: {  	v3 =	vand.u32 $0x7, v3  }
0x13f: {  	v3 =	vor.u32 v3, v4  }
0x140: {  	v4 =	vperm.xlane v3, v0;
	_ =	sdelay $0x1  }
0x141: {  	v4 =	vadd.s32 v1, v4;
	_ =	sdelay $0x3  }
0x142: {  	s28 =	simm.s32 $0xF100;
	v3 =	vperm.xlane v3, v2  }
0x143: {  	[hbm4b:s2+s3] =	stream.indirect_vreg.scatter [tilespmem:s28], [sflag:$0x2], $0x80, v4, vm0, $0xb8;
	[tilespmem:$0x18100] =	vst v63  }
0x144: {  	v3 =	vadd.s32 v1, v3;
	s28 =	simm.s32 $0xF900  }
0x145: {  	[hbm4b:s6+s3] =	stream.indirect_vreg.scatter [tilespmem:s28], [sflag:$0x2], $0x80, v4, vm0, $0xb8;
	[tilespmem:$0x18100] =	vst v63  }
0x146: {  	s28 =	simm.s32 $0x10100  }
0x147: {  	[hbm4b:s7+s3] =	stream.indirect_vreg.scatter [tilespmem:s28], [sflag:$0x2], $0x80, v4, vm0, $0xb8;
	[tilespmem:$0x18100] =	vst v63  }
0x148: {  	s28 =	simm.s32 $0x10900  }
0x149: {  	[hbm4b:s2+s3] =	stream.indirect_vreg.scatter [tilespmem:s28], [sflag:$0x2], $0x80, v3, vm0, $0xb8;
	[tilespmem:$0x18100] =	vst v63  }
0x14a: {  	s28 =	simm.s32 $0x11100  }
0x14b: {  	[hbm4b:s6+s3] =	stream.indirect_vreg.scatter [tilespmem:s28], [sflag:$0x2], $0x80, v3, vm0, $0xb8;
	[tilespmem:$0x18100] =	vst v63  }
0x14c: {  	s28 =	simm.s32 $0x11900  }
0x14d: {  	[hbm4b:s7+s3] =	stream.indirect_vreg.scatter [tilespmem:s28], [sflag:$0x2], $0x80, v3, vm0, $0xb8;
	[tilespmem:$0x18100] =	vst v63  }
0x14e: {  	v3 =	vld [tilespmem:$0xA0];
	_ =	sdelay $0x4  }
0x14f: {  	v62 =	vshrl.u32 v3, $0x3  }
0x150: {  	v4 =	vmul.u32 $0x30, v62  }
0x151: {  	v3 =	vand.u32 $0x7, v3  }
0x152: {  	v3 =	vor.u32 v3, v4  }
0x153: {  	v4 =	vperm.xlane v3, v0;
	_ =	sdelay $0x1  }
0x154: {  	v4 =	vadd.s32 v1, v4;
	_ =	sdelay $0x3  }
0x155: {  	s28 =	simm.s32 $0x12100;
	v3 =	vperm.xlane v3, v2  }
0x156: {  	[hbm4b:s2+s3] =	stream.indirect_vreg.scatter [tilespmem:s28], [sflag:$0x2], $0x80, v4, vm0, $0xb8;
	[tilespmem:$0x18100] =	vst v63  }
0x157: {  	v3 =	vadd.s32 v1, v3;
	s28 =	simm.s32 $0x12900  }
0x158: {  	[hbm4b:s6+s3] =	stream.indirect_vreg.scatter [tilespmem:s28], [sflag:$0x2], $0x80, v4, vm0, $0xb8;
	[tilespmem:$0x18100] =	vst v63  }
0x159: {  	s28 =	simm.s32 $0x13100  }
0x15a: {  	[hbm4b:s7+s3] =	stream.indirect_vreg.scatter [tilespmem:s28], [sflag:$0x2], $0x80, v4, vm0, $0xb8;
	[tilespmem:$0x18100] =	vst v63  }
0x15b: {  	s28 =	simm.s32 $0x13900  }
0x15c: {  	[hbm4b:s2+s3] =	stream.indirect_vreg.scatter [tilespmem:s28], [sflag:$0x2], $0x80, v3, vm0, $0xb8;
	[tilespmem:$0x18100] =	vst v63  }
0x15d: {  	s28 =	simm.s32 $0x14100  }
0x15e: {  	[hbm4b:s6+s3] =	stream.indirect_vreg.scatter [tilespmem:s28], [sflag:$0x2], $0x80, v3, vm0, $0xb8;
	[tilespmem:$0x18100] =	vst v63  }
0x15f: {  	s28 =	simm.s32 $0x14900  }
0x160: {  	[hbm4b:s7+s3] =	stream.indirect_vreg.scatter [tilespmem:s28], [sflag:$0x2], $0x80, v3, vm0, $0xb8;
	[tilespmem:$0x18100] =	vst v63  }
0x161: {  	v3 =	vld [tilespmem:$0xB0];
	_ =	sdelay $0x4  }
0x162: {  	v63 =	vshrl.u32 v3, $0x3  }
0x163: {  	v4 =	vmul.u32 $0x30, v63  }
0x164: {  	v3 =	vand.u32 $0x7, v3  }
0x165: {  	v3 =	vor.u32 v3, v4  }
0x166: {  	v4 =	vperm.xlane v3, v0;
	_ =	sdelay $0x1  }
0x167: {  	v4 =	vadd.s32 v1, v4;
	_ =	sdelay $0x3  }
0x168: {  	s28 =	simm.s32 $0x15100;
	v3 =	vperm.xlane v3, v2  }
0x169: {  	[hbm4b:s2+s3] =	stream.indirect_vreg.scatter [tilespmem:s28], [sflag:$0x2], $0x80, v4, vm0, $0xb8;
	[tilespmem:$0x18100] =	vst v63  }
0x16a: {  	v3 =	vadd.s32 v1, v3;
	s28 =	simm.s32 $0x15900  }
0x16b: {  	[hbm4b:s6+s3] =	stream.indirect_vreg.scatter [tilespmem:s28], [sflag:$0x2], $0x80, v4, vm0, $0xb8;
	[tilespmem:$0x18100] =	vst v63  }
0x16c: {  	_ = 	snop  }
0x16d: {  	[hbm4b:s7+s3] =	stream.indirect_vreg.scatter [tilespmem:s30], [sflag:$0x2], $0x80, v4, vm0, $0xb8;
	[tilespmem:$0x18100] =	vst v63  }
0x16e: {  	p0 =	sne.s32 s16, $0x60  }
0x16f: {  	[hbm4b:s2+s3] =	stream.indirect_vreg.scatter [tilespmem:s0], [sflag:$0x2], $0x80, v3, vm0, $0xb8;
	[tilespmem:$0x18100] =	vst v63  }
.Ltmp0:
0x170: {  	_ = 	snop;
	(pc) =	sbr.rel @p0 .LBB2_2-.Ltmp0, $4  }
0x171: {  	_ = 	snop  }
0x172: {  	[hbm4b:s6+s3] =	stream.indirect_vreg.scatter [tilespmem:s19], [sflag:$0x2], $0x80, v3, vm0, $0xb8;
	[tilespmem:$0x18100] =	vst v63  }
0x173: {  	s16 =	sadd.s32 $0x10, s16;
	s15 =	sadd.s32 $0x3000, s15  }
0x174: {  	[hbm4b:s7+s3] =	stream.indirect_vreg.scatter [tilespmem:s23], [sflag:$0x2], $0x80, v3, vm0, $0xb8;
	[tilespmem:$0x18100] =	vst v63  }
0x175: {  	_ =	swait.ge [sflag:s10], $0xC000  }
0x176: {  	s16 =	simm.s32 $0x1100;
	s17 =	simm.s32 $0x1900;
	[sflag:s10] =	ssyncset.done $0x0  }
0x177: {  	s19 =	simm.s32 $0x2100;
	s20 =	simm.s32 $0x2900;
	[sflag:s10] =	ssyncadd.s32 $0xFFFF4000  }
0x178: {  	s21 =	simm.s32 $0x3100;
	s22 =	simm.s32 $0x3900;
	_ =	swait.ge [sflag:s14], $0xC000  }
0x179: {  	s23 =	simm.s32 $0x4100;
	s24 =	simm.s32 $0x4900;
	s0 =	rddreg [dreg:$0xb]  }
0x17a: {  	s25 =	simm.s32 $0x5100;
	s15 =	rddreg [dreg:$0x9];
	s0 =	sadd.s32 $0x1, s0  }
0x17b: {  	s26 =	simm.s32 $0x5900;
	s28 =	simm.s32 $0x6100;
	p0 =	sne.s32 s0, s15  }
.Ltmp1:
0x17c: {  	s29 =	simm.s32 $0x6900;
	s1 =	simm.s32 $0x7900;
	(pc) =	sbr.rel @p0 .LBB2_1-.Ltmp1, $4  }
0x17d: {  	s4 =	simm.s32 $0x8100;
	s5 =	simm.s32 $0x8900;
	s8 =	simm.s32 $0x9100  }
0x17e: {  	s9 =	simm.s32 $0x9900;
	s13 =	simm.s32 $0xA100;
	s11 =	simm.s32 $0x100  }
0x17f: {  	s30 =	simm.s32 $0xC100;
	s31 =	simm.s32 $0xA900;
	[sflag:s14] =	ssyncset.done $0x0  }
0x180: {  	[sflag:s14] =	ssyncadd.s32 $0xFFFF4000;
	[dreg:$0xb] =	wrdreg s0;
	s0 =	simm.s32 $0x7100  }
0x181: {  	_ =	sfence.sel $0x180000  }
0x182: {  	[bflag:$0x0] =	sbarrier.arrive $0xFFFF  }
0x183: {  	_ =	strace $0x90000047  }
0x184: {  	s0 =	stileid.u32;
	[bflag:$0x2] =	sbarrier.arrive $0xFFFF  }
0x185: {  	p0 =	sne.s32 s0, $0x0;
	s0 =	rddreg [dreg:$0x3]  }
0x186: {  	s0 =	sadd.s32 @!p0 $0x100000, s0  }
0x187: {  	[sflag:s0] =	ssyncadd.tile.s32 @!p0 $0x1;
	_ =	shalt  }
.Lfunc_end2:
_tile_overlayer_lowered:
.L_overlay_start_2:
0x188: {  	(tag) =	ssettag $0x2  }
0x189: {  	s0 =	rddreg [dreg:$0x0];
	s2 =	stileid.u32  }
0x18a: {  	s1 =	rddreg [dreg:$0x1];
	p0 =	sne.s32 s2, $0x0  }
0x18b: {  	s3 =	rddreg [dreg:$0x2];
	[bflag:$0x3] =	sbarrier.arrive $0xFFFF;
	s2 =	simm.s32 @!p0 $0x1C03  }
0x18c: {  	[timem:s3], [sflag:s2] =	dma.local @!p0 [hbm:s0], s1  }
0x18d: {  	s0 =	simm.s32 @!p0 $0x3  }
0x18e: {  	_ =	swait.ge @!p0 [sflag:s0], s1  }
0x18f: {  	s1 =	ssub.s32 @!p0 $0x0, s1;
	[sflag:s0] =	ssyncset.done @!p0 $0x0  }
0x190: {  	[sflag:s0] =	ssyncadd.s32 @!p0 s1  }
0x191: {  	[bflag:$0x3] =	sbarrier.arrive $0xFFFF  }
0x192: {  	_ =	shalt  }

</sc_bundles>
